<compile_context>
chip_gen: v7x
topology: tpu7x:2x2x1
jax: 0.10.2.dev20260603
libtpu: 0.0.44.dev20260713+nightly
codegen_flags: <defaults>
</compile_context>

<pallas_src>
import functools

import jax
import jax.numpy as jnp
from jax import lax
from jax.experimental import pallas as pl
from jax.experimental.pallas import tpu as pltpu
from jax.experimental.pallas import tpu_sc as plsc

PAD_ID = 0
DIM = 64
LANES = 16
BLK = 128
NBUF = 4
DIST = 3
NUM_CORES = 2
NUM_SUBCORES = 16
NUM_WORKERS = NUM_CORES * NUM_SUBCORES


@jax.jit
def _sc_embedding_lookup(idx_t, table):
    t_len, b_len = idx_t.shape
    assert b_len == NUM_WORKERS * BLK and t_len % NBUF == 0
    mesh = plsc.VectorSubcoreMesh(
        core_axis_name="c", subcore_axis_name="s",
        num_cores=NUM_CORES, num_subcores=NUM_SUBCORES,
    )

    @functools.partial(
        pl.kernel,
        out_type=jax.ShapeDtypeStruct(
            (t_len, DIM // 8, NUM_WORKERS, 8, BLK), jnp.float32
        ),
        mesh=mesh,
        scratch_types=[
            pltpu.VMEM((t_len, BLK), jnp.int32),
            pltpu.VMEM((NBUF, BLK, DIM), jnp.float32),
            pltpu.VMEM((NBUF, DIM // 8, 8, BLK), jnp.float32),
            [pltpu.SemaphoreType.DMA] * NBUF,
            [pltpu.SemaphoreType.DMA] * NBUF,
        ],
        compiler_params=pltpu.CompilerParams(
            needs_layout_passes=False, use_tc_tiling_on_sc=False
        ),
    )
    def body(idx_hbm, table_hbm, out_hbm, idx_v, rows_v, tile_v, gsems, ssems):
        wid = lax.axis_index("s") * NUM_CORES + lax.axis_index("c")
        pltpu.sync_copy(idx_hbm.at[:, pl.ds(wid * BLK, BLK)], idx_v)

        def gather(t, b):
            return pltpu.make_async_copy(
                table_hbm.at[idx_v.at[t]], rows_v.at[b], gsems[b]
            )

        def store(t, b):
            return pltpu.make_async_copy(
                tile_v.at[b], out_hbm.at[t, :, wid], ssems[b]
            )

        for t in range(DIST):
            gather(t, t).start()
        iota16 = jnp.arange(LANES, dtype=jnp.int32)

        def step(t, b):
            gather(t, b).wait()

            @pl.when(t + DIST < t_len)
            def _prefetch():
                gather(t + DIST, (b + DIST) % NBUF).start()

            @pl.when(t - NBUF >= 0)
            def _drain():
                store(t - NBUF, b).wait()

            n_grp = BLK // LANES
            rows = [g * LANES + iota16 for g in range(n_grp)]
            pads = [
                idx_v[t, pl.ds(g * LANES, LANES)] == PAD_ID
                for g in range(n_grp)
            ]
            def col_body(j, carry, _b=b):
                for u in range(2):
                    c = 2 * j + u
                    cvec = (iota16 + c) & (DIM - 1)
                    chi = cvec >> 3
                    clo = cvec & 7
                    vals = [
                        plsc.load_gather(rows_v.at[_b], [rows[g], cvec])
                        for g in range(n_grp)
                    ]
                    for g in range(n_grp):
                        plsc.store_scatter(
                            tile_v.at[_b],
                            [chi, clo, rows[g]],
                            jnp.where(pads[g], 0.0, vals[g]),
                        )
                return carry

            lax.fori_loop(0, DIM // 2, col_body, 0)

            store(t, b).start()

        def outer(j, carry):
            for k in range(NBUF):
                step(NBUF * j + k, k)
            return carry

        lax.fori_loop(0, t_len // NBUF, outer, 0)
        for t in range(t_len - NBUF, t_len):
            store(t, t % NBUF).wait()

    return body(idx_t, table)


def kernel(token_indices, table):
    b, t = token_indices.shape
    idx_t = token_indices.astype(jnp.int32).T
    o = _sc_embedding_lookup(idx_t, table)
    return o.transpose(2, 4, 0, 1, 3).reshape(b, t, table.shape[1])

# --- scband reference (transcript-rebuilt; emitter-appended) ---
"""Pipeline reference for scband-albert-token-embedding-39719857553419 (READ-ONLY COPY).

The authoritative reference and input builder live on the scoring server;
editing this copy changes nothing except your own understanding.
"""

import jax, jax.numpy as jnp
import numpy as np

PAD_ID = 0
VOCAB = 1000000
DIM = 64

def setup_inputs(seed: int = 0) -> dict:
    key = jax.random.key(seed)
    k1, k2 = jax.random.split(key)
    token_indices = jax.random.randint(k1, (4096, 200), 0, VOCAB)
    table = jax.random.normal(k2, (VOCAB, DIM), dtype=jnp.float32)
    return {"token_indices": token_indices, "table": table}

def reference(token_indices, table):
    # Zero the pad-token row (matches the in-place fill_(0.0) done each forward),
    # then gather embedding vectors for each token index.
    table = table.at[PAD_ID].set(0.0)
    return jnp.take(table, token_indices, axis=0)

if __name__ == "__main__":
    import jax
    _d = setup_inputs()
    print(jax.jit(kernel)(*tuple(_d.values())))

</pallas_src>

<mosaic_0001>
#map = affine_map<(d0, d1) -> (0, 0)>
#map1 = affine_map<(d0, d1) -> (0, 0, 0, 0, 0)>
module attributes {stable_mosaic.version = 14 : i64} {
  func.func @body(%arg0: i32, %arg1: i32, %arg2: memref<200x4096xi32, #tpu.memory_space<hbm>>, %arg3: memref<1000000x64xf32, #tpu.memory_space<hbm>>, %arg4: memref<200x8x32x8x128xf32, #tpu.memory_space<hbm>>, %arg5: memref<200x128xi32, #tpu.memory_space<vmem>>, %arg6: memref<4x128x64xf32, #tpu.memory_space<vmem>>, %arg7: memref<4x8x8x128xf32, #tpu.memory_space<vmem>>, %arg8: memref<!tpu.dma_semaphore, #tpu.memory_space<semaphore_mem>>, %arg9: memref<!tpu.dma_semaphore, #tpu.memory_space<semaphore_mem>>, %arg10: memref<!tpu.dma_semaphore, #tpu.memory_space<semaphore_mem>>, %arg11: memref<!tpu.dma_semaphore, #tpu.memory_space<semaphore_mem>>, %arg12: memref<!tpu.dma_semaphore, #tpu.memory_space<semaphore_mem>>, %arg13: memref<!tpu.dma_semaphore, #tpu.memory_space<semaphore_mem>>, %arg14: memref<!tpu.dma_semaphore, #tpu.memory_space<semaphore_mem>>, %arg15: memref<!tpu.dma_semaphore, #tpu.memory_space<semaphore_mem>>) attributes {dimension_semantics = [#tpu.dimension_semantics<core_parallel>, #tpu.dimension_semantics<subcore_parallel>], iteration_bounds = array<i64: 2, 16>, scalar_prefetch = 0 : i64, scratch_operands = 11 : i64, tpu.core_type = #tpu.core_type<sc_vector_subcore>, window_params = [{transform_indices = #map}, {transform_indices = #map}, {transform_indices = #map1}]} {
    %mul3A = arith.constant 2 : i32
    %mul3A_0 = arith.muli %arg1, %mul3A : i32
    %add3A = arith.addi %mul3A_0, %arg0 : i32
    %mul3A_1 = arith.constant 128 : i32
    %mul3A_2 = arith.muli %add3A, %mul3A_1 : i32
    "tpu.region"() ({
      %run_scoped3A = tpu.sem_alloc : memref<!tpu.dma_semaphore, #tpu.memory_space<semaphore_mem>>
      %dma_start3A_130 = arith.constant 0 : i32
      %dma_start3A_131 = tpu.memref_slice %arg2[%dma_start3A_130, %mul3A_2] : memref<200x4096xi32, #tpu.memory_space<hbm>> -> memref<200x128xi32, #tpu.memory_space<hbm>>
      %dma_start3A_132 = arith.constant 0 : i32
      %dma_start3A_133 = tpu.memref_slice %arg2[%dma_start3A_132, %mul3A_2] : memref<200x4096xi32, #tpu.memory_space<hbm>> -> memref<200x128xi32, #tpu.memory_space<hbm>>
      tpu.enqueue_dma source(%dma_start3A_133 : memref<200x128xi32, #tpu.memory_space<hbm>>) target(%arg5 : memref<200x128xi32, #tpu.memory_space<vmem>>) target_semaphore(%run_scoped3A : memref<!tpu.dma_semaphore, #tpu.memory_space<semaphore_mem>>)
      %dma_wait3A_134 = arith.constant 0 : i32
      %dma_wait3A_135 = tpu.memref_slice %arg2[%dma_wait3A_134, %mul3A_2] : memref<200x4096xi32, #tpu.memory_space<hbm>> -> memref<200x128xi32, #tpu.memory_space<hbm>>
      %dma_wait3A_136 = arith.constant 0 : i32
      %dma_wait3A_137 = tpu.memref_slice %arg2[%dma_wait3A_136, %mul3A_2] : memref<200x4096xi32, #tpu.memory_space<hbm>> -> memref<200x128xi32, #tpu.memory_space<hbm>>
      tpu.wait_dma2 semaphore(%run_scoped3A : memref<!tpu.dma_semaphore, #tpu.memory_space<semaphore_mem>>) src(%dma_wait3A_137 : memref<200x128xi32, #tpu.memory_space<hbm>>) dst(%arg5 : memref<200x128xi32, #tpu.memory_space<vmem>>)
      tpu.yield
    }) : () -> ()
    %dma_start3A = arith.constant 0 : i32
    %dma_start3A_3 = arith.constant 0 : i32
    %dma_start3A_4 = arith.constant 0 : i32
    %dma_start3A_5 = arith.constant 0 : i32
    %dma_start3A_6 = tpu.memref_slice %arg6[%dma_start3A_3, %dma_start3A_4, %dma_start3A_5] : memref<4x128x64xf32, #tpu.memory_space<vmem>> -> memref<1x128x64xf32, #tpu.memory_space<vmem>>
    %dma_start3A_7 = tpu.memref_squeeze %dma_start3A_6 : memref<1x128x64xf32, #tpu.memory_space<vmem>> -> memref<128x64xf32, #tpu.memory_space<vmem>>
    %dma_start3A_8 = arith.constant 0 : i32
    %dma_start3A_9 = tpu.memref_slice %arg5[%dma_start3A, %dma_start3A_8] : memref<200x128xi32, #tpu.memory_space<vmem>> -> memref<1x128xi32, #tpu.memory_space<vmem>>
    %dma_start3A_10 = tpu.memref_squeeze %dma_start3A_9 : memref<1x128xi32, #tpu.memory_space<vmem>> -> memref<128xi32, #tpu.memory_space<vmem>>
    %dma_start3A_11 = arith.constant 0 : i32
    %dma_start3A_12 = arith.constant 0 : i32
    %dma_start3A_13 = tpu.memref_slice %arg3[%dma_start3A_11, %dma_start3A_12] : memref<1000000x64xf32, #tpu.memory_space<hbm>> -> memref<1000000x64xf32, #tpu.memory_space<hbm>>
    tpu.enqueue_indirect_dma source(%dma_start3A_13 : memref<1000000x64xf32, #tpu.memory_space<hbm>>) target(%dma_start3A_7 : memref<128x64xf32, #tpu.memory_space<vmem>>) offsets(%dma_start3A_10 : memref<128xi32, #tpu.memory_space<vmem>>) semaphore(%arg8 : memref<!tpu.dma_semaphore, #tpu.memory_space<semaphore_mem>>)
    %dma_start3A_14 = arith.constant 1 : i32
    %dma_start3A_15 = arith.constant 1 : i32
    %dma_start3A_16 = arith.constant 0 : i32
    %dma_start3A_17 = arith.constant 0 : i32
    %dma_start3A_18 = tpu.memref_slice %arg6[%dma_start3A_15, %dma_start3A_16, %dma_start3A_17] : memref<4x128x64xf32, #tpu.memory_space<vmem>> -> memref<1x128x64xf32, #tpu.memory_space<vmem>>
    %dma_start3A_19 = tpu.memref_squeeze %dma_start3A_18 : memref<1x128x64xf32, #tpu.memory_space<vmem>> -> memref<128x64xf32, #tpu.memory_space<vmem>>
    %dma_start3A_20 = arith.constant 0 : i32
    %dma_start3A_21 = tpu.memref_slice %arg5[%dma_start3A_14, %dma_start3A_20] : memref<200x128xi32, #tpu.memory_space<vmem>> -> memref<1x128xi32, #tpu.memory_space<vmem>>
    %dma_start3A_22 = tpu.memref_squeeze %dma_start3A_21 : memref<1x128xi32, #tpu.memory_space<vmem>> -> memref<128xi32, #tpu.memory_space<vmem>>
    %dma_start3A_23 = arith.constant 0 : i32
    %dma_start3A_24 = arith.constant 0 : i32
    %dma_start3A_25 = tpu.memref_slice %arg3[%dma_start3A_23, %dma_start3A_24] : memref<1000000x64xf32, #tpu.memory_space<hbm>> -> memref<1000000x64xf32, #tpu.memory_space<hbm>>
    tpu.enqueue_indirect_dma source(%dma_start3A_25 : memref<1000000x64xf32, #tpu.memory_space<hbm>>) target(%dma_start3A_19 : memref<128x64xf32, #tpu.memory_space<vmem>>) offsets(%dma_start3A_22 : memref<128xi32, #tpu.memory_space<vmem>>) semaphore(%arg9 : memref<!tpu.dma_semaphore, #tpu.memory_space<semaphore_mem>>)
    %dma_start3A_26 = arith.constant 2 : i32
    %dma_start3A_27 = arith.constant 2 : i32
    %dma_start3A_28 = arith.constant 0 : i32
    %dma_start3A_29 = arith.constant 0 : i32
    %dma_start3A_30 = tpu.memref_slice %arg6[%dma_start3A_27, %dma_start3A_28, %dma_start3A_29] : memref<4x128x64xf32, #tpu.memory_space<vmem>> -> memref<1x128x64xf32, #tpu.memory_space<vmem>>
    %dma_start3A_31 = tpu.memref_squeeze %dma_start3A_30 : memref<1x128x64xf32, #tpu.memory_space<vmem>> -> memref<128x64xf32, #tpu.memory_space<vmem>>
    %dma_start3A_32 = arith.constant 0 : i32
    %dma_start3A_33 = tpu.memref_slice %arg5[%dma_start3A_26, %dma_start3A_32] : memref<200x128xi32, #tpu.memory_space<vmem>> -> memref<1x128xi32, #tpu.memory_space<vmem>>
    %dma_start3A_34 = tpu.memref_squeeze %dma_start3A_33 : memref<1x128xi32, #tpu.memory_space<vmem>> -> memref<128xi32, #tpu.memory_space<vmem>>
    %dma_start3A_35 = arith.constant 0 : i32
    %dma_start3A_36 = arith.constant 0 : i32
    %dma_start3A_37 = tpu.memref_slice %arg3[%dma_start3A_35, %dma_start3A_36] : memref<1000000x64xf32, #tpu.memory_space<hbm>> -> memref<1000000x64xf32, #tpu.memory_space<hbm>>
    tpu.enqueue_indirect_dma source(%dma_start3A_37 : memref<1000000x64xf32, #tpu.memory_space<hbm>>) target(%dma_start3A_31 : memref<128x64xf32, #tpu.memory_space<vmem>>) offsets(%dma_start3A_34 : memref<128xi32, #tpu.memory_space<vmem>>) semaphore(%arg10 : memref<!tpu.dma_semaphore, #tpu.memory_space<semaphore_mem>>)
    %iota3A = tpu.iota {dimensions = array<i32: 0>} : vector<16xi32>
    %scan3A = arith.constant 0 : i32
    %scan3A_38 = arith.constant 0 : i32
    %scan3A_39 = arith.constant 50 : i32
    %scan3A_40 = arith.addi %scan3A_38, %scan3A_39 : i32
    %scan3A_41 = arith.constant 1 : i32
    scf.for %scan3A_130 = %scan3A_38 to %scan3A_40 step %scan3A_41  : i32 {
      %mul3A_131 = arith.constant 4 : i32
      %mul3A_132 = arith.muli %mul3A_131, %scan3A_130 : i32
      %add3A_133 = arith.constant 0 : i32
      %add3A_134 = arith.addi %mul3A_132, %add3A_133 : i32
      %dma_wait3A_135 = arith.constant 0 : i32
      %dma_wait3A_136 = arith.constant 0 : i32
      %dma_wait3A_137 = arith.constant 0 : i32
      %dma_wait3A_138 = tpu.memref_slice %arg6[%dma_wait3A_135, %dma_wait3A_136, %dma_wait3A_137] : memref<4x128x64xf32, #tpu.memory_space<vmem>> -> memref<1x128x64xf32, #tpu.memory_space<vmem>>
      %dma_wait3A_139 = tpu.memref_squeeze %dma_wait3A_138 : memref<1x128x64xf32, #tpu.memory_space<vmem>> -> memref<128x64xf32, #tpu.memory_space<vmem>>
      %dma_wait3A_140 = arith.constant 0 : i32
      %dma_wait3A_141 = tpu.memref_slice %arg5[%add3A_134, %dma_wait3A_140] : memref<200x128xi32, #tpu.memory_space<vmem>> -> memref<1x128xi32, #tpu.memory_space<vmem>>
      %dma_wait3A_142 = tpu.memref_squeeze %dma_wait3A_141 : memref<1x128xi32, #tpu.memory_space<vmem>> -> memref<128xi32, #tpu.memory_space<vmem>>
      %dma_wait3A_143 = arith.constant 0 : i32
      %dma_wait3A_144 = arith.constant 0 : i32
      %dma_wait3A_145 = tpu.memref_slice %arg3[%dma_wait3A_143, %dma_wait3A_144] : memref<1000000x64xf32, #tpu.memory_space<hbm>> -> memref<1000000x64xf32, #tpu.memory_space<hbm>>
      tpu.wait_indirect_dma semaphore(%arg8 : memref<!tpu.dma_semaphore, #tpu.memory_space<semaphore_mem>>) src(%dma_wait3A_145 : memref<1000000x64xf32, #tpu.memory_space<hbm>>) dst(%dma_wait3A_139 : memref<128x64xf32, #tpu.memory_space<vmem>>)
      %add3A_146 = arith.constant 3 : i32
      %add3A_147 = arith.addi %add3A_134, %add3A_146 : i32
      %lt3A = arith.constant 200 : i32
      %lt3A_148 = arith.cmpi slt, %add3A_147, %lt3A : i32
      %convert_element_type3A = arith.extui %lt3A_148 : i1 to i32
      %cond3A = arith.constant 0 : i32
      %cond3A_149 = arith.cmpi ne, %convert_element_type3A, %cond3A : i32
      scf.if %cond3A_149 {
        %add3A_636 = arith.constant 3 : i32
        %add3A_637 = arith.addi %add3A_134, %add3A_636 : i32
        %dma_start3A_638 = arith.constant 3 : i32
        %dma_start3A_639 = arith.constant 0 : i32
        %dma_start3A_640 = arith.constant 0 : i32
        %dma_start3A_641 = tpu.memref_slice %arg6[%dma_start3A_638, %dma_start3A_639, %dma_start3A_640] : memref<4x128x64xf32, #tpu.memory_space<vmem>> -> memref<1x128x64xf32, #tpu.memory_space<vmem>>
        %dma_start3A_642 = tpu.memref_squeeze %dma_start3A_641 : memref<1x128x64xf32, #tpu.memory_space<vmem>> -> memref<128x64xf32, #tpu.memory_space<vmem>>
        %dma_start3A_643 = arith.constant 0 : i32
        %dma_start3A_644 = tpu.memref_slice %arg5[%add3A_637, %dma_start3A_643] : memref<200x128xi32, #tpu.memory_space<vmem>> -> memref<1x128xi32, #tpu.memory_space<vmem>>
        %dma_start3A_645 = tpu.memref_squeeze %dma_start3A_644 : memref<1x128xi32, #tpu.memory_space<vmem>> -> memref<128xi32, #tpu.memory_space<vmem>>
        %dma_start3A_646 = arith.constant 0 : i32
        %dma_start3A_647 = arith.constant 0 : i32
        %dma_start3A_648 = tpu.memref_slice %arg3[%dma_start3A_646, %dma_start3A_647] : memref<1000000x64xf32, #tpu.memory_space<hbm>> -> memref<1000000x64xf32, #tpu.memory_space<hbm>>
        tpu.enqueue_indirect_dma source(%dma_start3A_648 : memref<1000000x64xf32, #tpu.memory_space<hbm>>) target(%dma_start3A_642 : memref<128x64xf32, #tpu.memory_space<vmem>>) offsets(%dma_start3A_645 : memref<128xi32, #tpu.memory_space<vmem>>) semaphore(%arg11 : memref<!tpu.dma_semaphore, #tpu.memory_space<semaphore_mem>>)
      } else {
      }
      %sub3A = arith.constant 4 : i32
      %sub3A_150 = arith.subi %add3A_134, %sub3A : i32
      %ge3A = arith.constant 0 : i32
      %ge3A_151 = arith.cmpi sge, %sub3A_150, %ge3A : i32
      %convert_element_type3A_152 = arith.extui %ge3A_151 : i1 to i32
      %cond3A_153 = arith.constant 0 : i32
      %cond3A_154 = arith.cmpi ne, %convert_element_type3A_152, %cond3A_153 : i32
      scf.if %cond3A_154 {
        %sub3A_636 = arith.constant 4 : i32
        %sub3A_637 = arith.subi %add3A_134, %sub3A_636 : i32
        %dma_wait3A_638 = arith.constant 0 : i32
        %dma_wait3A_639 = arith.constant 0 : i32
        %dma_wait3A_640 = arith.constant 0 : i32
        %dma_wait3A_641 = arith.constant 0 : i32
        %dma_wait3A_642 = tpu.memref_slice %arg7[%dma_wait3A_638, %dma_wait3A_639, %dma_wait3A_640, %dma_wait3A_641] : memref<4x8x8x128xf32, #tpu.memory_space<vmem>> -> memref<1x8x8x128xf32, #tpu.memory_space<vmem>>
        %dma_wait3A_643 = tpu.memref_squeeze %dma_wait3A_642 : memref<1x8x8x128xf32, #tpu.memory_space<vmem>> -> memref<8x8x128xf32, #tpu.memory_space<vmem>>
        %dma_wait3A_644 = arith.constant 0 : i32
        %dma_wait3A_645 = arith.constant 0 : i32
        %dma_wait3A_646 = arith.constant 0 : i32
        %dma_wait3A_647 = tpu.memref_slice %arg4[%sub3A_637, %dma_wait3A_644, %add3A, %dma_wait3A_645, %dma_wait3A_646] : memref<200x8x32x8x128xf32, #tpu.memory_space<hbm>> -> memref<1x8x1x8x128xf32, #tpu.memory_space<hbm>>
        %dma_wait3A_648 = tpu.memref_squeeze %dma_wait3A_647 : memref<1x8x1x8x128xf32, #tpu.memory_space<hbm>> -> memref<8x8x128xf32, #tpu.memory_space<hbm>>
        %dma_wait3A_649 = arith.constant 0 : i32
        %dma_wait3A_650 = arith.constant 0 : i32
        %dma_wait3A_651 = arith.constant 0 : i32
        %dma_wait3A_652 = tpu.memref_slice %arg4[%sub3A_637, %dma_wait3A_649, %add3A, %dma_wait3A_650, %dma_wait3A_651] : memref<200x8x32x8x128xf32, #tpu.memory_space<hbm>> -> memref<1x8x1x8x128xf32, #tpu.memory_space<hbm>>
        %dma_wait3A_653 = tpu.memref_squeeze %dma_wait3A_652 : memref<1x8x1x8x128xf32, #tpu.memory_space<hbm>> -> memref<8x8x128xf32, #tpu.memory_space<hbm>>
        %dma_wait3A_654 = arith.constant 0 : i32
        %dma_wait3A_655 = arith.constant 0 : i32
        %dma_wait3A_656 = arith.constant 0 : i32
        %dma_wait3A_657 = tpu.memref_slice %arg7[%dma_wait3A_638, %dma_wait3A_654, %dma_wait3A_655, %dma_wait3A_656] : memref<4x8x8x128xf32, #tpu.memory_space<vmem>> -> memref<1x8x8x128xf32, #tpu.memory_space<vmem>>
        %dma_wait3A_658 = tpu.memref_squeeze %dma_wait3A_657 : memref<1x8x8x128xf32, #tpu.memory_space<vmem>> -> memref<8x8x128xf32, #tpu.memory_space<vmem>>
        tpu.wait_dma2 semaphore(%arg12 : memref<!tpu.dma_semaphore, #tpu.memory_space<semaphore_mem>>) src(%dma_wait3A_658 : memref<8x8x128xf32, #tpu.memory_space<vmem>>) dst(%dma_wait3A_653 : memref<8x8x128xf32, #tpu.memory_space<hbm>>)
      } else {
      }
      %add3A_155 = arith.constant 0 : i32
      %add3A_156 = vector.broadcast %add3A_155 : i32 to vector<16xi32>
      %add3A_157 = arith.addi %add3A_156, %iota3A : vector<16xi32>
      %add3A_158 = arith.constant 16 : i32
      %add3A_159 = vector.broadcast %add3A_158 : i32 to vector<16xi32>
      %add3A_160 = arith.addi %add3A_159, %iota3A : vector<16xi32>
      %add3A_161 = arith.constant 32 : i32
      %add3A_162 = vector.broadcast %add3A_161 : i32 to vector<16xi32>
      %add3A_163 = arith.addi %add3A_162, %iota3A : vector<16xi32>
      %add3A_164 = arith.constant 48 : i32
      %add3A_165 = vector.broadcast %add3A_164 : i32 to vector<16xi32>
      %add3A_166 = arith.addi %add3A_165, %iota3A : vector<16xi32>
      %add3A_167 = arith.constant 64 : i32
      %add3A_168 = vector.broadcast %add3A_167 : i32 to vector<16xi32>
      %add3A_169 = arith.addi %add3A_168, %iota3A : vector<16xi32>
      %add3A_170 = arith.constant 80 : i32
      %add3A_171 = vector.broadcast %add3A_170 : i32 to vector<16xi32>
      %add3A_172 = arith.addi %add3A_171, %iota3A : vector<16xi32>
      %add3A_173 = arith.constant 96 : i32
      %add3A_174 = vector.broadcast %add3A_173 : i32 to vector<16xi32>
      %add3A_175 = arith.addi %add3A_174, %iota3A : vector<16xi32>
      %add3A_176 = arith.constant 112 : i32
      %add3A_177 = vector.broadcast %add3A_176 : i32 to vector<16xi32>
      %add3A_178 = arith.addi %add3A_177, %iota3A : vector<16xi32>
      %get3A = arith.index_cast %add3A_134 : i32 to index
      %get3A_179 = arith.constant 0 : index
      %get3A_180 = tpu.vector_load %arg5[%get3A, %get3A_179] {strides = array<i32>} : memref<200x128xi32, #tpu.memory_space<vmem>>, vector<16xi32>,
      %eq3A = arith.constant 0 : i32
      %eq3A_181 = vector.broadcast %eq3A : i32 to vector<16xi32>
      %eq3A_182 = arith.cmpi eq, %get3A_180, %eq3A_181 : vector<16xi32>
      %get3A_183 = arith.index_cast %add3A_134 : i32 to index
      %get3A_184 = arith.constant 16 : index
      %get3A_185 = tpu.vector_load %arg5[%get3A_183, %get3A_184] {strides = array<i32>} : memref<200x128xi32, #tpu.memory_space<vmem>>, vector<16xi32>,
      %eq3A_186 = arith.constant 0 : i32
      %eq3A_187 = vector.broadcast %eq3A_186 : i32 to vector<16xi32>
      %eq3A_188 = arith.cmpi eq, %get3A_185, %eq3A_187 : vector<16xi32>
      %get3A_189 = arith.index_cast %add3A_134 : i32 to index
      %get3A_190 = arith.constant 32 : index
      %get3A_191 = tpu.vector_load %arg5[%get3A_189, %get3A_190] {strides = array<i32>} : memref<200x128xi32, #tpu.memory_space<vmem>>, vector<16xi32>,
      %eq3A_192 = arith.constant 0 : i32
      %eq3A_193 = vector.broadcast %eq3A_192 : i32 to vector<16xi32>
      %eq3A_194 = arith.cmpi eq, %get3A_191, %eq3A_193 : vector<16xi32>
      %get3A_195 = arith.index_cast %add3A_134 : i32 to index
      %get3A_196 = arith.constant 48 : index
      %get3A_197 = tpu.vector_load %arg5[%get3A_195, %get3A_196] {strides = array<i32>} : memref<200x128xi32, #tpu.memory_space<vmem>>, vector<16xi32>,
      %eq3A_198 = arith.constant 0 : i32
      %eq3A_199 = vector.broadcast %eq3A_198 : i32 to vector<16xi32>
      %eq3A_200 = arith.cmpi eq, %get3A_197, %eq3A_199 : vector<16xi32>
      %get3A_201 = arith.index_cast %add3A_134 : i32 to index
      %get3A_202 = arith.constant 64 : index
      %get3A_203 = tpu.vector_load %arg5[%get3A_201, %get3A_202] {strides = array<i32>} : memref<200x128xi32, #tpu.memory_space<vmem>>, vector<16xi32>,
      %eq3A_204 = arith.constant 0 : i32
      %eq3A_205 = vector.broadcast %eq3A_204 : i32 to vector<16xi32>
      %eq3A_206 = arith.cmpi eq, %get3A_203, %eq3A_205 : vector<16xi32>
      %get3A_207 = arith.index_cast %add3A_134 : i32 to index
      %get3A_208 = arith.constant 80 : index
      %get3A_209 = tpu.vector_load %arg5[%get3A_207, %get3A_208] {strides = array<i32>} : memref<200x128xi32, #tpu.memory_space<vmem>>, vector<16xi32>,
      %eq3A_210 = arith.constant 0 : i32
      %eq3A_211 = vector.broadcast %eq3A_210 : i32 to vector<16xi32>
      %eq3A_212 = arith.cmpi eq, %get3A_209, %eq3A_211 : vector<16xi32>
      %get3A_213 = arith.index_cast %add3A_134 : i32 to index
      %get3A_214 = arith.constant 96 : index
      %get3A_215 = tpu.vector_load %arg5[%get3A_213, %get3A_214] {strides = array<i32>} : memref<200x128xi32, #tpu.memory_space<vmem>>, vector<16xi32>,
      %eq3A_216 = arith.constant 0 : i32
      %eq3A_217 = vector.broadcast %eq3A_216 : i32 to vector<16xi32>
      %eq3A_218 = arith.cmpi eq, %get3A_215, %eq3A_217 : vector<16xi32>
      %get3A_219 = arith.index_cast %add3A_134 : i32 to index
      %get3A_220 = arith.constant 112 : index
      %get3A_221 = tpu.vector_load %arg5[%get3A_219, %get3A_220] {strides = array<i32>} : memref<200x128xi32, #tpu.memory_space<vmem>>, vector<16xi32>,
      %eq3A_222 = arith.constant 0 : i32
      %eq3A_223 = vector.broadcast %eq3A_222 : i32 to vector<16xi32>
      %eq3A_224 = arith.cmpi eq, %get3A_221, %eq3A_223 : vector<16xi32>
      %scan3A_225 = arith.constant 0 : i32
      %scan3A_226 = arith.constant 0 : i32
      %scan3A_227 = arith.constant 32 : i32
      %scan3A_228 = arith.addi %scan3A_226, %scan3A_227 : i32
      %scan3A_229 = arith.constant 1 : i32
      scf.for %scan3A_636 = %scan3A_226 to %scan3A_228 step %scan3A_229  : i32 {
        %mul3A_637 = arith.constant 2 : i32
        %mul3A_638 = arith.muli %mul3A_637, %scan3A_636 : i32
        %add3A_639 = arith.constant 0 : i32
        %add3A_640 = arith.addi %mul3A_638, %add3A_639 : i32
        %add3A_641 = vector.broadcast %add3A_640 : i32 to vector<16xi32>
        %add3A_642 = arith.addi %iota3A, %add3A_641 : vector<16xi32>
        %and3A = arith.constant 63 : i32
        %and3A_643 = vector.broadcast %and3A : i32 to vector<16xi32>
        %and3A_644 = arith.andi %add3A_642, %and3A_643 : vector<16xi32>
        %shift_right_arithmetic3A = arith.constant 3 : i32
        %shift_right_arithmetic3A_645 = vector.broadcast %shift_right_arithmetic3A : i32 to vector<16xi32>
        %shift_right_arithmetic3A_646 = arith.shrsi %and3A_644, %shift_right_arithmetic3A_645 : vector<16xi32>
        %and3A_647 = arith.constant 7 : i32
        %and3A_648 = vector.broadcast %and3A_647 : i32 to vector<16xi32>
        %and3A_649 = arith.andi %and3A_644, %and3A_648 : vector<16xi32>
        %gather3A = arith.constant 0 : i32
        %gather3A_650 = arith.constant 0 : i32
        %gather3A_651 = arith.constant 0 : i32
        %gather3A_652 = tpu.memref_slice %arg6[%gather3A, %gather3A_650, %gather3A_651] : memref<4x128x64xf32, #tpu.memory_space<vmem>> -> memref<1x128x64xf32, #tpu.memory_space<vmem>>
        %gather3A_653 = tpu.memref_squeeze %gather3A_652 : memref<1x128x64xf32, #tpu.memory_space<vmem>> -> memref<128x64xf32, #tpu.memory_space<vmem>>
        %gather3A_654 = tpu.vector_load_idx %gather3A_653[%add3A_157, %and3A_644] : memref<128x64xf32, #tpu.memory_space<vmem>>[vector<16xi32>, vector<16xi32>], vector<16xf32>,
        %gather3A_655 = arith.constant 0 : i32
        %gather3A_656 = arith.constant 0 : i32
        %gather3A_657 = arith.constant 0 : i32
        %gather3A_658 = tpu.memref_slice %arg6[%gather3A_655, %gather3A_656, %gather3A_657] : memref<4x128x64xf32, #tpu.memory_space<vmem>> -> memref<1x128x64xf32, #tpu.memory_space<vmem>>
        %gather3A_659 = tpu.memref_squeeze %gather3A_658 : memref<1x128x64xf32, #tpu.memory_space<vmem>> -> memref<128x64xf32, #tpu.memory_space<vmem>>
        %gather3A_660 = tpu.vector_load_idx %gather3A_659[%add3A_160, %and3A_644] : memref<128x64xf32, #tpu.memory_space<vmem>>[vector<16xi32>, vector<16xi32>], vector<16xf32>,
        %gather3A_661 = arith.constant 0 : i32
        %gather3A_662 = arith.constant 0 : i32
        %gather3A_663 = arith.constant 0 : i32
        %gather3A_664 = tpu.memref_slice %arg6[%gather3A_661, %gather3A_662, %gather3A_663] : memref<4x128x64xf32, #tpu.memory_space<vmem>> -> memref<1x128x64xf32, #tpu.memory_space<vmem>>
        %gather3A_665 = tpu.memref_squeeze %gather3A_664 : memref<1x128x64xf32, #tpu.memory_space<vmem>> -> memref<128x64xf32, #tpu.memory_space<vmem>>
        %gather3A_666 = tpu.vector_load_idx %gather3A_665[%add3A_163, %and3A_644] : memref<128x64xf32, #tpu.memory_space<vmem>>[vector<16xi32>, vector<16xi32>], vector<16xf32>,
        %gather3A_667 = arith.constant 0 : i32
        %gather3A_668 = arith.constant 0 : i32
        %gather3A_669 = arith.constant 0 : i32
        %gather3A_670 = tpu.memref_slice %arg6[%gather3A_667, %gather3A_668, %gather3A_669] : memref<4x128x64xf32, #tpu.memory_space<vmem>> -> memref<1x128x64xf32, #tpu.memory_space<vmem>>
        %gather3A_671 = tpu.memref_squeeze %gather3A_670 : memref<1x128x64xf32, #tpu.memory_space<vmem>> -> memref<128x64xf32, #tpu.memory_space<vmem>>
        %gather3A_672 = tpu.vector_load_idx %gather3A_671[%add3A_166, %and3A_644] : memref<128x64xf32, #tpu.memory_space<vmem>>[vector<16xi32>, vector<16xi32>], vector<16xf32>,
        %gather3A_673 = arith.constant 0 : i32
        %gather3A_674 = arith.constant 0 : i32
        %gather3A_675 = arith.constant 0 : i32
        %gather3A_676 = tpu.memref_slice %arg6[%gather3A_673, %gather3A_674, %gather3A_675] : memref<4x128x64xf32, #tpu.memory_space<vmem>> -> memref<1x128x64xf32, #tpu.memory_space<vmem>>
        %gather3A_677 = tpu.memref_squeeze %gather3A_676 : memref<1x128x64xf32, #tpu.memory_space<vmem>> -> memref<128x64xf32, #tpu.memory_space<vmem>>
        %gather3A_678 = tpu.vector_load_idx %gather3A_677[%add3A_169, %and3A_644] : memref<128x64xf32, #tpu.memory_space<vmem>>[vector<16xi32>, vector<16xi32>], vector<16xf32>,
        %gather3A_679 = arith.constant 0 : i32
        %gather3A_680 = arith.constant 0 : i32
        %gather3A_681 = arith.constant 0 : i32
        %gather3A_682 = tpu.memref_slice %arg6[%gather3A_679, %gather3A_680, %gather3A_681] : memref<4x128x64xf32, #tpu.memory_space<vmem>> -> memref<1x128x64xf32, #tpu.memory_space<vmem>>
        %gather3A_683 = tpu.memref_squeeze %gather3A_682 : memref<1x128x64xf32, #tpu.memory_space<vmem>> -> memref<128x64xf32, #tpu.memory_space<vmem>>
        %gather3A_684 = tpu.vector_load_idx %gather3A_683[%add3A_172, %and3A_644] : memref<128x64xf32, #tpu.memory_space<vmem>>[vector<16xi32>, vector<16xi32>], vector<16xf32>,
        %gather3A_685 = arith.constant 0 : i32
        %gather3A_686 = arith.constant 0 : i32
        %gather3A_687 = arith.constant 0 : i32
        %gather3A_688 = tpu.memref_slice %arg6[%gather3A_685, %gather3A_686, %gather3A_687] : memref<4x128x64xf32, #tpu.memory_space<vmem>> -> memref<1x128x64xf32, #tpu.memory_space<vmem>>
        %gather3A_689 = tpu.memref_squeeze %gather3A_688 : memref<1x128x64xf32, #tpu.memory_space<vmem>> -> memref<128x64xf32, #tpu.memory_space<vmem>>
        %gather3A_690 = tpu.vector_load_idx %gather3A_689[%add3A_175, %and3A_644] : memref<128x64xf32, #tpu.memory_space<vmem>>[vector<16xi32>, vector<16xi32>], vector<16xf32>,
        %gather3A_691 = arith.constant 0 : i32
        %gather3A_692 = arith.constant 0 : i32
        %gather3A_693 = arith.constant 0 : i32
        %gather3A_694 = tpu.memref_slice %arg6[%gather3A_691, %gather3A_692, %gather3A_693] : memref<4x128x64xf32, #tpu.memory_space<vmem>> -> memref<1x128x64xf32, #tpu.memory_space<vmem>>
        %gather3A_695 = tpu.memref_squeeze %gather3A_694 : memref<1x128x64xf32, #tpu.memory_space<vmem>> -> memref<128x64xf32, #tpu.memory_space<vmem>>
        %gather3A_696 = tpu.vector_load_idx %gather3A_695[%add3A_178, %and3A_644] : memref<128x64xf32, #tpu.memory_space<vmem>>[vector<16xi32>, vector<16xi32>], vector<16xf32>,
        %jit3A = arith.constant 0.000000e+00 : f32
        %broadcast_in_dim3A = vector.broadcast %jit3A : f32 to vector<16xf32>
        %select_n3A = arith.select %eq3A_182, %broadcast_in_dim3A, %gather3A_654 : vector<16xi1>, vector<16xf32>
        %scatter3A = arith.constant 0 : i32
        %scatter3A_697 = arith.constant 0 : i32
        %scatter3A_698 = arith.constant 0 : i32
        %scatter3A_699 = arith.constant 0 : i32
        %scatter3A_700 = tpu.memref_slice %arg7[%scatter3A, %scatter3A_697, %scatter3A_698, %scatter3A_699] : memref<4x8x8x128xf32, #tpu.memory_space<vmem>> -> memref<1x8x8x128xf32, #tpu.memory_space<vmem>>
        %scatter3A_701 = tpu.memref_squeeze %scatter3A_700 : memref<1x8x8x128xf32, #tpu.memory_space<vmem>> -> memref<8x8x128xf32, #tpu.memory_space<vmem>>
        tpu.vector_store_idx %scatter3A_701[%shift_right_arithmetic3A_646, %and3A_649, %add3A_157], %select_n3A : memref<8x8x128xf32, #tpu.memory_space<vmem>>[vector<16xi32>, vector<16xi32>, vector<16xi32>], vector<16xf32>,
        %jit3A_702 = arith.constant 0.000000e+00 : f32
        %broadcast_in_dim3A_703 = vector.broadcast %jit3A_702 : f32 to vector<16xf32>
        %select_n3A_704 = arith.select %eq3A_188, %broadcast_in_dim3A_703, %gather3A_660 : vector<16xi1>, vector<16xf32>
        %scatter3A_705 = arith.constant 0 : i32
        %scatter3A_706 = arith.constant 0 : i32
        %scatter3A_707 = arith.constant 0 : i32
        %scatter3A_708 = arith.constant 0 : i32
        %scatter3A_709 = tpu.memref_slice %arg7[%scatter3A_705, %scatter3A_706, %scatter3A_707, %scatter3A_708] : memref<4x8x8x128xf32, #tpu.memory_space<vmem>> -> memref<1x8x8x128xf32, #tpu.memory_space<vmem>>
        %scatter3A_710 = tpu.memref_squeeze %scatter3A_709 : memref<1x8x8x128xf32, #tpu.memory_space<vmem>> -> memref<8x8x128xf32, #tpu.memory_space<vmem>>
        tpu.vector_store_idx %scatter3A_710[%shift_right_arithmetic3A_646, %and3A_649, %add3A_160], %select_n3A_704 : memref<8x8x128xf32, #tpu.memory_space<vmem>>[vector<16xi32>, vector<16xi32>, vector<16xi32>], vector<16xf32>,
        %jit3A_711 = arith.constant 0.000000e+00 : f32
        %broadcast_in_dim3A_712 = vector.broadcast %jit3A_711 : f32 to vector<16xf32>
        %select_n3A_713 = arith.select %eq3A_194, %broadcast_in_dim3A_712, %gather3A_666 : vector<16xi1>, vector<16xf32>
        %scatter3A_714 = arith.constant 0 : i32
        %scatter3A_715 = arith.constant 0 : i32
        %scatter3A_716 = arith.constant 0 : i32
        %scatter3A_717 = arith.constant 0 : i32
        %scatter3A_718 = tpu.memref_slice %arg7[%scatter3A_714, %scatter3A_715, %scatter3A_716, %scatter3A_717] : memref<4x8x8x128xf32, #tpu.memory_space<vmem>> -> memref<1x8x8x128xf32, #tpu.memory_space<vmem>>
        %scatter3A_719 = tpu.memref_squeeze %scatter3A_718 : memref<1x8x8x128xf32, #tpu.memory_space<vmem>> -> memref<8x8x128xf32, #tpu.memory_space<vmem>>
        tpu.vector_store_idx %scatter3A_719[%shift_right_arithmetic3A_646, %and3A_649, %add3A_163], %select_n3A_713 : memref<8x8x128xf32, #tpu.memory_space<vmem>>[vector<16xi32>, vector<16xi32>, vector<16xi32>], vector<16xf32>,
        %jit3A_720 = arith.constant 0.000000e+00 : f32
        %broadcast_in_dim3A_721 = vector.broadcast %jit3A_720 : f32 to vector<16xf32>
        %select_n3A_722 = arith.select %eq3A_200, %broadcast_in_dim3A_721, %gather3A_672 : vector<16xi1>, vector<16xf32>
        %scatter3A_723 = arith.constant 0 : i32
        %scatter3A_724 = arith.constant 0 : i32
        %scatter3A_725 = arith.constant 0 : i32
        %scatter3A_726 = arith.constant 0 : i32
        %scatter3A_727 = tpu.memref_slice %arg7[%scatter3A_723, %scatter3A_724, %scatter3A_725, %scatter3A_726] : memref<4x8x8x128xf32, #tpu.memory_space<vmem>> -> memref<1x8x8x128xf32, #tpu.memory_space<vmem>>
        %scatter3A_728 = tpu.memref_squeeze %scatter3A_727 : memref<1x8x8x128xf32, #tpu.memory_space<vmem>> -> memref<8x8x128xf32, #tpu.memory_space<vmem>>
        tpu.vector_store_idx %scatter3A_728[%shift_right_arithmetic3A_646, %and3A_649, %add3A_166], %select_n3A_722 : memref<8x8x128xf32, #tpu.memory_space<vmem>>[vector<16xi32>, vector<16xi32>, vector<16xi32>], vector<16xf32>,
        %jit3A_729 = arith.constant 0.000000e+00 : f32
        %broadcast_in_dim3A_730 = vector.broadcast %jit3A_729 : f32 to vector<16xf32>
        %select_n3A_731 = arith.select %eq3A_206, %broadcast_in_dim3A_730, %gather3A_678 : vector<16xi1>, vector<16xf32>
        %scatter3A_732 = arith.constant 0 : i32
        %scatter3A_733 = arith.constant 0 : i32
        %scatter3A_734 = arith.constant 0 : i32
        %scatter3A_735 = arith.constant 0 : i32
        %scatter3A_736 = tpu.memref_slice %arg7[%scatter3A_732, %scatter3A_733, %scatter3A_734, %scatter3A_735] : memref<4x8x8x128xf32, #tpu.memory_space<vmem>> -> memref<1x8x8x128xf32, #tpu.memory_space<vmem>>
        %scatter3A_737 = tpu.memref_squeeze %scatter3A_736 : memref<1x8x8x128xf32, #tpu.memory_space<vmem>> -> memref<8x8x128xf32, #tpu.memory_space<vmem>>
        tpu.vector_store_idx %scatter3A_737[%shift_right_arithmetic3A_646, %and3A_649, %add3A_169], %select_n3A_731 : memref<8x8x128xf32, #tpu.memory_space<vmem>>[vector<16xi32>, vector<16xi32>, vector<16xi32>], vector<16xf32>,
        %jit3A_738 = arith.constant 0.000000e+00 : f32
        %broadcast_in_dim3A_739 = vector.broadcast %jit3A_738 : f32 to vector<16xf32>
        %select_n3A_740 = arith.select %eq3A_212, %broadcast_in_dim3A_739, %gather3A_684 : vector<16xi1>, vector<16xf32>
        %scatter3A_741 = arith.constant 0 : i32
        %scatter3A_742 = arith.constant 0 : i32
        %scatter3A_743 = arith.constant 0 : i32
        %scatter3A_744 = arith.constant 0 : i32
        %scatter3A_745 = tpu.memref_slice %arg7[%scatter3A_741, %scatter3A_742, %scatter3A_743, %scatter3A_744] : memref<4x8x8x128xf32, #tpu.memory_space<vmem>> -> memref<1x8x8x128xf32, #tpu.memory_space<vmem>>
        %scatter3A_746 = tpu.memref_squeeze %scatter3A_745 : memref<1x8x8x128xf32, #tpu.memory_space<vmem>> -> memref<8x8x128xf32, #tpu.memory_space<vmem>>
        tpu.vector_store_idx %scatter3A_746[%shift_right_arithmetic3A_646, %and3A_649, %add3A_172], %select_n3A_740 : memref<8x8x128xf32, #tpu.memory_space<vmem>>[vector<16xi32>, vector<16xi32>, vector<16xi32>], vector<16xf32>,
        %jit3A_747 = arith.constant 0.000000e+00 : f32
        %broadcast_in_dim3A_748 = vector.broadcast %jit3A_747 : f32 to vector<16xf32>
        %select_n3A_749 = arith.select %eq3A_218, %broadcast_in_dim3A_748, %gather3A_690 : vector<16xi1>, vector<16xf32>
        %scatter3A_750 = arith.constant 0 : i32
        %scatter3A_751 = arith.constant 0 : i32
        %scatter3A_752 = arith.constant 0 : i32
        %scatter3A_753 = arith.constant 0 : i32
        %scatter3A_754 = tpu.memref_slice %arg7[%scatter3A_750, %scatter3A_751, %scatter3A_752, %scatter3A_753] : memref<4x8x8x128xf32, #tpu.memory_space<vmem>> -> memref<1x8x8x128xf32, #tpu.memory_space<vmem>>
        %scatter3A_755 = tpu.memref_squeeze %scatter3A_754 : memref<1x8x8x128xf32, #tpu.memory_space<vmem>> -> memref<8x8x128xf32, #tpu.memory_space<vmem>>
        tpu.vector_store_idx %scatter3A_755[%shift_right_arithmetic3A_646, %and3A_649, %add3A_175], %select_n3A_749 : memref<8x8x128xf32, #tpu.memory_space<vmem>>[vector<16xi32>, vector<16xi32>, vector<16xi32>], vector<16xf32>,
        %jit3A_756 = arith.constant 0.000000e+00 : f32
        %broadcast_in_dim3A_757 = vector.broadcast %jit3A_756 : f32 to vector<16xf32>
        %select_n3A_758 = arith.select %eq3A_224, %broadcast_in_dim3A_757, %gather3A_696 : vector<16xi1>, vector<16xf32>
        %scatter3A_759 = arith.constant 0 : i32
        %scatter3A_760 = arith.constant 0 : i32
        %scatter3A_761 = arith.constant 0 : i32
        %scatter3A_762 = arith.constant 0 : i32
        %scatter3A_763 = tpu.memref_slice %arg7[%scatter3A_759, %scatter3A_760, %scatter3A_761, %scatter3A_762] : memref<4x8x8x128xf32, #tpu.memory_space<vmem>> -> memref<1x8x8x128xf32, #tpu.memory_space<vmem>>
        %scatter3A_764 = tpu.memref_squeeze %scatter3A_763 : memref<1x8x8x128xf32, #tpu.memory_space<vmem>> -> memref<8x8x128xf32, #tpu.memory_space<vmem>>
        tpu.vector_store_idx %scatter3A_764[%shift_right_arithmetic3A_646, %and3A_649, %add3A_178], %select_n3A_758 : memref<8x8x128xf32, #tpu.memory_space<vmem>>[vector<16xi32>, vector<16xi32>, vector<16xi32>], vector<16xf32>,
        %mul3A_765 = arith.constant 2 : i32
        %mul3A_766 = arith.muli %mul3A_765, %scan3A_636 : i32
        %add3A_767 = arith.constant 1 : i32
        %add3A_768 = arith.addi %mul3A_766, %add3A_767 : i32
        %add3A_769 = vector.broadcast %add3A_768 : i32 to vector<16xi32>
        %add3A_770 = arith.addi %iota3A, %add3A_769 : vector<16xi32>
        %and3A_771 = arith.constant 63 : i32
        %and3A_772 = vector.broadcast %and3A_771 : i32 to vector<16xi32>
        %and3A_773 = arith.andi %add3A_770, %and3A_772 : vector<16xi32>
        %shift_right_arithmetic3A_774 = arith.constant 3 : i32
        %shift_right_arithmetic3A_775 = vector.broadcast %shift_right_arithmetic3A_774 : i32 to vector<16xi32>
        %shift_right_arithmetic3A_776 = arith.shrsi %and3A_773, %shift_right_arithmetic3A_775 : vector<16xi32>
        %and3A_777 = arith.constant 7 : i32
        %and3A_778 = vector.broadcast %and3A_777 : i32 to vector<16xi32>
        %and3A_779 = arith.andi %and3A_773, %and3A_778 : vector<16xi32>
        %gather3A_780 = arith.constant 0 : i32
        %gather3A_781 = arith.constant 0 : i32
        %gather3A_782 = arith.constant 0 : i32
        %gather3A_783 = tpu.memref_slice %arg6[%gather3A_780, %gather3A_781, %gather3A_782] : memref<4x128x64xf32, #tpu.memory_space<vmem>> -> memref<1x128x64xf32, #tpu.memory_space<vmem>>
        %gather3A_784 = tpu.memref_squeeze %gather3A_783 : memref<1x128x64xf32, #tpu.memory_space<vmem>> -> memref<128x64xf32, #tpu.memory_space<vmem>>
        %gather3A_785 = tpu.vector_load_idx %gather3A_784[%add3A_157, %and3A_773] : memref<128x64xf32, #tpu.memory_space<vmem>>[vector<16xi32>, vector<16xi32>], vector<16xf32>,
        %gather3A_786 = arith.constant 0 : i32
        %gather3A_787 = arith.constant 0 : i32
        %gather3A_788 = arith.constant 0 : i32
        %gather3A_789 = tpu.memref_slice %arg6[%gather3A_786, %gather3A_787, %gather3A_788] : memref<4x128x64xf32, #tpu.memory_space<vmem>> -> memref<1x128x64xf32, #tpu.memory_space<vmem>>
        %gather3A_790 = tpu.memref_squeeze %gather3A_789 : memref<1x128x64xf32, #tpu.memory_space<vmem>> -> memref<128x64xf32, #tpu.memory_space<vmem>>
        %gather3A_791 = tpu.vector_load_idx %gather3A_790[%add3A_160, %and3A_773] : memref<128x64xf32, #tpu.memory_space<vmem>>[vector<16xi32>, vector<16xi32>], vector<16xf32>,
        %gather3A_792 = arith.constant 0 : i32
        %gather3A_793 = arith.constant 0 : i32
        %gather3A_794 = arith.constant 0 : i32
        %gather3A_795 = tpu.memref_slice %arg6[%gather3A_792, %gather3A_793, %gather3A_794] : memref<4x128x64xf32, #tpu.memory_space<vmem>> -> memref<1x128x64xf32, #tpu.memory_space<vmem>>
        %gather3A_796 = tpu.memref_squeeze %gather3A_795 : memref<1x128x64xf32, #tpu.memory_space<vmem>> -> memref<128x64xf32, #tpu.memory_space<vmem>>
        %gather3A_797 = tpu.vector_load_idx %gather3A_796[%add3A_163, %and3A_773] : memref<128x64xf32, #tpu.memory_space<vmem>>[vector<16xi32>, vector<16xi32>], vector<16xf32>,
        %gather3A_798 = arith.constant 0 : i32
        %gather3A_799 = arith.constant 0 : i32
        %gather3A_800 = arith.constant 0 : i32
        %gather3A_801 = tpu.memref_slice %arg6[%gather3A_798, %gather3A_799, %gather3A_800] : memref<4x128x64xf32, #tpu.memory_space<vmem>> -> memref<1x128x64xf32, #tpu.memory_space<vmem>>
        %gather3A_802 = tpu.memref_squeeze %gather3A_801 : memref<1x128x64xf32, #tpu.memory_space<vmem>> -> memref<128x64xf32, #tpu.memory_space<vmem>>
        %gather3A_803 = tpu.vector_load_idx %gather3A_802[%add3A_166, %and3A_773] : memref<128x64xf32, #tpu.memory_space<vmem>>[vector<16xi32>, vector<16xi32>], vector<16xf32>,
        %gather3A_804 = arith.constant 0 : i32
        %gather3A_805 = arith.constant 0 : i32
        %gather3A_806 = arith.constant 0 : i32
        %gather3A_807 = tpu.memref_slice %arg6[%gather3A_804, %gather3A_805, %gather3A_806] : memref<4x128x64xf32, #tpu.memory_space<vmem>> -> memref<1x128x64xf32, #tpu.memory_space<vmem>>
        %gather3A_808 = tpu.memref_squeeze %gather3A_807 : memref<1x128x64xf32, #tpu.memory_space<vmem>> -> memref<128x64xf32, #tpu.memory_space<vmem>>
        %gather3A_809 = tpu.vector_load_idx %gather3A_808[%add3A_169, %and3A_773] : memref<128x64xf32, #tpu.memory_space<vmem>>[vector<16xi32>, vector<16xi32>], vector<16xf32>,
        %gather3A_810 = arith.constant 0 : i32
        %gather3A_811 = arith.constant 0 : i32
        %gather3A_812 = arith.constant 0 : i32
        %gather3A_813 = tpu.memref_slice %arg6[%gather3A_810, %gather3A_811, %gather3A_812] : memref<4x128x64xf32, #tpu.memory_space<vmem>> -> memref<1x128x64xf32, #tpu.memory_space<vmem>>
        %gather3A_814 = tpu.memref_squeeze %gather3A_813 : memref<1x128x64xf32, #tpu.memory_space<vmem>> -> memref<128x64xf32, #tpu.memory_space<vmem>>
        %gather3A_815 = tpu.vector_load_idx %gather3A_814[%add3A_172, %and3A_773] : memref<128x64xf32, #tpu.memory_space<vmem>>[vector<16xi32>, vector<16xi32>], vector<16xf32>,
        %gather3A_816 = arith.constant 0 : i32
        %gather3A_817 = arith.constant 0 : i32
        %gather3A_818 = arith.constant 0 : i32
        %gather3A_819 = tpu.memref_slice %arg6[%gather3A_816, %gather3A_817, %gather3A_818] : memref<4x128x64xf32, #tpu.memory_space<vmem>> -> memref<1x128x64xf32, #tpu.memory_space<vmem>>
        %gather3A_820 = tpu.memref_squeeze %gather3A_819 : memref<1x128x64xf32, #tpu.memory_space<vmem>> -> memref<128x64xf32, #tpu.memory_space<vmem>>
        %gather3A_821 = tpu.vector_load_idx %gather3A_820[%add3A_175, %and3A_773] : memref<128x64xf32, #tpu.memory_space<vmem>>[vector<16xi32>, vector<16xi32>], vector<16xf32>,
        %gather3A_822 = arith.constant 0 : i32
        %gather3A_823 = arith.constant 0 : i32
        %gather3A_824 = arith.constant 0 : i32
        %gather3A_825 = tpu.memref_slice %arg6[%gather3A_822, %gather3A_823, %gather3A_824] : memref<4x128x64xf32, #tpu.memory_space<vmem>> -> memref<1x128x64xf32, #tpu.memory_space<vmem>>
        %gather3A_826 = tpu.memref_squeeze %gather3A_825 : memref<1x128x64xf32, #tpu.memory_space<vmem>> -> memref<128x64xf32, #tpu.memory_space<vmem>>
        %gather3A_827 = tpu.vector_load_idx %gather3A_826[%add3A_178, %and3A_773] : memref<128x64xf32, #tpu.memory_space<vmem>>[vector<16xi32>, vector<16xi32>], vector<16xf32>,
        %jit3A_828 = arith.constant 0.000000e+00 : f32
        %broadcast_in_dim3A_829 = vector.broadcast %jit3A_828 : f32 to vector<16xf32>
        %select_n3A_830 = arith.select %eq3A_182, %broadcast_in_dim3A_829, %gather3A_785 : vector<16xi1>, vector<16xf32>
        %scatter3A_831 = arith.constant 0 : i32
        %scatter3A_832 = arith.constant 0 : i32
        %scatter3A_833 = arith.constant 0 : i32
        %scatter3A_834 = arith.constant 0 : i32
        %scatter3A_835 = tpu.memref_slice %arg7[%scatter3A_831, %scatter3A_832, %scatter3A_833, %scatter3A_834] : memref<4x8x8x128xf32, #tpu.memory_space<vmem>> -> memref<1x8x8x128xf32, #tpu.memory_space<vmem>>
        %scatter3A_836 = tpu.memref_squeeze %scatter3A_835 : memref<1x8x8x128xf32, #tpu.memory_space<vmem>> -> memref<8x8x128xf32, #tpu.memory_space<vmem>>
        tpu.vector_store_idx %scatter3A_836[%shift_right_arithmetic3A_776, %and3A_779, %add3A_157], %select_n3A_830 : memref<8x8x128xf32, #tpu.memory_space<vmem>>[vector<16xi32>, vector<16xi32>, vector<16xi32>], vector<16xf32>,
        %jit3A_837 = arith.constant 0.000000e+00 : f32
        %broadcast_in_dim3A_838 = vector.broadcast %jit3A_837 : f32 to vector<16xf32>
        %select_n3A_839 = arith.select %eq3A_188, %broadcast_in_dim3A_838, %gather3A_791 : vector<16xi1>, vector<16xf32>
        %scatter3A_840 = arith.constant 0 : i32
        %scatter3A_841 = arith.constant 0 : i32
        %scatter3A_842 = arith.constant 0 : i32
        %scatter3A_843 = arith.constant 0 : i32
        %scatter3A_844 = tpu.memref_slice %arg7[%scatter3A_840, %scatter3A_841, %scatter3A_842, %scatter3A_843] : memref<4x8x8x128xf32, #tpu.memory_space<vmem>> -> memref<1x8x8x128xf32, #tpu.memory_space<vmem>>
        %scatter3A_845 = tpu.memref_squeeze %scatter3A_844 : memref<1x8x8x128xf32, #tpu.memory_space<vmem>> -> memref<8x8x128xf32, #tpu.memory_space<vmem>>
        tpu.vector_store_idx %scatter3A_845[%shift_right_arithmetic3A_776, %and3A_779, %add3A_160], %select_n3A_839 : memref<8x8x128xf32, #tpu.memory_space<vmem>>[vector<16xi32>, vector<16xi32>, vector<16xi32>], vector<16xf32>,
        %jit3A_846 = arith.constant 0.000000e+00 : f32
        %broadcast_in_dim3A_847 = vector.broadcast %jit3A_846 : f32 to vector<16xf32>
        %select_n3A_848 = arith.select %eq3A_194, %broadcast_in_dim3A_847, %gather3A_797 : vector<16xi1>, vector<16xf32>
        %scatter3A_849 = arith.constant 0 : i32
        %scatter3A_850 = arith.constant 0 : i32
        %scatter3A_851 = arith.constant 0 : i32
        %scatter3A_852 = arith.constant 0 : i32
        %scatter3A_853 = tpu.memref_slice %arg7[%scatter3A_849, %scatter3A_850, %scatter3A_851, %scatter3A_852] : memref<4x8x8x128xf32, #tpu.memory_space<vmem>> -> memref<1x8x8x128xf32, #tpu.memory_space<vmem>>
        %scatter3A_854 = tpu.memref_squeeze %scatter3A_853 : memref<1x8x8x128xf32, #tpu.memory_space<vmem>> -> memref<8x8x128xf32, #tpu.memory_space<vmem>>
        tpu.vector_store_idx %scatter3A_854[%shift_right_arithmetic3A_776, %and3A_779, %add3A_163], %select_n3A_848 : memref<8x8x128xf32, #tpu.memory_space<vmem>>[vector<16xi32>, vector<16xi32>, vector<16xi32>], vector<16xf32>,
        %jit3A_855 = arith.constant 0.000000e+00 : f32
        %broadcast_in_dim3A_856 = vector.broadcast %jit3A_855 : f32 to vector<16xf32>
        %select_n3A_857 = arith.select %eq3A_200, %broadcast_in_dim3A_856, %gather3A_803 : vector<16xi1>, vector<16xf32>
        %scatter3A_858 = arith.constant 0 : i32
        %scatter3A_859 = arith.constant 0 : i32
        %scatter3A_860 = arith.constant 0 : i32
        %scatter3A_861 = arith.constant 0 : i32
        %scatter3A_862 = tpu.memref_slice %arg7[%scatter3A_858, %scatter3A_859, %scatter3A_860, %scatter3A_861] : memref<4x8x8x128xf32, #tpu.memory_space<vmem>> -> memref<1x8x8x128xf32, #tpu.memory_space<vmem>>
        %scatter3A_863 = tpu.memref_squeeze %scatter3A_862 : memref<1x8x8x128xf32, #tpu.memory_space<vmem>> -> memref<8x8x128xf32, #tpu.memory_space<vmem>>
        tpu.vector_store_idx %scatter3A_863[%shift_right_arithmetic3A_776, %and3A_779, %add3A_166], %select_n3A_857 : memref<8x8x128xf32, #tpu.memory_space<vmem>>[vector<16xi32>, vector<16xi32>, vector<16xi32>], vector<16xf32>,
        %jit3A_864 = arith.constant 0.000000e+00 : f32
        %broadcast_in_dim3A_865 = vector.broadcast %jit3A_864 : f32 to vector<16xf32>
        %select_n3A_866 = arith.select %eq3A_206, %broadcast_in_dim3A_865, %gather3A_809 : vector<16xi1>, vector<16xf32>
        %scatter3A_867 = arith.constant 0 : i32
        %scatter3A_868 = arith.constant 0 : i32
        %scatter3A_869 = arith.constant 0 : i32
        %scatter3A_870 = arith.constant 0 : i32
        %scatter3A_871 = tpu.memref_slice %arg7[%scatter3A_867, %scatter3A_868, %scatter3A_869, %scatter3A_870] : memref<4x8x8x128xf32, #tpu.memory_space<vmem>> -> memref<1x8x8x128xf32, #tpu.memory_space<vmem>>
        %scatter3A_872 = tpu.memref_squeeze %scatter3A_871 : memref<1x8x8x128xf32, #tpu.memory_space<vmem>> -> memref<8x8x128xf32, #tpu.memory_space<vmem>>
        tpu.vector_store_idx %scatter3A_872[%shift_right_arithmetic3A_776, %and3A_779, %add3A_169], %select_n3A_866 : memref<8x8x128xf32, #tpu.memory_space<vmem>>[vector<16xi32>, vector<16xi32>, vector<16xi32>], vector<16xf32>,
        %jit3A_873 = arith.constant 0.000000e+00 : f32
        %broadcast_in_dim3A_874 = vector.broadcast %jit3A_873 : f32 to vector<16xf32>
        %select_n3A_875 = arith.select %eq3A_212, %broadcast_in_dim3A_874, %gather3A_815 : vector<16xi1>, vector<16xf32>
        %scatter3A_876 = arith.constant 0 : i32
        %scatter3A_877 = arith.constant 0 : i32
        %scatter3A_878 = arith.constant 0 : i32
        %scatter3A_879 = arith.constant 0 : i32
        %scatter3A_880 = tpu.memref_slice %arg7[%scatter3A_876, %scatter3A_877, %scatter3A_878, %scatter3A_879] : memref<4x8x8x128xf32, #tpu.memory_space<vmem>> -> memref<1x8x8x128xf32, #tpu.memory_space<vmem>>
        %scatter3A_881 = tpu.memref_squeeze %scatter3A_880 : memref<1x8x8x128xf32, #tpu.memory_space<vmem>> -> memref<8x8x128xf32, #tpu.memory_space<vmem>>
        tpu.vector_store_idx %scatter3A_881[%shift_right_arithmetic3A_776, %and3A_779, %add3A_172], %select_n3A_875 : memref<8x8x128xf32, #tpu.memory_space<vmem>>[vector<16xi32>, vector<16xi32>, vector<16xi32>], vector<16xf32>,
        %jit3A_882 = arith.constant 0.000000e+00 : f32
        %broadcast_in_dim3A_883 = vector.broadcast %jit3A_882 : f32 to vector<16xf32>
        %select_n3A_884 = arith.select %eq3A_218, %broadcast_in_dim3A_883, %gather3A_821 : vector<16xi1>, vector<16xf32>
        %scatter3A_885 = arith.constant 0 : i32
        %scatter3A_886 = arith.constant 0 : i32
        %scatter3A_887 = arith.constant 0 : i32
        %scatter3A_888 = arith.constant 0 : i32
        %scatter3A_889 = tpu.memref_slice %arg7[%scatter3A_885, %scatter3A_886, %scatter3A_887, %scatter3A_888] : memref<4x8x8x128xf32, #tpu.memory_space<vmem>> -> memref<1x8x8x128xf32, #tpu.memory_space<vmem>>
        %scatter3A_890 = tpu.memref_squeeze %scatter3A_889 : memref<1x8x8x128xf32, #tpu.memory_space<vmem>> -> memref<8x8x128xf32, #tpu.memory_space<vmem>>
        tpu.vector_store_idx %scatter3A_890[%shift_right_arithmetic3A_776, %and3A_779, %add3A_175], %select_n3A_884 : memref<8x8x128xf32, #tpu.memory_space<vmem>>[vector<16xi32>, vector<16xi32>, vector<16xi32>], vector<16xf32>,
        %jit3A_891 = arith.constant 0.000000e+00 : f32
        %broadcast_in_dim3A_892 = vector.broadcast %jit3A_891 : f32 to vector<16xf32>
        %select_n3A_893 = arith.select %eq3A_224, %broadcast_in_dim3A_892, %gather3A_827 : vector<16xi1>, vector<16xf32>
        %scatter3A_894 = arith.constant 0 : i32
        %scatter3A_895 = arith.constant 0 : i32
        %scatter3A_896 = arith.constant 0 : i32
        %scatter3A_897 = arith.constant 0 : i32
        %scatter3A_898 = tpu.memref_slice %arg7[%scatter3A_894, %scatter3A_895, %scatter3A_896, %scatter3A_897] : memref<4x8x8x128xf32, #tpu.memory_space<vmem>> -> memref<1x8x8x128xf32, #tpu.memory_space<vmem>>
        %scatter3A_899 = tpu.memref_squeeze %scatter3A_898 : memref<1x8x8x128xf32, #tpu.memory_space<vmem>> -> memref<8x8x128xf32, #tpu.memory_space<vmem>>
        tpu.vector_store_idx %scatter3A_899[%shift_right_arithmetic3A_776, %and3A_779, %add3A_178], %select_n3A_893 : memref<8x8x128xf32, #tpu.memory_space<vmem>>[vector<16xi32>, vector<16xi32>, vector<16xi32>], vector<16xf32>,
      }
      %scan3A_230 = arith.constant 32 : i32
      %dma_start3A_231 = arith.constant 0 : i32
      %dma_start3A_232 = arith.constant 0 : i32
      %dma_start3A_233 = arith.constant 0 : i32
      %dma_start3A_234 = arith.constant 0 : i32
      %dma_start3A_235 = tpu.memref_slice %arg7[%dma_start3A_231, %dma_start3A_232, %dma_start3A_233, %dma_start3A_234] : memref<4x8x8x128xf32, #tpu.memory_space<vmem>> -> memref<1x8x8x128xf32, #tpu.memory_space<vmem>>
      %dma_start3A_236 = tpu.memref_squeeze %dma_start3A_235 : memref<1x8x8x128xf32, #tpu.memory_space<vmem>> -> memref<8x8x128xf32, #tpu.memory_space<vmem>>
      %dma_start3A_237 = arith.constant 0 : i32
      %dma_start3A_238 = arith.constant 0 : i32
      %dma_start3A_239 = arith.constant 0 : i32
      %dma_start3A_240 = tpu.memref_slice %arg4[%add3A_134, %dma_start3A_237, %add3A, %dma_start3A_238, %dma_start3A_239] : memref<200x8x32x8x128xf32, #tpu.memory_space<hbm>> -> memref<1x8x1x8x128xf32, #tpu.memory_space<hbm>>
      %dma_start3A_241 = tpu.memref_squeeze %dma_start3A_240 : memref<1x8x1x8x128xf32, #tpu.memory_space<hbm>> -> memref<8x8x128xf32, #tpu.memory_space<hbm>>
      %dma_start3A_242 = arith.constant 0 : i32
      %dma_start3A_243 = arith.constant 0 : i32
      %dma_start3A_244 = arith.constant 0 : i32
      %dma_start3A_245 = tpu.memref_slice %arg4[%add3A_134, %dma_start3A_242, %add3A, %dma_start3A_243, %dma_start3A_244] : memref<200x8x32x8x128xf32, #tpu.memory_space<hbm>> -> memref<1x8x1x8x128xf32, #tpu.memory_space<hbm>>
      %dma_start3A_246 = tpu.memref_squeeze %dma_start3A_245 : memref<1x8x1x8x128xf32, #tpu.memory_space<hbm>> -> memref<8x8x128xf32, #tpu.memory_space<hbm>>
      %dma_start3A_247 = arith.constant 0 : i32
      %dma_start3A_248 = arith.constant 0 : i32
      %dma_start3A_249 = arith.constant 0 : i32
      %dma_start3A_250 = tpu.memref_slice %arg7[%dma_start3A_231, %dma_start3A_247, %dma_start3A_248, %dma_start3A_249] : memref<4x8x8x128xf32, #tpu.memory_space<vmem>> -> memref<1x8x8x128xf32, #tpu.memory_space<vmem>>
      %dma_start3A_251 = tpu.memref_squeeze %dma_start3A_250 : memref<1x8x8x128xf32, #tpu.memory_space<vmem>> -> memref<8x8x128xf32, #tpu.memory_space<vmem>>
      tpu.enqueue_dma source(%dma_start3A_251 : memref<8x8x128xf32, #tpu.memory_space<vmem>>) target(%dma_start3A_246 : memref<8x8x128xf32, #tpu.memory_space<hbm>>) target_semaphore(%arg12 : memref<!tpu.dma_semaphore, #tpu.memory_space<semaphore_mem>>)
      %mul3A_252 = arith.constant 4 : i32
      %mul3A_253 = arith.muli %mul3A_252, %scan3A_130 : i32
      %add3A_254 = arith.constant 1 : i32
      %add3A_255 = arith.addi %mul3A_253, %add3A_254 : i32
      %dma_wait3A_256 = arith.constant 1 : i32
      %dma_wait3A_257 = arith.constant 0 : i32
      %dma_wait3A_258 = arith.constant 0 : i32
      %dma_wait3A_259 = tpu.memref_slice %arg6[%dma_wait3A_256, %dma_wait3A_257, %dma_wait3A_258] : memref<4x128x64xf32, #tpu.memory_space<vmem>> -> memref<1x128x64xf32, #tpu.memory_space<vmem>>
      %dma_wait3A_260 = tpu.memref_squeeze %dma_wait3A_259 : memref<1x128x64xf32, #tpu.memory_space<vmem>> -> memref<128x64xf32, #tpu.memory_space<vmem>>
      %dma_wait3A_261 = arith.constant 0 : i32
      %dma_wait3A_262 = tpu.memref_slice %arg5[%add3A_255, %dma_wait3A_261] : memref<200x128xi32, #tpu.memory_space<vmem>> -> memref<1x128xi32, #tpu.memory_space<vmem>>
      %dma_wait3A_263 = tpu.memref_squeeze %dma_wait3A_262 : memref<1x128xi32, #tpu.memory_space<vmem>> -> memref<128xi32, #tpu.memory_space<vmem>>
      %dma_wait3A_264 = arith.constant 0 : i32
      %dma_wait3A_265 = arith.constant 0 : i32
      %dma_wait3A_266 = tpu.memref_slice %arg3[%dma_wait3A_264, %dma_wait3A_265] : memref<1000000x64xf32, #tpu.memory_space<hbm>> -> memref<1000000x64xf32, #tpu.memory_space<hbm>>
      tpu.wait_indirect_dma semaphore(%arg9 : memref<!tpu.dma_semaphore, #tpu.memory_space<semaphore_mem>>) src(%dma_wait3A_266 : memref<1000000x64xf32, #tpu.memory_space<hbm>>) dst(%dma_wait3A_260 : memref<128x64xf32, #tpu.memory_space<vmem>>)
      %add3A_267 = arith.constant 3 : i32
      %add3A_268 = arith.addi %add3A_255, %add3A_267 : i32
      %lt3A_269 = arith.constant 200 : i32
      %lt3A_270 = arith.cmpi slt, %add3A_268, %lt3A_269 : i32
      %convert_element_type3A_271 = arith.extui %lt3A_270 : i1 to i32
      %cond3A_272 = arith.constant 0 : i32
      %cond3A_273 = arith.cmpi ne, %convert_element_type3A_271, %cond3A_272 : i32
      scf.if %cond3A_273 {
        %add3A_636 = arith.constant 3 : i32
        %add3A_637 = arith.addi %add3A_255, %add3A_636 : i32
        %dma_start3A_638 = arith.constant 0 : i32
        %dma_start3A_639 = arith.constant 0 : i32
        %dma_start3A_640 = arith.constant 0 : i32
        %dma_start3A_641 = tpu.memref_slice %arg6[%dma_start3A_638, %dma_start3A_639, %dma_start3A_640] : memref<4x128x64xf32, #tpu.memory_space<vmem>> -> memref<1x128x64xf32, #tpu.memory_space<vmem>>
        %dma_start3A_642 = tpu.memref_squeeze %dma_start3A_641 : memref<1x128x64xf32, #tpu.memory_space<vmem>> -> memref<128x64xf32, #tpu.memory_space<vmem>>
        %dma_start3A_643 = arith.constant 0 : i32
        %dma_start3A_644 = tpu.memref_slice %arg5[%add3A_637, %dma_start3A_643] : memref<200x128xi32, #tpu.memory_space<vmem>> -> memref<1x128xi32, #tpu.memory_space<vmem>>
        %dma_start3A_645 = tpu.memref_squeeze %dma_start3A_644 : memref<1x128xi32, #tpu.memory_space<vmem>> -> memref<128xi32, #tpu.memory_space<vmem>>
        %dma_start3A_646 = arith.constant 0 : i32
        %dma_start3A_647 = arith.constant 0 : i32
        %dma_start3A_648 = tpu.memref_slice %arg3[%dma_start3A_646, %dma_start3A_647] : memref<1000000x64xf32, #tpu.memory_space<hbm>> -> memref<1000000x64xf32, #tpu.memory_space<hbm>>
        tpu.enqueue_indirect_dma source(%dma_start3A_648 : memref<1000000x64xf32, #tpu.memory_space<hbm>>) target(%dma_start3A_642 : memref<128x64xf32, #tpu.memory_space<vmem>>) offsets(%dma_start3A_645 : memref<128xi32, #tpu.memory_space<vmem>>) semaphore(%arg8 : memref<!tpu.dma_semaphore, #tpu.memory_space<semaphore_mem>>)
      } else {
      }
      %sub3A_274 = arith.constant 4 : i32
      %sub3A_275 = arith.subi %add3A_255, %sub3A_274 : i32
      %ge3A_276 = arith.constant 0 : i32
      %ge3A_277 = arith.cmpi sge, %sub3A_275, %ge3A_276 : i32
      %convert_element_type3A_278 = arith.extui %ge3A_277 : i1 to i32
      %cond3A_279 = arith.constant 0 : i32
      %cond3A_280 = arith.cmpi ne, %convert_element_type3A_278, %cond3A_279 : i32
      scf.if %cond3A_280 {
        %sub3A_636 = arith.constant 4 : i32
        %sub3A_637 = arith.subi %add3A_255, %sub3A_636 : i32
        %dma_wait3A_638 = arith.constant 1 : i32
        %dma_wait3A_639 = arith.constant 0 : i32
        %dma_wait3A_640 = arith.constant 0 : i32
        %dma_wait3A_641 = arith.constant 0 : i32
        %dma_wait3A_642 = tpu.memref_slice %arg7[%dma_wait3A_638, %dma_wait3A_639, %dma_wait3A_640, %dma_wait3A_641] : memref<4x8x8x128xf32, #tpu.memory_space<vmem>> -> memref<1x8x8x128xf32, #tpu.memory_space<vmem>>
        %dma_wait3A_643 = tpu.memref_squeeze %dma_wait3A_642 : memref<1x8x8x128xf32, #tpu.memory_space<vmem>> -> memref<8x8x128xf32, #tpu.memory_space<vmem>>
        %dma_wait3A_644 = arith.constant 0 : i32
        %dma_wait3A_645 = arith.constant 0 : i32
        %dma_wait3A_646 = arith.constant 0 : i32
        %dma_wait3A_647 = tpu.memref_slice %arg4[%sub3A_637, %dma_wait3A_644, %add3A, %dma_wait3A_645, %dma_wait3A_646] : memref<200x8x32x8x128xf32, #tpu.memory_space<hbm>> -> memref<1x8x1x8x128xf32, #tpu.memory_space<hbm>>
        %dma_wait3A_648 = tpu.memref_squeeze %dma_wait3A_647 : memref<1x8x1x8x128xf32, #tpu.memory_space<hbm>> -> memref<8x8x128xf32, #tpu.memory_space<hbm>>
        %dma_wait3A_649 = arith.constant 0 : i32
        %dma_wait3A_650 = arith.constant 0 : i32
        %dma_wait3A_651 = arith.constant 0 : i32
        %dma_wait3A_652 = tpu.memref_slice %arg4[%sub3A_637, %dma_wait3A_649, %add3A, %dma_wait3A_650, %dma_wait3A_651] : memref<200x8x32x8x128xf32, #tpu.memory_space<hbm>> -> memref<1x8x1x8x128xf32, #tpu.memory_space<hbm>>
        %dma_wait3A_653 = tpu.memref_squeeze %dma_wait3A_652 : memref<1x8x1x8x128xf32, #tpu.memory_space<hbm>> -> memref<8x8x128xf32, #tpu.memory_space<hbm>>
        %dma_wait3A_654 = arith.constant 0 : i32
        %dma_wait3A_655 = arith.constant 0 : i32
        %dma_wait3A_656 = arith.constant 0 : i32
        %dma_wait3A_657 = tpu.memref_slice %arg7[%dma_wait3A_638, %dma_wait3A_654, %dma_wait3A_655, %dma_wait3A_656] : memref<4x8x8x128xf32, #tpu.memory_space<vmem>> -> memref<1x8x8x128xf32, #tpu.memory_space<vmem>>
        %dma_wait3A_658 = tpu.memref_squeeze %dma_wait3A_657 : memref<1x8x8x128xf32, #tpu.memory_space<vmem>> -> memref<8x8x128xf32, #tpu.memory_space<vmem>>
        tpu.wait_dma2 semaphore(%arg13 : memref<!tpu.dma_semaphore, #tpu.memory_space<semaphore_mem>>) src(%dma_wait3A_658 : memref<8x8x128xf32, #tpu.memory_space<vmem>>) dst(%dma_wait3A_653 : memref<8x8x128xf32, #tpu.memory_space<hbm>>)
      } else {
      }
      %add3A_281 = arith.constant 0 : i32
      %add3A_282 = vector.broadcast %add3A_281 : i32 to vector<16xi32>
      %add3A_283 = arith.addi %add3A_282, %iota3A : vector<16xi32>
      %add3A_284 = arith.constant 16 : i32
      %add3A_285 = vector.broadcast %add3A_284 : i32 to vector<16xi32>
      %add3A_286 = arith.addi %add3A_285, %iota3A : vector<16xi32>
      %add3A_287 = arith.constant 32 : i32
      %add3A_288 = vector.broadcast %add3A_287 : i32 to vector<16xi32>
      %add3A_289 = arith.addi %add3A_288, %iota3A : vector<16xi32>
      %add3A_290 = arith.constant 48 : i32
      %add3A_291 = vector.broadcast %add3A_290 : i32 to vector<16xi32>
      %add3A_292 = arith.addi %add3A_291, %iota3A : vector<16xi32>
      %add3A_293 = arith.constant 64 : i32
      %add3A_294 = vector.broadcast %add3A_293 : i32 to vector<16xi32>
      %add3A_295 = arith.addi %add3A_294, %iota3A : vector<16xi32>
      %add3A_296 = arith.constant 80 : i32
      %add3A_297 = vector.broadcast %add3A_296 : i32 to vector<16xi32>
      %add3A_298 = arith.addi %add3A_297, %iota3A : vector<16xi32>
      %add3A_299 = arith.constant 96 : i32
      %add3A_300 = vector.broadcast %add3A_299 : i32 to vector<16xi32>
      %add3A_301 = arith.addi %add3A_300, %iota3A : vector<16xi32>
      %add3A_302 = arith.constant 112 : i32
      %add3A_303 = vector.broadcast %add3A_302 : i32 to vector<16xi32>
      %add3A_304 = arith.addi %add3A_303, %iota3A : vector<16xi32>
      %get3A_305 = arith.index_cast %add3A_255 : i32 to index
      %get3A_306 = arith.constant 0 : index
      %get3A_307 = tpu.vector_load %arg5[%get3A_305, %get3A_306] {strides = array<i32>} : memref<200x128xi32, #tpu.memory_space<vmem>>, vector<16xi32>,
      %eq3A_308 = arith.constant 0 : i32
      %eq3A_309 = vector.broadcast %eq3A_308 : i32 to vector<16xi32>
      %eq3A_310 = arith.cmpi eq, %get3A_307, %eq3A_309 : vector<16xi32>
      %get3A_311 = arith.index_cast %add3A_255 : i32 to index
      %get3A_312 = arith.constant 16 : index
      %get3A_313 = tpu.vector_load %arg5[%get3A_311, %get3A_312] {strides = array<i32>} : memref<200x128xi32, #tpu.memory_space<vmem>>, vector<16xi32>,
      %eq3A_314 = arith.constant 0 : i32
      %eq3A_315 = vector.broadcast %eq3A_314 : i32 to vector<16xi32>
      %eq3A_316 = arith.cmpi eq, %get3A_313, %eq3A_315 : vector<16xi32>
      %get3A_317 = arith.index_cast %add3A_255 : i32 to index
      %get3A_318 = arith.constant 32 : index
      %get3A_319 = tpu.vector_load %arg5[%get3A_317, %get3A_318] {strides = array<i32>} : memref<200x128xi32, #tpu.memory_space<vmem>>, vector<16xi32>,
      %eq3A_320 = arith.constant 0 : i32
      %eq3A_321 = vector.broadcast %eq3A_320 : i32 to vector<16xi32>
      %eq3A_322 = arith.cmpi eq, %get3A_319, %eq3A_321 : vector<16xi32>
      %get3A_323 = arith.index_cast %add3A_255 : i32 to index
      %get3A_324 = arith.constant 48 : index
      %get3A_325 = tpu.vector_load %arg5[%get3A_323, %get3A_324] {strides = array<i32>} : memref<200x128xi32, #tpu.memory_space<vmem>>, vector<16xi32>,
      %eq3A_326 = arith.constant 0 : i32
      %eq3A_327 = vector.broadcast %eq3A_326 : i32 to vector<16xi32>
      %eq3A_328 = arith.cmpi eq, %get3A_325, %eq3A_327 : vector<16xi32>
      %get3A_329 = arith.index_cast %add3A_255 : i32 to index
      %get3A_330 = arith.constant 64 : index
      %get3A_331 = tpu.vector_load %arg5[%get3A_329, %get3A_330] {strides = array<i32>} : memref<200x128xi32, #tpu.memory_space<vmem>>, vector<16xi32>,
      %eq3A_332 = arith.constant 0 : i32
      %eq3A_333 = vector.broadcast %eq3A_332 : i32 to vector<16xi32>
      %eq3A_334 = arith.cmpi eq, %get3A_331, %eq3A_333 : vector<16xi32>
      %get3A_335 = arith.index_cast %add3A_255 : i32 to index
      %get3A_336 = arith.constant 80 : index
      %get3A_337 = tpu.vector_load %arg5[%get3A_335, %get3A_336] {strides = array<i32>} : memref<200x128xi32, #tpu.memory_space<vmem>>, vector<16xi32>,
      %eq3A_338 = arith.constant 0 : i32
      %eq3A_339 = vector.broadcast %eq3A_338 : i32 to vector<16xi32>
      %eq3A_340 = arith.cmpi eq, %get3A_337, %eq3A_339 : vector<16xi32>
      %get3A_341 = arith.index_cast %add3A_255 : i32 to index
      %get3A_342 = arith.constant 96 : index
      %get3A_343 = tpu.vector_load %arg5[%get3A_341, %get3A_342] {strides = array<i32>} : memref<200x128xi32, #tpu.memory_space<vmem>>, vector<16xi32>,
      %eq3A_344 = arith.constant 0 : i32
      %eq3A_345 = vector.broadcast %eq3A_344 : i32 to vector<16xi32>
      %eq3A_346 = arith.cmpi eq, %get3A_343, %eq3A_345 : vector<16xi32>
      %get3A_347 = arith.index_cast %add3A_255 : i32 to index
      %get3A_348 = arith.constant 112 : index
      %get3A_349 = tpu.vector_load %arg5[%get3A_347, %get3A_348] {strides = array<i32>} : memref<200x128xi32, #tpu.memory_space<vmem>>, vector<16xi32>,
      %eq3A_350 = arith.constant 0 : i32
      %eq3A_351 = vector.broadcast %eq3A_350 : i32 to vector<16xi32>
      %eq3A_352 = arith.cmpi eq, %get3A_349, %eq3A_351 : vector<16xi32>
      %scan3A_353 = arith.constant 0 : i32
      %scan3A_354 = arith.constant 0 : i32
      %scan3A_355 = arith.constant 32 : i32
      %scan3A_356 = arith.addi %scan3A_354, %scan3A_355 : i32
      %scan3A_357 = arith.constant 1 : i32
      scf.for %scan3A_636 = %scan3A_354 to %scan3A_356 step %scan3A_357  : i32 {
        %mul3A_637 = arith.constant 2 : i32
        %mul3A_638 = arith.muli %mul3A_637, %scan3A_636 : i32
        %add3A_639 = arith.constant 0 : i32
        %add3A_640 = arith.addi %mul3A_638, %add3A_639 : i32
        %add3A_641 = vector.broadcast %add3A_640 : i32 to vector<16xi32>
        %add3A_642 = arith.addi %iota3A, %add3A_641 : vector<16xi32>
        %and3A = arith.constant 63 : i32
        %and3A_643 = vector.broadcast %and3A : i32 to vector<16xi32>
        %and3A_644 = arith.andi %add3A_642, %and3A_643 : vector<16xi32>
        %shift_right_arithmetic3A = arith.constant 3 : i32
        %shift_right_arithmetic3A_645 = vector.broadcast %shift_right_arithmetic3A : i32 to vector<16xi32>
        %shift_right_arithmetic3A_646 = arith.shrsi %and3A_644, %shift_right_arithmetic3A_645 : vector<16xi32>
        %and3A_647 = arith.constant 7 : i32
        %and3A_648 = vector.broadcast %and3A_647 : i32 to vector<16xi32>
        %and3A_649 = arith.andi %and3A_644, %and3A_648 : vector<16xi32>
        %gather3A = arith.constant 1 : i32
        %gather3A_650 = arith.constant 0 : i32
        %gather3A_651 = arith.constant 0 : i32
        %gather3A_652 = tpu.memref_slice %arg6[%gather3A, %gather3A_650, %gather3A_651] : memref<4x128x64xf32, #tpu.memory_space<vmem>> -> memref<1x128x64xf32, #tpu.memory_space<vmem>>
        %gather3A_653 = tpu.memref_squeeze %gather3A_652 : memref<1x128x64xf32, #tpu.memory_space<vmem>> -> memref<128x64xf32, #tpu.memory_space<vmem>>
        %gather3A_654 = tpu.vector_load_idx %gather3A_653[%add3A_283, %and3A_644] : memref<128x64xf32, #tpu.memory_space<vmem>>[vector<16xi32>, vector<16xi32>], vector<16xf32>,
        %gather3A_655 = arith.constant 1 : i32
        %gather3A_656 = arith.constant 0 : i32
        %gather3A_657 = arith.constant 0 : i32
        %gather3A_658 = tpu.memref_slice %arg6[%gather3A_655, %gather3A_656, %gather3A_657] : memref<4x128x64xf32, #tpu.memory_space<vmem>> -> memref<1x128x64xf32, #tpu.memory_space<vmem>>
        %gather3A_659 = tpu.memref_squeeze %gather3A_658 : memref<1x128x64xf32, #tpu.memory_space<vmem>> -> memref<128x64xf32, #tpu.memory_space<vmem>>
        %gather3A_660 = tpu.vector_load_idx %gather3A_659[%add3A_286, %and3A_644] : memref<128x64xf32, #tpu.memory_space<vmem>>[vector<16xi32>, vector<16xi32>], vector<16xf32>,
        %gather3A_661 = arith.constant 1 : i32
        %gather3A_662 = arith.constant 0 : i32
        %gather3A_663 = arith.constant 0 : i32
        %gather3A_664 = tpu.memref_slice %arg6[%gather3A_661, %gather3A_662, %gather3A_663] : memref<4x128x64xf32, #tpu.memory_space<vmem>> -> memref<1x128x64xf32, #tpu.memory_space<vmem>>
        %gather3A_665 = tpu.memref_squeeze %gather3A_664 : memref<1x128x64xf32, #tpu.memory_space<vmem>> -> memref<128x64xf32, #tpu.memory_space<vmem>>
        %gather3A_666 = tpu.vector_load_idx %gather3A_665[%add3A_289, %and3A_644] : memref<128x64xf32, #tpu.memory_space<vmem>>[vector<16xi32>, vector<16xi32>], vector<16xf32>,
        %gather3A_667 = arith.constant 1 : i32
        %gather3A_668 = arith.constant 0 : i32
        %gather3A_669 = arith.constant 0 : i32
        %gather3A_670 = tpu.memref_slice %arg6[%gather3A_667, %gather3A_668, %gather3A_669] : memref<4x128x64xf32, #tpu.memory_space<vmem>> -> memref<1x128x64xf32, #tpu.memory_space<vmem>>
        %gather3A_671 = tpu.memref_squeeze %gather3A_670 : memref<1x128x64xf32, #tpu.memory_space<vmem>> -> memref<128x64xf32, #tpu.memory_space<vmem>>
        %gather3A_672 = tpu.vector_load_idx %gather3A_671[%add3A_292, %and3A_644] : memref<128x64xf32, #tpu.memory_space<vmem>>[vector<16xi32>, vector<16xi32>], vector<16xf32>,
        %gather3A_673 = arith.constant 1 : i32
        %gather3A_674 = arith.constant 0 : i32
        %gather3A_675 = arith.constant 0 : i32
        %gather3A_676 = tpu.memref_slice %arg6[%gather3A_673, %gather3A_674, %gather3A_675] : memref<4x128x64xf32, #tpu.memory_space<vmem>> -> memref<1x128x64xf32, #tpu.memory_space<vmem>>
        %gather3A_677 = tpu.memref_squeeze %gather3A_676 : memref<1x128x64xf32, #tpu.memory_space<vmem>> -> memref<128x64xf32, #tpu.memory_space<vmem>>
        %gather3A_678 = tpu.vector_load_idx %gather3A_677[%add3A_295, %and3A_644] : memref<128x64xf32, #tpu.memory_space<vmem>>[vector<16xi32>, vector<16xi32>], vector<16xf32>,
        %gather3A_679 = arith.constant 1 : i32
        %gather3A_680 = arith.constant 0 : i32
        %gather3A_681 = arith.constant 0 : i32
        %gather3A_682 = tpu.memref_slice %arg6[%gather3A_679, %gather3A_680, %gather3A_681] : memref<4x128x64xf32, #tpu.memory_space<vmem>> -> memref<1x128x64xf32, #tpu.memory_space<vmem>>
        %gather3A_683 = tpu.memref_squeeze %gather3A_682 : memref<1x128x64xf32, #tpu.memory_space<vmem>> -> memref<128x64xf32, #tpu.memory_space<vmem>>
        %gather3A_684 = tpu.vector_load_idx %gather3A_683[%add3A_298, %and3A_644] : memref<128x64xf32, #tpu.memory_space<vmem>>[vector<16xi32>, vector<16xi32>], vector<16xf32>,
        %gather3A_685 = arith.constant 1 : i32
        %gather3A_686 = arith.constant 0 : i32
        %gather3A_687 = arith.constant 0 : i32
        %gather3A_688 = tpu.memref_slice %arg6[%gather3A_685, %gather3A_686, %gather3A_687] : memref<4x128x64xf32, #tpu.memory_space<vmem>> -> memref<1x128x64xf32, #tpu.memory_space<vmem>>
        %gather3A_689 = tpu.memref_squeeze %gather3A_688 : memref<1x128x64xf32, #tpu.memory_space<vmem>> -> memref<128x64xf32, #tpu.memory_space<vmem>>
        %gather3A_690 = tpu.vector_load_idx %gather3A_689[%add3A_301, %and3A_644] : memref<128x64xf32, #tpu.memory_space<vmem>>[vector<16xi32>, vector<16xi32>], vector<16xf32>,
        %gather3A_691 = arith.constant 1 : i32
        %gather3A_692 = arith.constant 0 : i32
        %gather3A_693 = arith.constant 0 : i32
        %gather3A_694 = tpu.memref_slice %arg6[%gather3A_691, %gather3A_692, %gather3A_693] : memref<4x128x64xf32, #tpu.memory_space<vmem>> -> memref<1x128x64xf32, #tpu.memory_space<vmem>>
        %gather3A_695 = tpu.memref_squeeze %gather3A_694 : memref<1x128x64xf32, #tpu.memory_space<vmem>> -> memref<128x64xf32, #tpu.memory_space<vmem>>
        %gather3A_696 = tpu.vector_load_idx %gather3A_695[%add3A_304, %and3A_644] : memref<128x64xf32, #tpu.memory_space<vmem>>[vector<16xi32>, vector<16xi32>], vector<16xf32>,
        %jit3A = arith.constant 0.000000e+00 : f32
        %broadcast_in_dim3A = vector.broadcast %jit3A : f32 to vector<16xf32>
        %select_n3A = arith.select %eq3A_310, %broadcast_in_dim3A, %gather3A_654 : vector<16xi1>, vector<16xf32>
        %scatter3A = arith.constant 1 : i32
        %scatter3A_697 = arith.constant 0 : i32
        %scatter3A_698 = arith.constant 0 : i32
        %scatter3A_699 = arith.constant 0 : i32
        %scatter3A_700 = tpu.memref_slice %arg7[%scatter3A, %scatter3A_697, %scatter3A_698, %scatter3A_699] : memref<4x8x8x128xf32, #tpu.memory_space<vmem>> -> memref<1x8x8x128xf32, #tpu.memory_space<vmem>>
        %scatter3A_701 = tpu.memref_squeeze %scatter3A_700 : memref<1x8x8x128xf32, #tpu.memory_space<vmem>> -> memref<8x8x128xf32, #tpu.memory_space<vmem>>
        tpu.vector_store_idx %scatter3A_701[%shift_right_arithmetic3A_646, %and3A_649, %add3A_283], %select_n3A : memref<8x8x128xf32, #tpu.memory_space<vmem>>[vector<16xi32>, vector<16xi32>, vector<16xi32>], vector<16xf32>,
        %jit3A_702 = arith.constant 0.000000e+00 : f32
        %broadcast_in_dim3A_703 = vector.broadcast %jit3A_702 : f32 to vector<16xf32>
        %select_n3A_704 = arith.select %eq3A_316, %broadcast_in_dim3A_703, %gather3A_660 : vector<16xi1>, vector<16xf32>
        %scatter3A_705 = arith.constant 1 : i32
        %scatter3A_706 = arith.constant 0 : i32
        %scatter3A_707 = arith.constant 0 : i32
        %scatter3A_708 = arith.constant 0 : i32
        %scatter3A_709 = tpu.memref_slice %arg7[%scatter3A_705, %scatter3A_706, %scatter3A_707, %scatter3A_708] : memref<4x8x8x128xf32, #tpu.memory_space<vmem>> -> memref<1x8x8x128xf32, #tpu.memory_space<vmem>>
        %scatter3A_710 = tpu.memref_squeeze %scatter3A_709 : memref<1x8x8x128xf32, #tpu.memory_space<vmem>> -> memref<8x8x128xf32, #tpu.memory_space<vmem>>
        tpu.vector_store_idx %scatter3A_710[%shift_right_arithmetic3A_646, %and3A_649, %add3A_286], %select_n3A_704 : memref<8x8x128xf32, #tpu.memory_space<vmem>>[vector<16xi32>, vector<16xi32>, vector<16xi32>], vector<16xf32>,
        %jit3A_711 = arith.constant 0.000000e+00 : f32
        %broadcast_in_dim3A_712 = vector.broadcast %jit3A_711 : f32 to vector<16xf32>
        %select_n3A_713 = arith.select %eq3A_322, %broadcast_in_dim3A_712, %gather3A_666 : vector<16xi1>, vector<16xf32>
        %scatter3A_714 = arith.constant 1 : i32
        %scatter3A_715 = arith.constant 0 : i32
        %scatter3A_716 = arith.constant 0 : i32
        %scatter3A_717 = arith.constant 0 : i32
        %scatter3A_718 = tpu.memref_slice %arg7[%scatter3A_714, %scatter3A_715, %scatter3A_716, %scatter3A_717] : memref<4x8x8x128xf32, #tpu.memory_space<vmem>> -> memref<1x8x8x128xf32, #tpu.memory_space<vmem>>
        %scatter3A_719 = tpu.memref_squeeze %scatter3A_718 : memref<1x8x8x128xf32, #tpu.memory_space<vmem>> -> memref<8x8x128xf32, #tpu.memory_space<vmem>>
        tpu.vector_store_idx %scatter3A_719[%shift_right_arithmetic3A_646, %and3A_649, %add3A_289], %select_n3A_713 : memref<8x8x128xf32, #tpu.memory_space<vmem>>[vector<16xi32>, vector<16xi32>, vector<16xi32>], vector<16xf32>,
        %jit3A_720 = arith.constant 0.000000e+00 : f32
        %broadcast_in_dim3A_721 = vector.broadcast %jit3A_720 : f32 to vector<16xf32>
        %select_n3A_722 = arith.select %eq3A_328, %broadcast_in_dim3A_721, %gather3A_672 : vector<16xi1>, vector<16xf32>
        %scatter3A_723 = arith.constant 1 : i32
        %scatter3A_724 = arith.constant 0 : i32
        %scatter3A_725 = arith.constant 0 : i32
        %scatter3A_726 = arith.constant 0 : i32
        %scatter3A_727 = tpu.memref_slice %arg7[%scatter3A_723, %scatter3A_724, %scatter3A_725, %scatter3A_726] : memref<4x8x8x128xf32, #tpu.memory_space<vmem>> -> memref<1x8x8x128xf32, #tpu.memory_space<vmem>>
        %scatter3A_728 = tpu.memref_squeeze %scatter3A_727 : memref<1x8x8x128xf32, #tpu.memory_space<vmem>> -> memref<8x8x128xf32, #tpu.memory_space<vmem>>
        tpu.vector_store_idx %scatter3A_728[%shift_right_arithmetic3A_646, %and3A_649, %add3A_292], %select_n3A_722 : memref<8x8x128xf32, #tpu.memory_space<vmem>>[vector<16xi32>, vector<16xi32>, vector<16xi32>], vector<16xf32>,
        %jit3A_729 = arith.constant 0.000000e+00 : f32
        %broadcast_in_dim3A_730 = vector.broadcast %jit3A_729 : f32 to vector<16xf32>
        %select_n3A_731 = arith.select %eq3A_334, %broadcast_in_dim3A_730, %gather3A_678 : vector<16xi1>, vector<16xf32>
        %scatter3A_732 = arith.constant 1 : i32
        %scatter3A_733 = arith.constant 0 : i32
        %scatter3A_734 = arith.constant 0 : i32
        %scatter3A_735 = arith.constant 0 : i32
        %scatter3A_736 = tpu.memref_slice %arg7[%scatter3A_732, %scatter3A_733, %scatter3A_734, %scatter3A_735] : memref<4x8x8x128xf32, #tpu.memory_space<vmem>> -> memref<1x8x8x128xf32, #tpu.memory_space<vmem>>
        %scatter3A_737 = tpu.memref_squeeze %scatter3A_736 : memref<1x8x8x128xf32, #tpu.memory_space<vmem>> -> memref<8x8x128xf32, #tpu.memory_space<vmem>>
        tpu.vector_store_idx %scatter3A_737[%shift_right_arithmetic3A_646, %and3A_649, %add3A_295], %select_n3A_731 : memref<8x8x128xf32, #tpu.memory_space<vmem>>[vector<16xi32>, vector<16xi32>, vector<16xi32>], vector<16xf32>,
        %jit3A_738 = arith.constant 0.000000e+00 : f32
        %broadcast_in_dim3A_739 = vector.broadcast %jit3A_738 : f32 to vector<16xf32>
        %select_n3A_740 = arith.select %eq3A_340, %broadcast_in_dim3A_739, %gather3A_684 : vector<16xi1>, vector<16xf32>
        %scatter3A_741 = arith.constant 1 : i32
        %scatter3A_742 = arith.constant 0 : i32
        %scatter3A_743 = arith.constant 0 : i32
        %scatter3A_744 = arith.constant 0 : i32
        %scatter3A_745 = tpu.memref_slice %arg7[%scatter3A_741, %scatter3A_742, %scatter3A_743, %scatter3A_744] : memref<4x8x8x128xf32, #tpu.memory_space<vmem>> -> memref<1x8x8x128xf32, #tpu.memory_space<vmem>>
        %scatter3A_746 = tpu.memref_squeeze %scatter3A_745 : memref<1x8x8x128xf32, #tpu.memory_space<vmem>> -> memref<8x8x128xf32, #tpu.memory_space<vmem>>
        tpu.vector_store_idx %scatter3A_746[%shift_right_arithmetic3A_646, %and3A_649, %add3A_298], %select_n3A_740 : memref<8x8x128xf32, #tpu.memory_space<vmem>>[vector<16xi32>, vector<16xi32>, vector<16xi32>], vector<16xf32>,
        %jit3A_747 = arith.constant 0.000000e+00 : f32
        %broadcast_in_dim3A_748 = vector.broadcast %jit3A_747 : f32 to vector<16xf32>
        %select_n3A_749 = arith.select %eq3A_346, %broadcast_in_dim3A_748, %gather3A_690 : vector<16xi1>, vector<16xf32>
        %scatter3A_750 = arith.constant 1 : i32
        %scatter3A_751 = arith.constant 0 : i32
        %scatter3A_752 = arith.constant 0 : i32
        %scatter3A_753 = arith.constant 0 : i32
        %scatter3A_754 = tpu.memref_slice %arg7[%scatter3A_750, %scatter3A_751, %scatter3A_752, %scatter3A_753] : memref<4x8x8x128xf32, #tpu.memory_space<vmem>> -> memref<1x8x8x128xf32, #tpu.memory_space<vmem>>
        %scatter3A_755 = tpu.memref_squeeze %scatter3A_754 : memref<1x8x8x128xf32, #tpu.memory_space<vmem>> -> memref<8x8x128xf32, #tpu.memory_space<vmem>>
        tpu.vector_store_idx %scatter3A_755[%shift_right_arithmetic3A_646, %and3A_649, %add3A_301], %select_n3A_749 : memref<8x8x128xf32, #tpu.memory_space<vmem>>[vector<16xi32>, vector<16xi32>, vector<16xi32>], vector<16xf32>,
        %jit3A_756 = arith.constant 0.000000e+00 : f32
        %broadcast_in_dim3A_757 = vector.broadcast %jit3A_756 : f32 to vector<16xf32>
        %select_n3A_758 = arith.select %eq3A_352, %broadcast_in_dim3A_757, %gather3A_696 : vector<16xi1>, vector<16xf32>
        %scatter3A_759 = arith.constant 1 : i32
        %scatter3A_760 = arith.constant 0 : i32
        %scatter3A_761 = arith.constant 0 : i32
        %scatter3A_762 = arith.constant 0 : i32
        %scatter3A_763 = tpu.memref_slice %arg7[%scatter3A_759, %scatter3A_760, %scatter3A_761, %scatter3A_762] : memref<4x8x8x128xf32, #tpu.memory_space<vmem>> -> memref<1x8x8x128xf32, #tpu.memory_space<vmem>>
        %scatter3A_764 = tpu.memref_squeeze %scatter3A_763 : memref<1x8x8x128xf32, #tpu.memory_space<vmem>> -> memref<8x8x128xf32, #tpu.memory_space<vmem>>
        tpu.vector_store_idx %scatter3A_764[%shift_right_arithmetic3A_646, %and3A_649, %add3A_304], %select_n3A_758 : memref<8x8x128xf32, #tpu.memory_space<vmem>>[vector<16xi32>, vector<16xi32>, vector<16xi32>], vector<16xf32>,
        %mul3A_765 = arith.constant 2 : i32
        %mul3A_766 = arith.muli %mul3A_765, %scan3A_636 : i32
        %add3A_767 = arith.constant 1 : i32
        %add3A_768 = arith.addi %mul3A_766, %add3A_767 : i32
        %add3A_769 = vector.broadcast %add3A_768 : i32 to vector<16xi32>
        %add3A_770 = arith.addi %iota3A, %add3A_769 : vector<16xi32>
        %and3A_771 = arith.constant 63 : i32
        %and3A_772 = vector.broadcast %and3A_771 : i32 to vector<16xi32>
        %and3A_773 = arith.andi %add3A_770, %and3A_772 : vector<16xi32>
        %shift_right_arithmetic3A_774 = arith.constant 3 : i32
        %shift_right_arithmetic3A_775 = vector.broadcast %shift_right_arithmetic3A_774 : i32 to vector<16xi32>
        %shift_right_arithmetic3A_776 = arith.shrsi %and3A_773, %shift_right_arithmetic3A_775 : vector<16xi32>
        %and3A_777 = arith.constant 7 : i32
        %and3A_778 = vector.broadcast %and3A_777 : i32 to vector<16xi32>
        %and3A_779 = arith.andi %and3A_773, %and3A_778 : vector<16xi32>
        %gather3A_780 = arith.constant 1 : i32
        %gather3A_781 = arith.constant 0 : i32
        %gather3A_782 = arith.constant 0 : i32
        %gather3A_783 = tpu.memref_slice %arg6[%gather3A_780, %gather3A_781, %gather3A_782] : memref<4x128x64xf32, #tpu.memory_space<vmem>> -> memref<1x128x64xf32, #tpu.memory_space<vmem>>
        %gather3A_784 = tpu.memref_squeeze %gather3A_783 : memref<1x128x64xf32, #tpu.memory_space<vmem>> -> memref<128x64xf32, #tpu.memory_space<vmem>>
        %gather3A_785 = tpu.vector_load_idx %gather3A_784[%add3A_283, %and3A_773] : memref<128x64xf32, #tpu.memory_space<vmem>>[vector<16xi32>, vector<16xi32>], vector<16xf32>,
        %gather3A_786 = arith.constant 1 : i32
        %gather3A_787 = arith.constant 0 : i32
        %gather3A_788 = arith.constant 0 : i32
        %gather3A_789 = tpu.memref_slice %arg6[%gather3A_786, %gather3A_787, %gather3A_788] : memref<4x128x64xf32, #tpu.memory_space<vmem>> -> memref<1x128x64xf32, #tpu.memory_space<vmem>>
        %gather3A_790 = tpu.memref_squeeze %gather3A_789 : memref<1x128x64xf32, #tpu.memory_space<vmem>> -> memref<128x64xf32, #tpu.memory_space<vmem>>
        %gather3A_791 = tpu.vector_load_idx %gather3A_790[%add3A_286, %and3A_773] : memref<128x64xf32, #tpu.memory_space<vmem>>[vector<16xi32>, vector<16xi32>], vector<16xf32>,
        %gather3A_792 = arith.constant 1 : i32
        %gather3A_793 = arith.constant 0 : i32
        %gather3A_794 = arith.constant 0 : i32
        %gather3A_795 = tpu.memref_slice %arg6[%gather3A_792, %gather3A_793, %gather3A_794] : memref<4x128x64xf32, #tpu.memory_space<vmem>> -> memref<1x128x64xf32, #tpu.memory_space<vmem>>
        %gather3A_796 = tpu.memref_squeeze %gather3A_795 : memref<1x128x64xf32, #tpu.memory_space<vmem>> -> memref<128x64xf32, #tpu.memory_space<vmem>>
        %gather3A_797 = tpu.vector_load_idx %gather3A_796[%add3A_289, %and3A_773] : memref<128x64xf32, #tpu.memory_space<vmem>>[vector<16xi32>, vector<16xi32>], vector<16xf32>,
        %gather3A_798 = arith.constant 1 : i32
        %gather3A_799 = arith.constant 0 : i32
        %gather3A_800 = arith.constant 0 : i32
        %gather3A_801 = tpu.memref_slice %arg6[%gather3A_798, %gather3A_799, %gather3A_800] : memref<4x128x64xf32, #tpu.memory_space<vmem>> -> memref<1x128x64xf32, #tpu.memory_space<vmem>>
        %gather3A_802 = tpu.memref_squeeze %gather3A_801 : memref<1x128x64xf32, #tpu.memory_space<vmem>> -> memref<128x64xf32, #tpu.memory_space<vmem>>
        %gather3A_803 = tpu.vector_load_idx %gather3A_802[%add3A_292, %and3A_773] : memref<128x64xf32, #tpu.memory_space<vmem>>[vector<16xi32>, vector<16xi32>], vector<16xf32>,
        %gather3A_804 = arith.constant 1 : i32
        %gather3A_805 = arith.constant 0 : i32
        %gather3A_806 = arith.constant 0 : i32
        %gather3A_807 = tpu.memref_slice %arg6[%gather3A_804, %gather3A_805, %gather3A_806] : memref<4x128x64xf32, #tpu.memory_space<vmem>> -> memref<1x128x64xf32, #tpu.memory_space<vmem>>
        %gather3A_808 = tpu.memref_squeeze %gather3A_807 : memref<1x128x64xf32, #tpu.memory_space<vmem>> -> memref<128x64xf32, #tpu.memory_space<vmem>>
        %gather3A_809 = tpu.vector_load_idx %gather3A_808[%add3A_295, %and3A_773] : memref<128x64xf32, #tpu.memory_space<vmem>>[vector<16xi32>, vector<16xi32>], vector<16xf32>,
        %gather3A_810 = arith.constant 1 : i32
        %gather3A_811 = arith.constant 0 : i32
        %gather3A_812 = arith.constant 0 : i32
        %gather3A_813 = tpu.memref_slice %arg6[%gather3A_810, %gather3A_811, %gather3A_812] : memref<4x128x64xf32, #tpu.memory_space<vmem>> -> memref<1x128x64xf32, #tpu.memory_space<vmem>>
        %gather3A_814 = tpu.memref_squeeze %gather3A_813 : memref<1x128x64xf32, #tpu.memory_space<vmem>> -> memref<128x64xf32, #tpu.memory_space<vmem>>
        %gather3A_815 = tpu.vector_load_idx %gather3A_814[%add3A_298, %and3A_773] : memref<128x64xf32, #tpu.memory_space<vmem>>[vector<16xi32>, vector<16xi32>], vector<16xf32>,
        %gather3A_816 = arith.constant 1 : i32
        %gather3A_817 = arith.constant 0 : i32
        %gather3A_818 = arith.constant 0 : i32
        %gather3A_819 = tpu.memref_slice %arg6[%gather3A_816, %gather3A_817, %gather3A_818] : memref<4x128x64xf32, #tpu.memory_space<vmem>> -> memref<1x128x64xf32, #tpu.memory_space<vmem>>
        %gather3A_820 = tpu.memref_squeeze %gather3A_819 : memref<1x128x64xf32, #tpu.memory_space<vmem>> -> memref<128x64xf32, #tpu.memory_space<vmem>>
        %gather3A_821 = tpu.vector_load_idx %gather3A_820[%add3A_301, %and3A_773] : memref<128x64xf32, #tpu.memory_space<vmem>>[vector<16xi32>, vector<16xi32>], vector<16xf32>,
        %gather3A_822 = arith.constant 1 : i32
        %gather3A_823 = arith.constant 0 : i32
        %gather3A_824 = arith.constant 0 : i32
        %gather3A_825 = tpu.memref_slice %arg6[%gather3A_822, %gather3A_823, %gather3A_824] : memref<4x128x64xf32, #tpu.memory_space<vmem>> -> memref<1x128x64xf32, #tpu.memory_space<vmem>>
        %gather3A_826 = tpu.memref_squeeze %gather3A_825 : memref<1x128x64xf32, #tpu.memory_space<vmem>> -> memref<128x64xf32, #tpu.memory_space<vmem>>
        %gather3A_827 = tpu.vector_load_idx %gather3A_826[%add3A_304, %and3A_773] : memref<128x64xf32, #tpu.memory_space<vmem>>[vector<16xi32>, vector<16xi32>], vector<16xf32>,
        %jit3A_828 = arith.constant 0.000000e+00 : f32
        %broadcast_in_dim3A_829 = vector.broadcast %jit3A_828 : f32 to vector<16xf32>
        %select_n3A_830 = arith.select %eq3A_310, %broadcast_in_dim3A_829, %gather3A_785 : vector<16xi1>, vector<16xf32>
        %scatter3A_831 = arith.constant 1 : i32
        %scatter3A_832 = arith.constant 0 : i32
        %scatter3A_833 = arith.constant 0 : i32
        %scatter3A_834 = arith.constant 0 : i32
        %scatter3A_835 = tpu.memref_slice %arg7[%scatter3A_831, %scatter3A_832, %scatter3A_833, %scatter3A_834] : memref<4x8x8x128xf32, #tpu.memory_space<vmem>> -> memref<1x8x8x128xf32, #tpu.memory_space<vmem>>
        %scatter3A_836 = tpu.memref_squeeze %scatter3A_835 : memref<1x8x8x128xf32, #tpu.memory_space<vmem>> -> memref<8x8x128xf32, #tpu.memory_space<vmem>>
        tpu.vector_store_idx %scatter3A_836[%shift_right_arithmetic3A_776, %and3A_779, %add3A_283], %select_n3A_830 : memref<8x8x128xf32, #tpu.memory_space<vmem>>[vector<16xi32>, vector<16xi32>, vector<16xi32>], vector<16xf32>,
        %jit3A_837 = arith.constant 0.000000e+00 : f32
        %broadcast_in_dim3A_838 = vector.broadcast %jit3A_837 : f32 to vector<16xf32>
        %select_n3A_839 = arith.select %eq3A_316, %broadcast_in_dim3A_838, %gather3A_791 : vector<16xi1>, vector<16xf32>
        %scatter3A_840 = arith.constant 1 : i32
        %scatter3A_841 = arith.constant 0 : i32
        %scatter3A_842 = arith.constant 0 : i32
        %scatter3A_843 = arith.constant 0 : i32
        %scatter3A_844 = tpu.memref_slice %arg7[%scatter3A_840, %scatter3A_841, %scatter3A_842, %scatter3A_843] : memref<4x8x8x128xf32, #tpu.memory_space<vmem>> -> memref<1x8x8x128xf32, #tpu.memory_space<vmem>>
        %scatter3A_845 = tpu.memref_squeeze %scatter3A_844 : memref<1x8x8x128xf32, #tpu.memory_space<vmem>> -> memref<8x8x128xf32, #tpu.memory_space<vmem>>
        tpu.vector_store_idx %scatter3A_845[%shift_right_arithmetic3A_776, %and3A_779, %add3A_286], %select_n3A_839 : memref<8x8x128xf32, #tpu.memory_space<vmem>>[vector<16xi32>, vector<16xi32>, vector<16xi32>], vector<16xf32>,
        %jit3A_846 = arith.constant 0.000000e+00 : f32
        %broadcast_in_dim3A_847 = vector.broadcast %jit3A_846 : f32 to vector<16xf32>
        %select_n3A_848 = arith.select %eq3A_322, %broadcast_in_dim3A_847, %gather3A_797 : vector<16xi1>, vector<16xf32>
        %scatter3A_849 = arith.constant 1 : i32
        %scatter3A_850 = arith.constant 0 : i32
        %scatter3A_851 = arith.constant 0 : i32
        %scatter3A_852 = arith.constant 0 : i32
        %scatter3A_853 = tpu.memref_slice %arg7[%scatter3A_849, %scatter3A_850, %scatter3A_851, %scatter3A_852] : memref<4x8x8x128xf32, #tpu.memory_space<vmem>> -> memref<1x8x8x128xf32, #tpu.memory_space<vmem>>
        %scatter3A_854 = tpu.memref_squeeze %scatter3A_853 : memref<1x8x8x128xf32, #tpu.memory_space<vmem>> -> memref<8x8x128xf32, #tpu.memory_space<vmem>>
        tpu.vector_store_idx %scatter3A_854[%shift_right_arithmetic3A_776, %and3A_779, %add3A_289], %select_n3A_848 : memref<8x8x128xf32, #tpu.memory_space<vmem>>[vector<16xi32>, vector<16xi32>, vector<16xi32>], vector<16xf32>,
        %jit3A_855 = arith.constant 0.000000e+00 : f32
        %broadcast_in_dim3A_856 = vector.broadcast %jit3A_855 : f32 to vector<16xf32>
        %select_n3A_857 = arith.select %eq3A_328, %broadcast_in_dim3A_856, %gather3A_803 : vector<16xi1>, vector<16xf32>
        %scatter3A_858 = arith.constant 1 : i32
        %scatter3A_859 = arith.constant 0 : i32
        %scatter3A_860 = arith.constant 0 : i32
        %scatter3A_861 = arith.constant 0 : i32
        %scatter3A_862 = tpu.memref_slice %arg7[%scatter3A_858, %scatter3A_859, %scatter3A_860, %scatter3A_861] : memref<4x8x8x128xf32, #tpu.memory_space<vmem>> -> memref<1x8x8x128xf32, #tpu.memory_space<vmem>>
        %scatter3A_863 = tpu.memref_squeeze %scatter3A_862 : memref<1x8x8x128xf32, #tpu.memory_space<vmem>> -> memref<8x8x128xf32, #tpu.memory_space<vmem>>
        tpu.vector_store_idx %scatter3A_863[%shift_right_arithmetic3A_776, %and3A_779, %add3A_292], %select_n3A_857 : memref<8x8x128xf32, #tpu.memory_space<vmem>>[vector<16xi32>, vector<16xi32>, vector<16xi32>], vector<16xf32>,
        %jit3A_864 = arith.constant 0.000000e+00 : f32
        %broadcast_in_dim3A_865 = vector.broadcast %jit3A_864 : f32 to vector<16xf32>
        %select_n3A_866 = arith.select %eq3A_334, %broadcast_in_dim3A_865, %gather3A_809 : vector<16xi1>, vector<16xf32>
        %scatter3A_867 = arith.constant 1 : i32
        %scatter3A_868 = arith.constant 0 : i32
        %scatter3A_869 = arith.constant 0 : i32
        %scatter3A_870 = arith.constant 0 : i32
        %scatter3A_871 = tpu.memref_slice %arg7[%scatter3A_867, %scatter3A_868, %scatter3A_869, %scatter3A_870] : memref<4x8x8x128xf32, #tpu.memory_space<vmem>> -> memref<1x8x8x128xf32, #tpu.memory_space<vmem>>
        %scatter3A_872 = tpu.memref_squeeze %scatter3A_871 : memref<1x8x8x128xf32, #tpu.memory_space<vmem>> -> memref<8x8x128xf32, #tpu.memory_space<vmem>>
        tpu.vector_store_idx %scatter3A_872[%shift_right_arithmetic3A_776, %and3A_779, %add3A_295], %select_n3A_866 : memref<8x8x128xf32, #tpu.memory_space<vmem>>[vector<16xi32>, vector<16xi32>, vector<16xi32>], vector<16xf32>,
        %jit3A_873 = arith.constant 0.000000e+00 : f32
        %broadcast_in_dim3A_874 = vector.broadcast %jit3A_873 : f32 to vector<16xf32>
        %select_n3A_875 = arith.select %eq3A_340, %broadcast_in_dim3A_874, %gather3A_815 : vector<16xi1>, vector<16xf32>
        %scatter3A_876 = arith.constant 1 : i32
        %scatter3A_877 = arith.constant 0 : i32
        %scatter3A_878 = arith.constant 0 : i32
        %scatter3A_879 = arith.constant 0 : i32
        %scatter3A_880 = tpu.memref_slice %arg7[%scatter3A_876, %scatter3A_877, %scatter3A_878, %scatter3A_879] : memref<4x8x8x128xf32, #tpu.memory_space<vmem>> -> memref<1x8x8x128xf32, #tpu.memory_space<vmem>>
        %scatter3A_881 = tpu.memref_squeeze %scatter3A_880 : memref<1x8x8x128xf32, #tpu.memory_space<vmem>> -> memref<8x8x128xf32, #tpu.memory_space<vmem>>
        tpu.vector_store_idx %scatter3A_881[%shift_right_arithmetic3A_776, %and3A_779, %add3A_298], %select_n3A_875 : memref<8x8x128xf32, #tpu.memory_space<vmem>>[vector<16xi32>, vector<16xi32>, vector<16xi32>], vector<16xf32>,
        %jit3A_882 = arith.constant 0.000000e+00 : f32
        %broadcast_in_dim3A_883 = vector.broadcast %jit3A_882 : f32 to vector<16xf32>
        %select_n3A_884 = arith.select %eq3A_346, %broadcast_in_dim3A_883, %gather3A_821 : vector<16xi1>, vector<16xf32>
        %scatter3A_885 = arith.constant 1 : i32
        %scatter3A_886 = arith.constant 0 : i32
        %scatter3A_887 = arith.constant 0 : i32
        %scatter3A_888 = arith.constant 0 : i32
        %scatter3A_889 = tpu.memref_slice %arg7[%scatter3A_885, %scatter3A_886, %scatter3A_887, %scatter3A_888] : memref<4x8x8x128xf32, #tpu.memory_space<vmem>> -> memref<1x8x8x128xf32, #tpu.memory_space<vmem>>
        %scatter3A_890 = tpu.memref_squeeze %scatter3A_889 : memref<1x8x8x128xf32, #tpu.memory_space<vmem>> -> memref<8x8x128xf32, #tpu.memory_space<vmem>>
        tpu.vector_store_idx %scatter3A_890[%shift_right_arithmetic3A_776, %and3A_779, %add3A_301], %select_n3A_884 : memref<8x8x128xf32, #tpu.memory_space<vmem>>[vector<16xi32>, vector<16xi32>, vector<16xi32>], vector<16xf32>,
        %jit3A_891 = arith.constant 0.000000e+00 : f32
        %broadcast_in_dim3A_892 = vector.broadcast %jit3A_891 : f32 to vector<16xf32>
        %select_n3A_893 = arith.select %eq3A_352, %broadcast_in_dim3A_892, %gather3A_827 : vector<16xi1>, vector<16xf32>
        %scatter3A_894 = arith.constant 1 : i32
        %scatter3A_895 = arith.constant 0 : i32
        %scatter3A_896 = arith.constant 0 : i32
        %scatter3A_897 = arith.constant 0 : i32
        %scatter3A_898 = tpu.memref_slice %arg7[%scatter3A_894, %scatter3A_895, %scatter3A_896, %scatter3A_897] : memref<4x8x8x128xf32, #tpu.memory_space<vmem>> -> memref<1x8x8x128xf32, #tpu.memory_space<vmem>>
        %scatter3A_899 = tpu.memref_squeeze %scatter3A_898 : memref<1x8x8x128xf32, #tpu.memory_space<vmem>> -> memref<8x8x128xf32, #tpu.memory_space<vmem>>
        tpu.vector_store_idx %scatter3A_899[%shift_right_arithmetic3A_776, %and3A_779, %add3A_304], %select_n3A_893 : memref<8x8x128xf32, #tpu.memory_space<vmem>>[vector<16xi32>, vector<16xi32>, vector<16xi32>], vector<16xf32>,
      }
      %scan3A_358 = arith.constant 32 : i32
      %dma_start3A_359 = arith.constant 1 : i32
      %dma_start3A_360 = arith.constant 0 : i32
      %dma_start3A_361 = arith.constant 0 : i32
      %dma_start3A_362 = arith.constant 0 : i32
      %dma_start3A_363 = tpu.memref_slice %arg7[%dma_start3A_359, %dma_start3A_360, %dma_start3A_361, %dma_start3A_362] : memref<4x8x8x128xf32, #tpu.memory_space<vmem>> -> memref<1x8x8x128xf32, #tpu.memory_space<vmem>>
      %dma_start3A_364 = tpu.memref_squeeze %dma_start3A_363 : memref<1x8x8x128xf32, #tpu.memory_space<vmem>> -> memref<8x8x128xf32, #tpu.memory_space<vmem>>
      %dma_start3A_365 = arith.constant 0 : i32
      %dma_start3A_366 = arith.constant 0 : i32
      %dma_start3A_367 = arith.constant 0 : i32
      %dma_start3A_368 = tpu.memref_slice %arg4[%add3A_255, %dma_start3A_365, %add3A, %dma_start3A_366, %dma_start3A_367] : memref<200x8x32x8x128xf32, #tpu.memory_space<hbm>> -> memref<1x8x1x8x128xf32, #tpu.memory_space<hbm>>
      %dma_start3A_369 = tpu.memref_squeeze %dma_start3A_368 : memref<1x8x1x8x128xf32, #tpu.memory_space<hbm>> -> memref<8x8x128xf32, #tpu.memory_space<hbm>>
      %dma_start3A_370 = arith.constant 0 : i32
      %dma_start3A_371 = arith.constant 0 : i32
      %dma_start3A_372 = arith.constant 0 : i32
      %dma_start3A_373 = tpu.memref_slice %arg4[%add3A_255, %dma_start3A_370, %add3A, %dma_start3A_371, %dma_start3A_372] : memref<200x8x32x8x128xf32, #tpu.memory_space<hbm>> -> memref<1x8x1x8x128xf32, #tpu.memory_space<hbm>>
      %dma_start3A_374 = tpu.memref_squeeze %dma_start3A_373 : memref<1x8x1x8x128xf32, #tpu.memory_space<hbm>> -> memref<8x8x128xf32, #tpu.memory_space<hbm>>
      %dma_start3A_375 = arith.constant 0 : i32
      %dma_start3A_376 = arith.constant 0 : i32
      %dma_start3A_377 = arith.constant 0 : i32
      %dma_start3A_378 = tpu.memref_slice %arg7[%dma_start3A_359, %dma_start3A_375, %dma_start3A_376, %dma_start3A_377] : memref<4x8x8x128xf32, #tpu.memory_space<vmem>> -> memref<1x8x8x128xf32, #tpu.memory_space<vmem>>
      %dma_start3A_379 = tpu.memref_squeeze %dma_start3A_378 : memref<1x8x8x128xf32, #tpu.memory_space<vmem>> -> memref<8x8x128xf32, #tpu.memory_space<vmem>>
      tpu.enqueue_dma source(%dma_start3A_379 : memref<8x8x128xf32, #tpu.memory_space<vmem>>) target(%dma_start3A_374 : memref<8x8x128xf32, #tpu.memory_space<hbm>>) target_semaphore(%arg13 : memref<!tpu.dma_semaphore, #tpu.memory_space<semaphore_mem>>)
      %mul3A_380 = arith.constant 4 : i32
      %mul3A_381 = arith.muli %mul3A_380, %scan3A_130 : i32
      %add3A_382 = arith.constant 2 : i32
      %add3A_383 = arith.addi %mul3A_381, %add3A_382 : i32
      %dma_wait3A_384 = arith.constant 2 : i32
      %dma_wait3A_385 = arith.constant 0 : i32
      %dma_wait3A_386 = arith.constant 0 : i32
      %dma_wait3A_387 = tpu.memref_slice %arg6[%dma_wait3A_384, %dma_wait3A_385, %dma_wait3A_386] : memref<4x128x64xf32, #tpu.memory_space<vmem>> -> memref<1x128x64xf32, #tpu.memory_space<vmem>>
      %dma_wait3A_388 = tpu.memref_squeeze %dma_wait3A_387 : memref<1x128x64xf32, #tpu.memory_space<vmem>> -> memref<128x64xf32, #tpu.memory_space<vmem>>
      %dma_wait3A_389 = arith.constant 0 : i32
      %dma_wait3A_390 = tpu.memref_slice %arg5[%add3A_383, %dma_wait3A_389] : memref<200x128xi32, #tpu.memory_space<vmem>> -> memref<1x128xi32, #tpu.memory_space<vmem>>
      %dma_wait3A_391 = tpu.memref_squeeze %dma_wait3A_390 : memref<1x128xi32, #tpu.memory_space<vmem>> -> memref<128xi32, #tpu.memory_space<vmem>>
      %dma_wait3A_392 = arith.constant 0 : i32
      %dma_wait3A_393 = arith.constant 0 : i32
      %dma_wait3A_394 = tpu.memref_slice %arg3[%dma_wait3A_392, %dma_wait3A_393] : memref<1000000x64xf32, #tpu.memory_space<hbm>> -> memref<1000000x64xf32, #tpu.memory_space<hbm>>
      tpu.wait_indirect_dma semaphore(%arg10 : memref<!tpu.dma_semaphore, #tpu.memory_space<semaphore_mem>>) src(%dma_wait3A_394 : memref<1000000x64xf32, #tpu.memory_space<hbm>>) dst(%dma_wait3A_388 : memref<128x64xf32, #tpu.memory_space<vmem>>)
      %add3A_395 = arith.constant 3 : i32
      %add3A_396 = arith.addi %add3A_383, %add3A_395 : i32
      %lt3A_397 = arith.constant 200 : i32
      %lt3A_398 = arith.cmpi slt, %add3A_396, %lt3A_397 : i32
      %convert_element_type3A_399 = arith.extui %lt3A_398 : i1 to i32
      %cond3A_400 = arith.constant 0 : i32
      %cond3A_401 = arith.cmpi ne, %convert_element_type3A_399, %cond3A_400 : i32
      scf.if %cond3A_401 {
        %add3A_636 = arith.constant 3 : i32
        %add3A_637 = arith.addi %add3A_383, %add3A_636 : i32
        %dma_start3A_638 = arith.constant 1 : i32
        %dma_start3A_639 = arith.constant 0 : i32
        %dma_start3A_640 = arith.constant 0 : i32
        %dma_start3A_641 = tpu.memref_slice %arg6[%dma_start3A_638, %dma_start3A_639, %dma_start3A_640] : memref<4x128x64xf32, #tpu.memory_space<vmem>> -> memref<1x128x64xf32, #tpu.memory_space<vmem>>
        %dma_start3A_642 = tpu.memref_squeeze %dma_start3A_641 : memref<1x128x64xf32, #tpu.memory_space<vmem>> -> memref<128x64xf32, #tpu.memory_space<vmem>>
        %dma_start3A_643 = arith.constant 0 : i32
        %dma_start3A_644 = tpu.memref_slice %arg5[%add3A_637, %dma_start3A_643] : memref<200x128xi32, #tpu.memory_space<vmem>> -> memref<1x128xi32, #tpu.memory_space<vmem>>
        %dma_start3A_645 = tpu.memref_squeeze %dma_start3A_644 : memref<1x128xi32, #tpu.memory_space<vmem>> -> memref<128xi32, #tpu.memory_space<vmem>>
        %dma_start3A_646 = arith.constant 0 : i32
        %dma_start3A_647 = arith.constant 0 : i32
        %dma_start3A_648 = tpu.memref_slice %arg3[%dma_start3A_646, %dma_start3A_647] : memref<1000000x64xf32, #tpu.memory_space<hbm>> -> memref<1000000x64xf32, #tpu.memory_space<hbm>>
        tpu.enqueue_indirect_dma source(%dma_start3A_648 : memref<1000000x64xf32, #tpu.memory_space<hbm>>) target(%dma_start3A_642 : memref<128x64xf32, #tpu.memory_space<vmem>>) offsets(%dma_start3A_645 : memref<128xi32, #tpu.memory_space<vmem>>) semaphore(%arg9 : memref<!tpu.dma_semaphore, #tpu.memory_space<semaphore_mem>>)
      } else {
      }
      %sub3A_402 = arith.constant 4 : i32
      %sub3A_403 = arith.subi %add3A_383, %sub3A_402 : i32
      %ge3A_404 = arith.constant 0 : i32
      %ge3A_405 = arith.cmpi sge, %sub3A_403, %ge3A_404 : i32
      %convert_element_type3A_406 = arith.extui %ge3A_405 : i1 to i32
      %cond3A_407 = arith.constant 0 : i32
      %cond3A_408 = arith.cmpi ne, %convert_element_type3A_406, %cond3A_407 : i32
      scf.if %cond3A_408 {
        %sub3A_636 = arith.constant 4 : i32
        %sub3A_637 = arith.subi %add3A_383, %sub3A_636 : i32
        %dma_wait3A_638 = arith.constant 2 : i32
        %dma_wait3A_639 = arith.constant 0 : i32
        %dma_wait3A_640 = arith.constant 0 : i32
        %dma_wait3A_641 = arith.constant 0 : i32
        %dma_wait3A_642 = tpu.memref_slice %arg7[%dma_wait3A_638, %dma_wait3A_639, %dma_wait3A_640, %dma_wait3A_641] : memref<4x8x8x128xf32, #tpu.memory_space<vmem>> -> memref<1x8x8x128xf32, #tpu.memory_space<vmem>>
        %dma_wait3A_643 = tpu.memref_squeeze %dma_wait3A_642 : memref<1x8x8x128xf32, #tpu.memory_space<vmem>> -> memref<8x8x128xf32, #tpu.memory_space<vmem>>
        %dma_wait3A_644 = arith.constant 0 : i32
        %dma_wait3A_645 = arith.constant 0 : i32
        %dma_wait3A_646 = arith.constant 0 : i32
        %dma_wait3A_647 = tpu.memref_slice %arg4[%sub3A_637, %dma_wait3A_644, %add3A, %dma_wait3A_645, %dma_wait3A_646] : memref<200x8x32x8x128xf32, #tpu.memory_space<hbm>> -> memref<1x8x1x8x128xf32, #tpu.memory_space<hbm>>
        %dma_wait3A_648 = tpu.memref_squeeze %dma_wait3A_647 : memref<1x8x1x8x128xf32, #tpu.memory_space<hbm>> -> memref<8x8x128xf32, #tpu.memory_space<hbm>>
        %dma_wait3A_649 = arith.constant 0 : i32
        %dma_wait3A_650 = arith.constant 0 : i32
        %dma_wait3A_651 = arith.constant 0 : i32
        %dma_wait3A_652 = tpu.memref_slice %arg4[%sub3A_637, %dma_wait3A_649, %add3A, %dma_wait3A_650, %dma_wait3A_651] : memref<200x8x32x8x128xf32, #tpu.memory_space<hbm>> -> memref<1x8x1x8x128xf32, #tpu.memory_space<hbm>>
        %dma_wait3A_653 = tpu.memref_squeeze %dma_wait3A_652 : memref<1x8x1x8x128xf32, #tpu.memory_space<hbm>> -> memref<8x8x128xf32, #tpu.memory_space<hbm>>
        %dma_wait3A_654 = arith.constant 0 : i32
        %dma_wait3A_655 = arith.constant 0 : i32
        %dma_wait3A_656 = arith.constant 0 : i32
        %dma_wait3A_657 = tpu.memref_slice %arg7[%dma_wait3A_638, %dma_wait3A_654, %dma_wait3A_655, %dma_wait3A_656] : memref<4x8x8x128xf32, #tpu.memory_space<vmem>> -> memref<1x8x8x128xf32, #tpu.memory_space<vmem>>
        %dma_wait3A_658 = tpu.memref_squeeze %dma_wait3A_657 : memref<1x8x8x128xf32, #tpu.memory_space<vmem>> -> memref<8x8x128xf32, #tpu.memory_space<vmem>>
        tpu.wait_dma2 semaphore(%arg14 : memref<!tpu.dma_semaphore, #tpu.memory_space<semaphore_mem>>) src(%dma_wait3A_658 : memref<8x8x128xf32, #tpu.memory_space<vmem>>) dst(%dma_wait3A_653 : memref<8x8x128xf32, #tpu.memory_space<hbm>>)
      } else {
      }
      %add3A_409 = arith.constant 0 : i32
      %add3A_410 = vector.broadcast %add3A_409 : i32 to vector<16xi32>
      %add3A_411 = arith.addi %add3A_410, %iota3A : vector<16xi32>
      %add3A_412 = arith.constant 16 : i32
      %add3A_413 = vector.broadcast %add3A_412 : i32 to vector<16xi32>
      %add3A_414 = arith.addi %add3A_413, %iota3A : vector<16xi32>
      %add3A_415 = arith.constant 32 : i32
      %add3A_416 = vector.broadcast %add3A_415 : i32 to vector<16xi32>
      %add3A_417 = arith.addi %add3A_416, %iota3A : vector<16xi32>
      %add3A_418 = arith.constant 48 : i32
      %add3A_419 = vector.broadcast %add3A_418 : i32 to vector<16xi32>
      %add3A_420 = arith.addi %add3A_419, %iota3A : vector<16xi32>
      %add3A_421 = arith.constant 64 : i32
      %add3A_422 = vector.broadcast %add3A_421 : i32 to vector<16xi32>
      %add3A_423 = arith.addi %add3A_422, %iota3A : vector<16xi32>
      %add3A_424 = arith.constant 80 : i32
      %add3A_425 = vector.broadcast %add3A_424 : i32 to vector<16xi32>
      %add3A_426 = arith.addi %add3A_425, %iota3A : vector<16xi32>
      %add3A_427 = arith.constant 96 : i32
      %add3A_428 = vector.broadcast %add3A_427 : i32 to vector<16xi32>
      %add3A_429 = arith.addi %add3A_428, %iota3A : vector<16xi32>
      %add3A_430 = arith.constant 112 : i32
      %add3A_431 = vector.broadcast %add3A_430 : i32 to vector<16xi32>
      %add3A_432 = arith.addi %add3A_431, %iota3A : vector<16xi32>
      %get3A_433 = arith.index_cast %add3A_383 : i32 to index
      %get3A_434 = arith.constant 0 : index
      %get3A_435 = tpu.vector_load %arg5[%get3A_433, %get3A_434] {strides = array<i32>} : memref<200x128xi32, #tpu.memory_space<vmem>>, vector<16xi32>,
      %eq3A_436 = arith.constant 0 : i32
      %eq3A_437 = vector.broadcast %eq3A_436 : i32 to vector<16xi32>
      %eq3A_438 = arith.cmpi eq, %get3A_435, %eq3A_437 : vector<16xi32>
      %get3A_439 = arith.index_cast %add3A_383 : i32 to index
      %get3A_440 = arith.constant 16 : index
      %get3A_441 = tpu.vector_load %arg5[%get3A_439, %get3A_440] {strides = array<i32>} : memref<200x128xi32, #tpu.memory_space<vmem>>, vector<16xi32>,
      %eq3A_442 = arith.constant 0 : i32
      %eq3A_443 = vector.broadcast %eq3A_442 : i32 to vector<16xi32>
      %eq3A_444 = arith.cmpi eq, %get3A_441, %eq3A_443 : vector<16xi32>
      %get3A_445 = arith.index_cast %add3A_383 : i32 to index
      %get3A_446 = arith.constant 32 : index
      %get3A_447 = tpu.vector_load %arg5[%get3A_445, %get3A_446] {strides = array<i32>} : memref<200x128xi32, #tpu.memory_space<vmem>>, vector<16xi32>,
      %eq3A_448 = arith.constant 0 : i32
      %eq3A_449 = vector.broadcast %eq3A_448 : i32 to vector<16xi32>
      %eq3A_450 = arith.cmpi eq, %get3A_447, %eq3A_449 : vector<16xi32>
      %get3A_451 = arith.index_cast %add3A_383 : i32 to index
      %get3A_452 = arith.constant 48 : index
      %get3A_453 = tpu.vector_load %arg5[%get3A_451, %get3A_452] {strides = array<i32>} : memref<200x128xi32, #tpu.memory_space<vmem>>, vector<16xi32>,
      %eq3A_454 = arith.constant 0 : i32
      %eq3A_455 = vector.broadcast %eq3A_454 : i32 to vector<16xi32>
      %eq3A_456 = arith.cmpi eq, %get3A_453, %eq3A_455 : vector<16xi32>
      %get3A_457 = arith.index_cast %add3A_383 : i32 to index
      %get3A_458 = arith.constant 64 : index
      %get3A_459 = tpu.vector_load %arg5[%get3A_457, %get3A_458] {strides = array<i32>} : memref<200x128xi32, #tpu.memory_space<vmem>>, vector<16xi32>,
      %eq3A_460 = arith.constant 0 : i32
      %eq3A_461 = vector.broadcast %eq3A_460 : i32 to vector<16xi32>
      %eq3A_462 = arith.cmpi eq, %get3A_459, %eq3A_461 : vector<16xi32>
      %get3A_463 = arith.index_cast %add3A_383 : i32 to index
      %get3A_464 = arith.constant 80 : index
      %get3A_465 = tpu.vector_load %arg5[%get3A_463, %get3A_464] {strides = array<i32>} : memref<200x128xi32, #tpu.memory_space<vmem>>, vector<16xi32>,
      %eq3A_466 = arith.constant 0 : i32
      %eq3A_467 = vector.broadcast %eq3A_466 : i32 to vector<16xi32>
      %eq3A_468 = arith.cmpi eq, %get3A_465, %eq3A_467 : vector<16xi32>
      %get3A_469 = arith.index_cast %add3A_383 : i32 to index
      %get3A_470 = arith.constant 96 : index
      %get3A_471 = tpu.vector_load %arg5[%get3A_469, %get3A_470] {strides = array<i32>} : memref<200x128xi32, #tpu.memory_space<vmem>>, vector<16xi32>,
      %eq3A_472 = arith.constant 0 : i32
      %eq3A_473 = vector.broadcast %eq3A_472 : i32 to vector<16xi32>
      %eq3A_474 = arith.cmpi eq, %get3A_471, %eq3A_473 : vector<16xi32>
      %get3A_475 = arith.index_cast %add3A_383 : i32 to index
      %get3A_476 = arith.constant 112 : index
      %get3A_477 = tpu.vector_load %arg5[%get3A_475, %get3A_476] {strides = array<i32>} : memref<200x128xi32, #tpu.memory_space<vmem>>, vector<16xi32>,
      %eq3A_478 = arith.constant 0 : i32
      %eq3A_479 = vector.broadcast %eq3A_478 : i32 to vector<16xi32>
      %eq3A_480 = arith.cmpi eq, %get3A_477, %eq3A_479 : vector<16xi32>
      %scan3A_481 = arith.constant 0 : i32
      %scan3A_482 = arith.constant 0 : i32
      %scan3A_483 = arith.constant 32 : i32
      %scan3A_484 = arith.addi %scan3A_482, %scan3A_483 : i32
      %scan3A_485 = arith.constant 1 : i32
      scf.for %scan3A_636 = %scan3A_482 to %scan3A_484 step %scan3A_485  : i32 {
        %mul3A_637 = arith.constant 2 : i32
        %mul3A_638 = arith.muli %mul3A_637, %scan3A_636 : i32
        %add3A_639 = arith.constant 0 : i32
        %add3A_640 = arith.addi %mul3A_638, %add3A_639 : i32
        %add3A_641 = vector.broadcast %add3A_640 : i32 to vector<16xi32>
        %add3A_642 = arith.addi %iota3A, %add3A_641 : vector<16xi32>
        %and3A = arith.constant 63 : i32
        %and3A_643 = vector.broadcast %and3A : i32 to vector<16xi32>
        %and3A_644 = arith.andi %add3A_642, %and3A_643 : vector<16xi32>
        %shift_right_arithmetic3A = arith.constant 3 : i32
        %shift_right_arithmetic3A_645 = vector.broadcast %shift_right_arithmetic3A : i32 to vector<16xi32>
        %shift_right_arithmetic3A_646 = arith.shrsi %and3A_644, %shift_right_arithmetic3A_645 : vector<16xi32>
        %and3A_647 = arith.constant 7 : i32
        %and3A_648 = vector.broadcast %and3A_647 : i32 to vector<16xi32>
        %and3A_649 = arith.andi %and3A_644, %and3A_648 : vector<16xi32>
        %gather3A = arith.constant 2 : i32
        %gather3A_650 = arith.constant 0 : i32
        %gather3A_651 = arith.constant 0 : i32
        %gather3A_652 = tpu.memref_slice %arg6[%gather3A, %gather3A_650, %gather3A_651] : memref<4x128x64xf32, #tpu.memory_space<vmem>> -> memref<1x128x64xf32, #tpu.memory_space<vmem>>
        %gather3A_653 = tpu.memref_squeeze %gather3A_652 : memref<1x128x64xf32, #tpu.memory_space<vmem>> -> memref<128x64xf32, #tpu.memory_space<vmem>>
        %gather3A_654 = tpu.vector_load_idx %gather3A_653[%add3A_411, %and3A_644] : memref<128x64xf32, #tpu.memory_space<vmem>>[vector<16xi32>, vector<16xi32>], vector<16xf32>,
        %gather3A_655 = arith.constant 2 : i32
        %gather3A_656 = arith.constant 0 : i32
        %gather3A_657 = arith.constant 0 : i32
        %gather3A_658 = tpu.memref_slice %arg6[%gather3A_655, %gather3A_656, %gather3A_657] : memref<4x128x64xf32, #tpu.memory_space<vmem>> -> memref<1x128x64xf32, #tpu.memory_space<vmem>>
        %gather3A_659 = tpu.memref_squeeze %gather3A_658 : memref<1x128x64xf32, #tpu.memory_space<vmem>> -> memref<128x64xf32, #tpu.memory_space<vmem>>
        %gather3A_660 = tpu.vector_load_idx %gather3A_659[%add3A_414, %and3A_644] : memref<128x64xf32, #tpu.memory_space<vmem>>[vector<16xi32>, vector<16xi32>], vector<16xf32>,
        %gather3A_661 = arith.constant 2 : i32
        %gather3A_662 = arith.constant 0 : i32
        %gather3A_663 = arith.constant 0 : i32
        %gather3A_664 = tpu.memref_slice %arg6[%gather3A_661, %gather3A_662, %gather3A_663] : memref<4x128x64xf32, #tpu.memory_space<vmem>> -> memref<1x128x64xf32, #tpu.memory_space<vmem>>
        %gather3A_665 = tpu.memref_squeeze %gather3A_664 : memref<1x128x64xf32, #tpu.memory_space<vmem>> -> memref<128x64xf32, #tpu.memory_space<vmem>>
        %gather3A_666 = tpu.vector_load_idx %gather3A_665[%add3A_417, %and3A_644] : memref<128x64xf32, #tpu.memory_space<vmem>>[vector<16xi32>, vector<16xi32>], vector<16xf32>,
        %gather3A_667 = arith.constant 2 : i32
        %gather3A_668 = arith.constant 0 : i32
        %gather3A_669 = arith.constant 0 : i32
        %gather3A_670 = tpu.memref_slice %arg6[%gather3A_667, %gather3A_668, %gather3A_669] : memref<4x128x64xf32, #tpu.memory_space<vmem>> -> memref<1x128x64xf32, #tpu.memory_space<vmem>>
        %gather3A_671 = tpu.memref_squeeze %gather3A_670 : memref<1x128x64xf32, #tpu.memory_space<vmem>> -> memref<128x64xf32, #tpu.memory_space<vmem>>
        %gather3A_672 = tpu.vector_load_idx %gather3A_671[%add3A_420, %and3A_644] : memref<128x64xf32, #tpu.memory_space<vmem>>[vector<16xi32>, vector<16xi32>], vector<16xf32>,
        %gather3A_673 = arith.constant 2 : i32
        %gather3A_674 = arith.constant 0 : i32
        %gather3A_675 = arith.constant 0 : i32
        %gather3A_676 = tpu.memref_slice %arg6[%gather3A_673, %gather3A_674, %gather3A_675] : memref<4x128x64xf32, #tpu.memory_space<vmem>> -> memref<1x128x64xf32, #tpu.memory_space<vmem>>
        %gather3A_677 = tpu.memref_squeeze %gather3A_676 : memref<1x128x64xf32, #tpu.memory_space<vmem>> -> memref<128x64xf32, #tpu.memory_space<vmem>>
        %gather3A_678 = tpu.vector_load_idx %gather3A_677[%add3A_423, %and3A_644] : memref<128x64xf32, #tpu.memory_space<vmem>>[vector<16xi32>, vector<16xi32>], vector<16xf32>,
        %gather3A_679 = arith.constant 2 : i32
        %gather3A_680 = arith.constant 0 : i32
        %gather3A_681 = arith.constant 0 : i32
        %gather3A_682 = tpu.memref_slice %arg6[%gather3A_679, %gather3A_680, %gather3A_681] : memref<4x128x64xf32, #tpu.memory_space<vmem>> -> memref<1x128x64xf32, #tpu.memory_space<vmem>>
        %gather3A_683 = tpu.memref_squeeze %gather3A_682 : memref<1x128x64xf32, #tpu.memory_space<vmem>> -> memref<128x64xf32, #tpu.memory_space<vmem>>
        %gather3A_684 = tpu.vector_load_idx %gather3A_683[%add3A_426, %and3A_644] : memref<128x64xf32, #tpu.memory_space<vmem>>[vector<16xi32>, vector<16xi32>], vector<16xf32>,
        %gather3A_685 = arith.constant 2 : i32
        %gather3A_686 = arith.constant 0 : i32
        %gather3A_687 = arith.constant 0 : i32
        %gather3A_688 = tpu.memref_slice %arg6[%gather3A_685, %gather3A_686, %gather3A_687] : memref<4x128x64xf32, #tpu.memory_space<vmem>> -> memref<1x128x64xf32, #tpu.memory_space<vmem>>
        %gather3A_689 = tpu.memref_squeeze %gather3A_688 : memref<1x128x64xf32, #tpu.memory_space<vmem>> -> memref<128x64xf32, #tpu.memory_space<vmem>>
        %gather3A_690 = tpu.vector_load_idx %gather3A_689[%add3A_429, %and3A_644] : memref<128x64xf32, #tpu.memory_space<vmem>>[vector<16xi32>, vector<16xi32>], vector<16xf32>,
        %gather3A_691 = arith.constant 2 : i32
        %gather3A_692 = arith.constant 0 : i32
        %gather3A_693 = arith.constant 0 : i32
        %gather3A_694 = tpu.memref_slice %arg6[%gather3A_691, %gather3A_692, %gather3A_693] : memref<4x128x64xf32, #tpu.memory_space<vmem>> -> memref<1x128x64xf32, #tpu.memory_space<vmem>>
        %gather3A_695 = tpu.memref_squeeze %gather3A_694 : memref<1x128x64xf32, #tpu.memory_space<vmem>> -> memref<128x64xf32, #tpu.memory_space<vmem>>
        %gather3A_696 = tpu.vector_load_idx %gather3A_695[%add3A_432, %and3A_644] : memref<128x64xf32, #tpu.memory_space<vmem>>[vector<16xi32>, vector<16xi32>], vector<16xf32>,
        %jit3A = arith.constant 0.000000e+00 : f32
        %broadcast_in_dim3A = vector.broadcast %jit3A : f32 to vector<16xf32>
        %select_n3A = arith.select %eq3A_438, %broadcast_in_dim3A, %gather3A_654 : vector<16xi1>, vector<16xf32>
        %scatter3A = arith.constant 2 : i32
        %scatter3A_697 = arith.constant 0 : i32
        %scatter3A_698 = arith.constant 0 : i32
        %scatter3A_699 = arith.constant 0 : i32
        %scatter3A_700 = tpu.memref_slice %arg7[%scatter3A, %scatter3A_697, %scatter3A_698, %scatter3A_699] : memref<4x8x8x128xf32, #tpu.memory_space<vmem>> -> memref<1x8x8x128xf32, #tpu.memory_space<vmem>>
        %scatter3A_701 = tpu.memref_squeeze %scatter3A_700 : memref<1x8x8x128xf32, #tpu.memory_space<vmem>> -> memref<8x8x128xf32, #tpu.memory_space<vmem>>
        tpu.vector_store_idx %scatter3A_701[%shift_right_arithmetic3A_646, %and3A_649, %add3A_411], %select_n3A : memref<8x8x128xf32, #tpu.memory_space<vmem>>[vector<16xi32>, vector<16xi32>, vector<16xi32>], vector<16xf32>,
        %jit3A_702 = arith.constant 0.000000e+00 : f32
        %broadcast_in_dim3A_703 = vector.broadcast %jit3A_702 : f32 to vector<16xf32>
        %select_n3A_704 = arith.select %eq3A_444, %broadcast_in_dim3A_703, %gather3A_660 : vector<16xi1>, vector<16xf32>
        %scatter3A_705 = arith.constant 2 : i32
        %scatter3A_706 = arith.constant 0 : i32
        %scatter3A_707 = arith.constant 0 : i32
        %scatter3A_708 = arith.constant 0 : i32
        %scatter3A_709 = tpu.memref_slice %arg7[%scatter3A_705, %scatter3A_706, %scatter3A_707, %scatter3A_708] : memref<4x8x8x128xf32, #tpu.memory_space<vmem>> -> memref<1x8x8x128xf32, #tpu.memory_space<vmem>>
        %scatter3A_710 = tpu.memref_squeeze %scatter3A_709 : memref<1x8x8x128xf32, #tpu.memory_space<vmem>> -> memref<8x8x128xf32, #tpu.memory_space<vmem>>
        tpu.vector_store_idx %scatter3A_710[%shift_right_arithmetic3A_646, %and3A_649, %add3A_414], %select_n3A_704 : memref<8x8x128xf32, #tpu.memory_space<vmem>>[vector<16xi32>, vector<16xi32>, vector<16xi32>], vector<16xf32>,
        %jit3A_711 = arith.constant 0.000000e+00 : f32
        %broadcast_in_dim3A_712 = vector.broadcast %jit3A_711 : f32 to vector<16xf32>
        %select_n3A_713 = arith.select %eq3A_450, %broadcast_in_dim3A_712, %gather3A_666 : vector<16xi1>, vector<16xf32>
        %scatter3A_714 = arith.constant 2 : i32
        %scatter3A_715 = arith.constant 0 : i32
        %scatter3A_716 = arith.constant 0 : i32
        %scatter3A_717 = arith.constant 0 : i32
        %scatter3A_718 = tpu.memref_slice %arg7[%scatter3A_714, %scatter3A_715, %scatter3A_716, %scatter3A_717] : memref<4x8x8x128xf32, #tpu.memory_space<vmem>> -> memref<1x8x8x128xf32, #tpu.memory_space<vmem>>
        %scatter3A_719 = tpu.memref_squeeze %scatter3A_718 : memref<1x8x8x128xf32, #tpu.memory_space<vmem>> -> memref<8x8x128xf32, #tpu.memory_space<vmem>>
        tpu.vector_store_idx %scatter3A_719[%shift_right_arithmetic3A_646, %and3A_649, %add3A_417], %select_n3A_713 : memref<8x8x128xf32, #tpu.memory_space<vmem>>[vector<16xi32>, vector<16xi32>, vector<16xi32>], vector<16xf32>,
        %jit3A_720 = arith.constant 0.000000e+00 : f32
        %broadcast_in_dim3A_721 = vector.broadcast %jit3A_720 : f32 to vector<16xf32>
        %select_n3A_722 = arith.select %eq3A_456, %broadcast_in_dim3A_721, %gather3A_672 : vector<16xi1>, vector<16xf32>
        %scatter3A_723 = arith.constant 2 : i32
        %scatter3A_724 = arith.constant 0 : i32
        %scatter3A_725 = arith.constant 0 : i32
        %scatter3A_726 = arith.constant 0 : i32
        %scatter3A_727 = tpu.memref_slice %arg7[%scatter3A_723, %scatter3A_724, %scatter3A_725, %scatter3A_726] : memref<4x8x8x128xf32, #tpu.memory_space<vmem>> -> memref<1x8x8x128xf32, #tpu.memory_space<vmem>>
        %scatter3A_728 = tpu.memref_squeeze %scatter3A_727 : memref<1x8x8x128xf32, #tpu.memory_space<vmem>> -> memref<8x8x128xf32, #tpu.memory_space<vmem>>
        tpu.vector_store_idx %scatter3A_728[%shift_right_arithmetic3A_646, %and3A_649, %add3A_420], %select_n3A_722 : memref<8x8x128xf32, #tpu.memory_space<vmem>>[vector<16xi32>, vector<16xi32>, vector<16xi32>], vector<16xf32>,
        %jit3A_729 = arith.constant 0.000000e+00 : f32
        %broadcast_in_dim3A_730 = vector.broadcast %jit3A_729 : f32 to vector<16xf32>
        %select_n3A_731 = arith.select %eq3A_462, %broadcast_in_dim3A_730, %gather3A_678 : vector<16xi1>, vector<16xf32>
        %scatter3A_732 = arith.constant 2 : i32
        %scatter3A_733 = arith.constant 0 : i32
        %scatter3A_734 = arith.constant 0 : i32
        %scatter3A_735 = arith.constant 0 : i32
        %scatter3A_736 = tpu.memref_slice %arg7[%scatter3A_732, %scatter3A_733, %scatter3A_734, %scatter3A_735] : memref<4x8x8x128xf32, #tpu.memory_space<vmem>> -> memref<1x8x8x128xf32, #tpu.memory_space<vmem>>
        %scatter3A_737 = tpu.memref_squeeze %scatter3A_736 : memref<1x8x8x128xf32, #tpu.memory_space<vmem>> -> memref<8x8x128xf32, #tpu.memory_space<vmem>>
        tpu.vector_store_idx %scatter3A_737[%shift_right_arithmetic3A_646, %and3A_649, %add3A_423], %select_n3A_731 : memref<8x8x128xf32, #tpu.memory_space<vmem>>[vector<16xi32>, vector<16xi32>, vector<16xi32>], vector<16xf32>,
        %jit3A_738 = arith.constant 0.000000e+00 : f32
        %broadcast_in_dim3A_739 = vector.broadcast %jit3A_738 : f32 to vector<16xf32>
        %select_n3A_740 = arith.select %eq3A_468, %broadcast_in_dim3A_739, %gather3A_684 : vector<16xi1>, vector<16xf32>
        %scatter3A_741 = arith.constant 2 : i32
        %scatter3A_742 = arith.constant 0 : i32
        %scatter3A_743 = arith.constant 0 : i32
        %scatter3A_744 = arith.constant 0 : i32
        %scatter3A_745 = tpu.memref_slice %arg7[%scatter3A_741, %scatter3A_742, %scatter3A_743, %scatter3A_744] : memref<4x8x8x128xf32, #tpu.memory_space<vmem>> -> memref<1x8x8x128xf32, #tpu.memory_space<vmem>>
        %scatter3A_746 = tpu.memref_squeeze %scatter3A_745 : memref<1x8x8x128xf32, #tpu.memory_space<vmem>> -> memref<8x8x128xf32, #tpu.memory_space<vmem>>
        tpu.vector_store_idx %scatter3A_746[%shift_right_arithmetic3A_646, %and3A_649, %add3A_426], %select_n3A_740 : memref<8x8x128xf32, #tpu.memory_space<vmem>>[vector<16xi32>, vector<16xi32>, vector<16xi32>], vector<16xf32>,
        %jit3A_747 = arith.constant 0.000000e+00 : f32
        %broadcast_in_dim3A_748 = vector.broadcast %jit3A_747 : f32 to vector<16xf32>
        %select_n3A_749 = arith.select %eq3A_474, %broadcast_in_dim3A_748, %gather3A_690 : vector<16xi1>, vector<16xf32>
        %scatter3A_750 = arith.constant 2 : i32
        %scatter3A_751 = arith.constant 0 : i32
        %scatter3A_752 = arith.constant 0 : i32
        %scatter3A_753 = arith.constant 0 : i32
        %scatter3A_754 = tpu.memref_slice %arg7[%scatter3A_750, %scatter3A_751, %scatter3A_752, %scatter3A_753] : memref<4x8x8x128xf32, #tpu.memory_space<vmem>> -> memref<1x8x8x128xf32, #tpu.memory_space<vmem>>
        %scatter3A_755 = tpu.memref_squeeze %scatter3A_754 : memref<1x8x8x128xf32, #tpu.memory_space<vmem>> -> memref<8x8x128xf32, #tpu.memory_space<vmem>>
        tpu.vector_store_idx %scatter3A_755[%shift_right_arithmetic3A_646, %and3A_649, %add3A_429], %select_n3A_749 : memref<8x8x128xf32, #tpu.memory_space<vmem>>[vector<16xi32>, vector<16xi32>, vector<16xi32>], vector<16xf32>,
        %jit3A_756 = arith.constant 0.000000e+00 : f32
        %broadcast_in_dim3A_757 = vector.broadcast %jit3A_756 : f32 to vector<16xf32>
        %select_n3A_758 = arith.select %eq3A_480, %broadcast_in_dim3A_757, %gather3A_696 : vector<16xi1>, vector<16xf32>
        %scatter3A_759 = arith.constant 2 : i32
        %scatter3A_760 = arith.constant 0 : i32
        %scatter3A_761 = arith.constant 0 : i32
        %scatter3A_762 = arith.constant 0 : i32
        %scatter3A_763 = tpu.memref_slice %arg7[%scatter3A_759, %scatter3A_760, %scatter3A_761, %scatter3A_762] : memref<4x8x8x128xf32, #tpu.memory_space<vmem>> -> memref<1x8x8x128xf32, #tpu.memory_space<vmem>>
        %scatter3A_764 = tpu.memref_squeeze %scatter3A_763 : memref<1x8x8x128xf32, #tpu.memory_space<vmem>> -> memref<8x8x128xf32, #tpu.memory_space<vmem>>
        tpu.vector_store_idx %scatter3A_764[%shift_right_arithmetic3A_646, %and3A_649, %add3A_432], %select_n3A_758 : memref<8x8x128xf32, #tpu.memory_space<vmem>>[vector<16xi32>, vector<16xi32>, vector<16xi32>], vector<16xf32>,
        %mul3A_765 = arith.constant 2 : i32
        %mul3A_766 = arith.muli %mul3A_765, %scan3A_636 : i32
        %add3A_767 = arith.constant 1 : i32
        %add3A_768 = arith.addi %mul3A_766, %add3A_767 : i32
        %add3A_769 = vector.broadcast %add3A_768 : i32 to vector<16xi32>
        %add3A_770 = arith.addi %iota3A, %add3A_769 : vector<16xi32>
        %and3A_771 = arith.constant 63 : i32
        %and3A_772 = vector.broadcast %and3A_771 : i32 to vector<16xi32>
        %and3A_773 = arith.andi %add3A_770, %and3A_772 : vector<16xi32>
        %shift_right_arithmetic3A_774 = arith.constant 3 : i32
        %shift_right_arithmetic3A_775 = vector.broadcast %shift_right_arithmetic3A_774 : i32 to vector<16xi32>
        %shift_right_arithmetic3A_776 = arith.shrsi %and3A_773, %shift_right_arithmetic3A_775 : vector<16xi32>
        %and3A_777 = arith.constant 7 : i32
        %and3A_778 = vector.broadcast %and3A_777 : i32 to vector<16xi32>
        %and3A_779 = arith.andi %and3A_773, %and3A_778 : vector<16xi32>
        %gather3A_780 = arith.constant 2 : i32
        %gather3A_781 = arith.constant 0 : i32
        %gather3A_782 = arith.constant 0 : i32
        %gather3A_783 = tpu.memref_slice %arg6[%gather3A_780, %gather3A_781, %gather3A_782] : memref<4x128x64xf32, #tpu.memory_space<vmem>> -> memref<1x128x64xf32, #tpu.memory_space<vmem>>
        %gather3A_784 = tpu.memref_squeeze %gather3A_783 : memref<1x128x64xf32, #tpu.memory_space<vmem>> -> memref<128x64xf32, #tpu.memory_space<vmem>>
        %gather3A_785 = tpu.vector_load_idx %gather3A_784[%add3A_411, %and3A_773] : memref<128x64xf32, #tpu.memory_space<vmem>>[vector<16xi32>, vector<16xi32>], vector<16xf32>,
        %gather3A_786 = arith.constant 2 : i32
        %gather3A_787 = arith.constant 0 : i32
        %gather3A_788 = arith.constant 0 : i32
        %gather3A_789 = tpu.memref_slice %arg6[%gather3A_786, %gather3A_787, %gather3A_788] : memref<4x128x64xf32, #tpu.memory_space<vmem>> -> memref<1x128x64xf32, #tpu.memory_space<vmem>>
        %gather3A_790 = tpu.memref_squeeze %gather3A_789 : memref<1x128x64xf32, #tpu.memory_space<vmem>> -> memref<128x64xf32, #tpu.memory_space<vmem>>
        %gather3A_791 = tpu.vector_load_idx %gather3A_790[%add3A_414, %and3A_773] : memref<128x64xf32, #tpu.memory_space<vmem>>[vector<16xi32>, vector<16xi32>], vector<16xf32>,
        %gather3A_792 = arith.constant 2 : i32
        %gather3A_793 = arith.constant 0 : i32
        %gather3A_794 = arith.constant 0 : i32
        %gather3A_795 = tpu.memref_slice %arg6[%gather3A_792, %gather3A_793, %gather3A_794] : memref<4x128x64xf32, #tpu.memory_space<vmem>> -> memref<1x128x64xf32, #tpu.memory_space<vmem>>
        %gather3A_796 = tpu.memref_squeeze %gather3A_795 : memref<1x128x64xf32, #tpu.memory_space<vmem>> -> memref<128x64xf32, #tpu.memory_space<vmem>>
        %gather3A_797 = tpu.vector_load_idx %gather3A_796[%add3A_417, %and3A_773] : memref<128x64xf32, #tpu.memory_space<vmem>>[vector<16xi32>, vector<16xi32>], vector<16xf32>,
        %gather3A_798 = arith.constant 2 : i32
        %gather3A_799 = arith.constant 0 : i32
        %gather3A_800 = arith.constant 0 : i32
        %gather3A_801 = tpu.memref_slice %arg6[%gather3A_798, %gather3A_799, %gather3A_800] : memref<4x128x64xf32, #tpu.memory_space<vmem>> -> memref<1x128x64xf32, #tpu.memory_space<vmem>>
        %gather3A_802 = tpu.memref_squeeze %gather3A_801 : memref<1x128x64xf32, #tpu.memory_space<vmem>> -> memref<128x64xf32, #tpu.memory_space<vmem>>
        %gather3A_803 = tpu.vector_load_idx %gather3A_802[%add3A_420, %and3A_773] : memref<128x64xf32, #tpu.memory_space<vmem>>[vector<16xi32>, vector<16xi32>], vector<16xf32>,
        %gather3A_804 = arith.constant 2 : i32
        %gather3A_805 = arith.constant 0 : i32
        %gather3A_806 = arith.constant 0 : i32
        %gather3A_807 = tpu.memref_slice %arg6[%gather3A_804, %gather3A_805, %gather3A_806] : memref<4x128x64xf32, #tpu.memory_space<vmem>> -> memref<1x128x64xf32, #tpu.memory_space<vmem>>
        %gather3A_808 = tpu.memref_squeeze %gather3A_807 : memref<1x128x64xf32, #tpu.memory_space<vmem>> -> memref<128x64xf32, #tpu.memory_space<vmem>>
        %gather3A_809 = tpu.vector_load_idx %gather3A_808[%add3A_423, %and3A_773] : memref<128x64xf32, #tpu.memory_space<vmem>>[vector<16xi32>, vector<16xi32>], vector<16xf32>,
        %gather3A_810 = arith.constant 2 : i32
        %gather3A_811 = arith.constant 0 : i32
        %gather3A_812 = arith.constant 0 : i32
        %gather3A_813 = tpu.memref_slice %arg6[%gather3A_810, %gather3A_811, %gather3A_812] : memref<4x128x64xf32, #tpu.memory_space<vmem>> -> memref<1x128x64xf32, #tpu.memory_space<vmem>>
        %gather3A_814 = tpu.memref_squeeze %gather3A_813 : memref<1x128x64xf32, #tpu.memory_space<vmem>> -> memref<128x64xf32, #tpu.memory_space<vmem>>
        %gather3A_815 = tpu.vector_load_idx %gather3A_814[%add3A_426, %and3A_773] : memref<128x64xf32, #tpu.memory_space<vmem>>[vector<16xi32>, vector<16xi32>], vector<16xf32>,
        %gather3A_816 = arith.constant 2 : i32
        %gather3A_817 = arith.constant 0 : i32
        %gather3A_818 = arith.constant 0 : i32
        %gather3A_819 = tpu.memref_slice %arg6[%gather3A_816, %gather3A_817, %gather3A_818] : memref<4x128x64xf32, #tpu.memory_space<vmem>> -> memref<1x128x64xf32, #tpu.memory_space<vmem>>
        %gather3A_820 = tpu.memref_squeeze %gather3A_819 : memref<1x128x64xf32, #tpu.memory_space<vmem>> -> memref<128x64xf32, #tpu.memory_space<vmem>>
        %gather3A_821 = tpu.vector_load_idx %gather3A_820[%add3A_429, %and3A_773] : memref<128x64xf32, #tpu.memory_space<vmem>>[vector<16xi32>, vector<16xi32>], vector<16xf32>,
        %gather3A_822 = arith.constant 2 : i32
        %gather3A_823 = arith.constant 0 : i32
        %gather3A_824 = arith.constant 0 : i32
        %gather3A_825 = tpu.memref_slice %arg6[%gather3A_822, %gather3A_823, %gather3A_824] : memref<4x128x64xf32, #tpu.memory_space<vmem>> -> memref<1x128x64xf32, #tpu.memory_space<vmem>>
        %gather3A_826 = tpu.memref_squeeze %gather3A_825 : memref<1x128x64xf32, #tpu.memory_space<vmem>> -> memref<128x64xf32, #tpu.memory_space<vmem>>
        %gather3A_827 = tpu.vector_load_idx %gather3A_826[%add3A_432, %and3A_773] : memref<128x64xf32, #tpu.memory_space<vmem>>[vector<16xi32>, vector<16xi32>], vector<16xf32>,
        %jit3A_828 = arith.constant 0.000000e+00 : f32
        %broadcast_in_dim3A_829 = vector.broadcast %jit3A_828 : f32 to vector<16xf32>
        %select_n3A_830 = arith.select %eq3A_438, %broadcast_in_dim3A_829, %gather3A_785 : vector<16xi1>, vector<16xf32>
        %scatter3A_831 = arith.constant 2 : i32
        %scatter3A_832 = arith.constant 0 : i32
        %scatter3A_833 = arith.constant 0 : i32
        %scatter3A_834 = arith.constant 0 : i32
        %scatter3A_835 = tpu.memref_slice %arg7[%scatter3A_831, %scatter3A_832, %scatter3A_833, %scatter3A_834] : memref<4x8x8x128xf32, #tpu.memory_space<vmem>> -> memref<1x8x8x128xf32, #tpu.memory_space<vmem>>
        %scatter3A_836 = tpu.memref_squeeze %scatter3A_835 : memref<1x8x8x128xf32, #tpu.memory_space<vmem>> -> memref<8x8x128xf32, #tpu.memory_space<vmem>>
        tpu.vector_store_idx %scatter3A_836[%shift_right_arithmetic3A_776, %and3A_779, %add3A_411], %select_n3A_830 : memref<8x8x128xf32, #tpu.memory_space<vmem>>[vector<16xi32>, vector<16xi32>, vector<16xi32>], vector<16xf32>,
        %jit3A_837 = arith.constant 0.000000e+00 : f32
        %broadcast_in_dim3A_838 = vector.broadcast %jit3A_837 : f32 to vector<16xf32>
        %select_n3A_839 = arith.select %eq3A_444, %broadcast_in_dim3A_838, %gather3A_791 : vector<16xi1>, vector<16xf32>
        %scatter3A_840 = arith.constant 2 : i32
        %scatter3A_841 = arith.constant 0 : i32
        %scatter3A_842 = arith.constant 0 : i32
        %scatter3A_843 = arith.constant 0 : i32
        %scatter3A_844 = tpu.memref_slice %arg7[%scatter3A_840, %scatter3A_841, %scatter3A_842, %scatter3A_843] : memref<4x8x8x128xf32, #tpu.memory_space<vmem>> -> memref<1x8x8x128xf32, #tpu.memory_space<vmem>>
        %scatter3A_845 = tpu.memref_squeeze %scatter3A_844 : memref<1x8x8x128xf32, #tpu.memory_space<vmem>> -> memref<8x8x128xf32, #tpu.memory_space<vmem>>
        tpu.vector_store_idx %scatter3A_845[%shift_right_arithmetic3A_776, %and3A_779, %add3A_414], %select_n3A_839 : memref<8x8x128xf32, #tpu.memory_space<vmem>>[vector<16xi32>, vector<16xi32>, vector<16xi32>], vector<16xf32>,
        %jit3A_846 = arith.constant 0.000000e+00 : f32
        %broadcast_in_dim3A_847 = vector.broadcast %jit3A_846 : f32 to vector<16xf32>
        %select_n3A_848 = arith.select %eq3A_450, %broadcast_in_dim3A_847, %gather3A_797 : vector<16xi1>, vector<16xf32>
        %scatter3A_849 = arith.constant 2 : i32
        %scatter3A_850 = arith.constant 0 : i32
        %scatter3A_851 = arith.constant 0 : i32
        %scatter3A_852 = arith.constant 0 : i32
        %scatter3A_853 = tpu.memref_slice %arg7[%scatter3A_849, %scatter3A_850, %scatter3A_851, %scatter3A_852] : memref<4x8x8x128xf32, #tpu.memory_space<vmem>> -> memref<1x8x8x128xf32, #tpu.memory_space<vmem>>
        %scatter3A_854 = tpu.memref_squeeze %scatter3A_853 : memref<1x8x8x128xf32, #tpu.memory_space<vmem>> -> memref<8x8x128xf32, #tpu.memory_space<vmem>>
        tpu.vector_store_idx %scatter3A_854[%shift_right_arithmetic3A_776, %and3A_779, %add3A_417], %select_n3A_848 : memref<8x8x128xf32, #tpu.memory_space<vmem>>[vector<16xi32>, vector<16xi32>, vector<16xi32>], vector<16xf32>,
        %jit3A_855 = arith.constant 0.000000e+00 : f32
        %broadcast_in_dim3A_856 = vector.broadcast %jit3A_855 : f32 to vector<16xf32>
        %select_n3A_857 = arith.select %eq3A_456, %broadcast_in_dim3A_856, %gather3A_803 : vector<16xi1>, vector<16xf32>
        %scatter3A_858 = arith.constant 2 : i32
        %scatter3A_859 = arith.constant 0 : i32
        %scatter3A_860 = arith.constant 0 : i32
        %scatter3A_861 = arith.constant 0 : i32
        %scatter3A_862 = tpu.memref_slice %arg7[%scatter3A_858, %scatter3A_859, %scatter3A_860, %scatter3A_861] : memref<4x8x8x128xf32, #tpu.memory_space<vmem>> -> memref<1x8x8x128xf32, #tpu.memory_space<vmem>>
        %scatter3A_863 = tpu.memref_squeeze %scatter3A_862 : memref<1x8x8x128xf32, #tpu.memory_space<vmem>> -> memref<8x8x128xf32, #tpu.memory_space<vmem>>
        tpu.vector_store_idx %scatter3A_863[%shift_right_arithmetic3A_776, %and3A_779, %add3A_420], %select_n3A_857 : memref<8x8x128xf32, #tpu.memory_space<vmem>>[vector<16xi32>, vector<16xi32>, vector<16xi32>], vector<16xf32>,
        %jit3A_864 = arith.constant 0.000000e+00 : f32
        %broadcast_in_dim3A_865 = vector.broadcast %jit3A_864 : f32 to vector<16xf32>
        %select_n3A_866 = arith.select %eq3A_462, %broadcast_in_dim3A_865, %gather3A_809 : vector<16xi1>, vector<16xf32>
        %scatter3A_867 = arith.constant 2 : i32
        %scatter3A_868 = arith.constant 0 : i32
        %scatter3A_869 = arith.constant 0 : i32
        %scatter3A_870 = arith.constant 0 : i32
        %scatter3A_871 = tpu.memref_slice %arg7[%scatter3A_867, %scatter3A_868, %scatter3A_869, %scatter3A_870] : memref<4x8x8x128xf32, #tpu.memory_space<vmem>> -> memref<1x8x8x128xf32, #tpu.memory_space<vmem>>
        %scatter3A_872 = tpu.memref_squeeze %scatter3A_871 : memref<1x8x8x128xf32, #tpu.memory_space<vmem>> -> memref<8x8x128xf32, #tpu.memory_space<vmem>>
        tpu.vector_store_idx %scatter3A_872[%shift_right_arithmetic3A_776, %and3A_779, %add3A_423], %select_n3A_866 : memref<8x8x128xf32, #tpu.memory_space<vmem>>[vector<16xi32>, vector<16xi32>, vector<16xi32>], vector<16xf32>,
        %jit3A_873 = arith.constant 0.000000e+00 : f32
        %broadcast_in_dim3A_874 = vector.broadcast %jit3A_873 : f32 to vector<16xf32>
        %select_n3A_875 = arith.select %eq3A_468, %broadcast_in_dim3A_874, %gather3A_815 : vector<16xi1>, vector<16xf32>
        %scatter3A_876 = arith.constant 2 : i32
        %scatter3A_877 = arith.constant 0 : i32
        %scatter3A_878 = arith.constant 0 : i32
        %scatter3A_879 = arith.constant 0 : i32
        %scatter3A_880 = tpu.memref_slice %arg7[%scatter3A_876, %scatter3A_877, %scatter3A_878, %scatter3A_879] : memref<4x8x8x128xf32, #tpu.memory_space<vmem>> -> memref<1x8x8x128xf32, #tpu.memory_space<vmem>>
        %scatter3A_881 = tpu.memref_squeeze %scatter3A_880 : memref<1x8x8x128xf32, #tpu.memory_space<vmem>> -> memref<8x8x128xf32, #tpu.memory_space<vmem>>
        tpu.vector_store_idx %scatter3A_881[%shift_right_arithmetic3A_776, %and3A_779, %add3A_426], %select_n3A_875 : memref<8x8x128xf32, #tpu.memory_space<vmem>>[vector<16xi32>, vector<16xi32>, vector<16xi32>], vector<16xf32>,
        %jit3A_882 = arith.constant 0.000000e+00 : f32
        %broadcast_in_dim3A_883 = vector.broadcast %jit3A_882 : f32 to vector<16xf32>
        %select_n3A_884 = arith.select %eq3A_474, %broadcast_in_dim3A_883, %gather3A_821 : vector<16xi1>, vector<16xf32>
        %scatter3A_885 = arith.constant 2 : i32
        %scatter3A_886 = arith.constant 0 : i32
        %scatter3A_887 = arith.constant 0 : i32
        %scatter3A_888 = arith.constant 0 : i32
        %scatter3A_889 = tpu.memref_slice %arg7[%scatter3A_885, %scatter3A_886, %scatter3A_887, %scatter3A_888] : memref<4x8x8x128xf32, #tpu.memory_space<vmem>> -> memref<1x8x8x128xf32, #tpu.memory_space<vmem>>
        %scatter3A_890 = tpu.memref_squeeze %scatter3A_889 : memref<1x8x8x128xf32, #tpu.memory_space<vmem>> -> memref<8x8x128xf32, #tpu.memory_space<vmem>>
        tpu.vector_store_idx %scatter3A_890[%shift_right_arithmetic3A_776, %and3A_779, %add3A_429], %select_n3A_884 : memref<8x8x128xf32, #tpu.memory_space<vmem>>[vector<16xi32>, vector<16xi32>, vector<16xi32>], vector<16xf32>,
        %jit3A_891 = arith.constant 0.000000e+00 : f32
        %broadcast_in_dim3A_892 = vector.broadcast %jit3A_891 : f32 to vector<16xf32>
        %select_n3A_893 = arith.select %eq3A_480, %broadcast_in_dim3A_892, %gather3A_827 : vector<16xi1>, vector<16xf32>
        %scatter3A_894 = arith.constant 2 : i32
        %scatter3A_895 = arith.constant 0 : i32
        %scatter3A_896 = arith.constant 0 : i32
        %scatter3A_897 = arith.constant 0 : i32
        %scatter3A_898 = tpu.memref_slice %arg7[%scatter3A_894, %scatter3A_895, %scatter3A_896, %scatter3A_897] : memref<4x8x8x128xf32, #tpu.memory_space<vmem>> -> memref<1x8x8x128xf32, #tpu.memory_space<vmem>>
        %scatter3A_899 = tpu.memref_squeeze %scatter3A_898 : memref<1x8x8x128xf32, #tpu.memory_space<vmem>> -> memref<8x8x128xf32, #tpu.memory_space<vmem>>
        tpu.vector_store_idx %scatter3A_899[%shift_right_arithmetic3A_776, %and3A_779, %add3A_432], %select_n3A_893 : memref<8x8x128xf32, #tpu.memory_space<vmem>>[vector<16xi32>, vector<16xi32>, vector<16xi32>], vector<16xf32>,
      }
      %scan3A_486 = arith.constant 32 : i32
      %dma_start3A_487 = arith.constant 2 : i32
      %dma_start3A_488 = arith.constant 0 : i32
      %dma_start3A_489 = arith.constant 0 : i32
      %dma_start3A_490 = arith.constant 0 : i32
      %dma_start3A_491 = tpu.memref_slice %arg7[%dma_start3A_487, %dma_start3A_488, %dma_start3A_489, %dma_start3A_490] : memref<4x8x8x128xf32, #tpu.memory_space<vmem>> -> memref<1x8x8x128xf32, #tpu.memory_space<vmem>>
      %dma_start3A_492 = tpu.memref_squeeze %dma_start3A_491 : memref<1x8x8x128xf32, #tpu.memory_space<vmem>> -> memref<8x8x128xf32, #tpu.memory_space<vmem>>
      %dma_start3A_493 = arith.constant 0 : i32
      %dma_start3A_494 = arith.constant 0 : i32
      %dma_start3A_495 = arith.constant 0 : i32
      %dma_start3A_496 = tpu.memref_slice %arg4[%add3A_383, %dma_start3A_493, %add3A, %dma_start3A_494, %dma_start3A_495] : memref<200x8x32x8x128xf32, #tpu.memory_space<hbm>> -> memref<1x8x1x8x128xf32, #tpu.memory_space<hbm>>
      %dma_start3A_497 = tpu.memref_squeeze %dma_start3A_496 : memref<1x8x1x8x128xf32, #tpu.memory_space<hbm>> -> memref<8x8x128xf32, #tpu.memory_space<hbm>>
      %dma_start3A_498 = arith.constant 0 : i32
      %dma_start3A_499 = arith.constant 0 : i32
      %dma_start3A_500 = arith.constant 0 : i32
      %dma_start3A_501 = tpu.memref_slice %arg4[%add3A_383, %dma_start3A_498, %add3A, %dma_start3A_499, %dma_start3A_500] : memref<200x8x32x8x128xf32, #tpu.memory_space<hbm>> -> memref<1x8x1x8x128xf32, #tpu.memory_space<hbm>>
      %dma_start3A_502 = tpu.memref_squeeze %dma_start3A_501 : memref<1x8x1x8x128xf32, #tpu.memory_space<hbm>> -> memref<8x8x128xf32, #tpu.memory_space<hbm>>
      %dma_start3A_503 = arith.constant 0 : i32
      %dma_start3A_504 = arith.constant 0 : i32
      %dma_start3A_505 = arith.constant 0 : i32
      %dma_start3A_506 = tpu.memref_slice %arg7[%dma_start3A_487, %dma_start3A_503, %dma_start3A_504, %dma_start3A_505] : memref<4x8x8x128xf32, #tpu.memory_space<vmem>> -> memref<1x8x8x128xf32, #tpu.memory_space<vmem>>
      %dma_start3A_507 = tpu.memref_squeeze %dma_start3A_506 : memref<1x8x8x128xf32, #tpu.memory_space<vmem>> -> memref<8x8x128xf32, #tpu.memory_space<vmem>>
      tpu.enqueue_dma source(%dma_start3A_507 : memref<8x8x128xf32, #tpu.memory_space<vmem>>) target(%dma_start3A_502 : memref<8x8x128xf32, #tpu.memory_space<hbm>>) target_semaphore(%arg14 : memref<!tpu.dma_semaphore, #tpu.memory_space<semaphore_mem>>)
      %mul3A_508 = arith.constant 4 : i32
      %mul3A_509 = arith.muli %mul3A_508, %scan3A_130 : i32
      %add3A_510 = arith.constant 3 : i32
      %add3A_511 = arith.addi %mul3A_509, %add3A_510 : i32
      %dma_wait3A_512 = arith.constant 3 : i32
      %dma_wait3A_513 = arith.constant 0 : i32
      %dma_wait3A_514 = arith.constant 0 : i32
      %dma_wait3A_515 = tpu.memref_slice %arg6[%dma_wait3A_512, %dma_wait3A_513, %dma_wait3A_514] : memref<4x128x64xf32, #tpu.memory_space<vmem>> -> memref<1x128x64xf32, #tpu.memory_space<vmem>>
      %dma_wait3A_516 = tpu.memref_squeeze %dma_wait3A_515 : memref<1x128x64xf32, #tpu.memory_space<vmem>> -> memref<128x64xf32, #tpu.memory_space<vmem>>
      %dma_wait3A_517 = arith.constant 0 : i32
      %dma_wait3A_518 = tpu.memref_slice %arg5[%add3A_511, %dma_wait3A_517] : memref<200x128xi32, #tpu.memory_space<vmem>> -> memref<1x128xi32, #tpu.memory_space<vmem>>
      %dma_wait3A_519 = tpu.memref_squeeze %dma_wait3A_518 : memref<1x128xi32, #tpu.memory_space<vmem>> -> memref<128xi32, #tpu.memory_space<vmem>>
      %dma_wait3A_520 = arith.constant 0 : i32
      %dma_wait3A_521 = arith.constant 0 : i32
      %dma_wait3A_522 = tpu.memref_slice %arg3[%dma_wait3A_520, %dma_wait3A_521] : memref<1000000x64xf32, #tpu.memory_space<hbm>> -> memref<1000000x64xf32, #tpu.memory_space<hbm>>
      tpu.wait_indirect_dma semaphore(%arg11 : memref<!tpu.dma_semaphore, #tpu.memory_space<semaphore_mem>>) src(%dma_wait3A_522 : memref<1000000x64xf32, #tpu.memory_space<hbm>>) dst(%dma_wait3A_516 : memref<128x64xf32, #tpu.memory_space<vmem>>)
      %add3A_523 = arith.constant 3 : i32
      %add3A_524 = arith.addi %add3A_511, %add3A_523 : i32
      %lt3A_525 = arith.constant 200 : i32
      %lt3A_526 = arith.cmpi slt, %add3A_524, %lt3A_525 : i32
      %convert_element_type3A_527 = arith.extui %lt3A_526 : i1 to i32
      %cond3A_528 = arith.constant 0 : i32
      %cond3A_529 = arith.cmpi ne, %convert_element_type3A_527, %cond3A_528 : i32
      scf.if %cond3A_529 {
        %add3A_636 = arith.constant 3 : i32
        %add3A_637 = arith.addi %add3A_511, %add3A_636 : i32
        %dma_start3A_638 = arith.constant 2 : i32
        %dma_start3A_639 = arith.constant 0 : i32
        %dma_start3A_640 = arith.constant 0 : i32
        %dma_start3A_641 = tpu.memref_slice %arg6[%dma_start3A_638, %dma_start3A_639, %dma_start3A_640] : memref<4x128x64xf32, #tpu.memory_space<vmem>> -> memref<1x128x64xf32, #tpu.memory_space<vmem>>
        %dma_start3A_642 = tpu.memref_squeeze %dma_start3A_641 : memref<1x128x64xf32, #tpu.memory_space<vmem>> -> memref<128x64xf32, #tpu.memory_space<vmem>>
        %dma_start3A_643 = arith.constant 0 : i32
        %dma_start3A_644 = tpu.memref_slice %arg5[%add3A_637, %dma_start3A_643] : memref<200x128xi32, #tpu.memory_space<vmem>> -> memref<1x128xi32, #tpu.memory_space<vmem>>
        %dma_start3A_645 = tpu.memref_squeeze %dma_start3A_644 : memref<1x128xi32, #tpu.memory_space<vmem>> -> memref<128xi32, #tpu.memory_space<vmem>>
        %dma_start3A_646 = arith.constant 0 : i32
        %dma_start3A_647 = arith.constant 0 : i32
        %dma_start3A_648 = tpu.memref_slice %arg3[%dma_start3A_646, %dma_start3A_647] : memref<1000000x64xf32, #tpu.memory_space<hbm>> -> memref<1000000x64xf32, #tpu.memory_space<hbm>>
        tpu.enqueue_indirect_dma source(%dma_start3A_648 : memref<1000000x64xf32, #tpu.memory_space<hbm>>) target(%dma_start3A_642 : memref<128x64xf32, #tpu.memory_space<vmem>>) offsets(%dma_start3A_645 : memref<128xi32, #tpu.memory_space<vmem>>) semaphore(%arg10 : memref<!tpu.dma_semaphore, #tpu.memory_space<semaphore_mem>>)
      } else {
      }
      %sub3A_530 = arith.constant 4 : i32
      %sub3A_531 = arith.subi %add3A_511, %sub3A_530 : i32
      %ge3A_532 = arith.constant 0 : i32
      %ge3A_533 = arith.cmpi sge, %sub3A_531, %ge3A_532 : i32
      %convert_element_type3A_534 = arith.extui %ge3A_533 : i1 to i32
      %cond3A_535 = arith.constant 0 : i32
      %cond3A_536 = arith.cmpi ne, %convert_element_type3A_534, %cond3A_535 : i32
      scf.if %cond3A_536 {
        %sub3A_636 = arith.constant 4 : i32
        %sub3A_637 = arith.subi %add3A_511, %sub3A_636 : i32
        %dma_wait3A_638 = arith.constant 3 : i32
        %dma_wait3A_639 = arith.constant 0 : i32
        %dma_wait3A_640 = arith.constant 0 : i32
        %dma_wait3A_641 = arith.constant 0 : i32
        %dma_wait3A_642 = tpu.memref_slice %arg7[%dma_wait3A_638, %dma_wait3A_639, %dma_wait3A_640, %dma_wait3A_641] : memref<4x8x8x128xf32, #tpu.memory_space<vmem>> -> memref<1x8x8x128xf32, #tpu.memory_space<vmem>>
        %dma_wait3A_643 = tpu.memref_squeeze %dma_wait3A_642 : memref<1x8x8x128xf32, #tpu.memory_space<vmem>> -> memref<8x8x128xf32, #tpu.memory_space<vmem>>
        %dma_wait3A_644 = arith.constant 0 : i32
        %dma_wait3A_645 = arith.constant 0 : i32
        %dma_wait3A_646 = arith.constant 0 : i32
        %dma_wait3A_647 = tpu.memref_slice %arg4[%sub3A_637, %dma_wait3A_644, %add3A, %dma_wait3A_645, %dma_wait3A_646] : memref<200x8x32x8x128xf32, #tpu.memory_space<hbm>> -> memref<1x8x1x8x128xf32, #tpu.memory_space<hbm>>
        %dma_wait3A_648 = tpu.memref_squeeze %dma_wait3A_647 : memref<1x8x1x8x128xf32, #tpu.memory_space<hbm>> -> memref<8x8x128xf32, #tpu.memory_space<hbm>>
        %dma_wait3A_649 = arith.constant 0 : i32
        %dma_wait3A_650 = arith.constant 0 : i32
        %dma_wait3A_651 = arith.constant 0 : i32
        %dma_wait3A_652 = tpu.memref_slice %arg4[%sub3A_637, %dma_wait3A_649, %add3A, %dma_wait3A_650, %dma_wait3A_651] : memref<200x8x32x8x128xf32, #tpu.memory_space<hbm>> -> memref<1x8x1x8x128xf32, #tpu.memory_space<hbm>>
        %dma_wait3A_653 = tpu.memref_squeeze %dma_wait3A_652 : memref<1x8x1x8x128xf32, #tpu.memory_space<hbm>> -> memref<8x8x128xf32, #tpu.memory_space<hbm>>
        %dma_wait3A_654 = arith.constant 0 : i32
        %dma_wait3A_655 = arith.constant 0 : i32
        %dma_wait3A_656 = arith.constant 0 : i32
        %dma_wait3A_657 = tpu.memref_slice %arg7[%dma_wait3A_638, %dma_wait3A_654, %dma_wait3A_655, %dma_wait3A_656] : memref<4x8x8x128xf32, #tpu.memory_space<vmem>> -> memref<1x8x8x128xf32, #tpu.memory_space<vmem>>
        %dma_wait3A_658 = tpu.memref_squeeze %dma_wait3A_657 : memref<1x8x8x128xf32, #tpu.memory_space<vmem>> -> memref<8x8x128xf32, #tpu.memory_space<vmem>>
        tpu.wait_dma2 semaphore(%arg15 : memref<!tpu.dma_semaphore, #tpu.memory_space<semaphore_mem>>) src(%dma_wait3A_658 : memref<8x8x128xf32, #tpu.memory_space<vmem>>) dst(%dma_wait3A_653 : memref<8x8x128xf32, #tpu.memory_space<hbm>>)
      } else {
      }
      %add3A_537 = arith.constant 0 : i32
      %add3A_538 = vector.broadcast %add3A_537 : i32 to vector<16xi32>
      %add3A_539 = arith.addi %add3A_538, %iota3A : vector<16xi32>
      %add3A_540 = arith.constant 16 : i32
      %add3A_541 = vector.broadcast %add3A_540 : i32 to vector<16xi32>
      %add3A_542 = arith.addi %add3A_541, %iota3A : vector<16xi32>
      %add3A_543 = arith.constant 32 : i32
      %add3A_544 = vector.broadcast %add3A_543 : i32 to vector<16xi32>
      %add3A_545 = arith.addi %add3A_544, %iota3A : vector<16xi32>
      %add3A_546 = arith.constant 48 : i32
      %add3A_547 = vector.broadcast %add3A_546 : i32 to vector<16xi32>
      %add3A_548 = arith.addi %add3A_547, %iota3A : vector<16xi32>
      %add3A_549 = arith.constant 64 : i32
      %add3A_550 = vector.broadcast %add3A_549 : i32 to vector<16xi32>
      %add3A_551 = arith.addi %add3A_550, %iota3A : vector<16xi32>
      %add3A_552 = arith.constant 80 : i32
      %add3A_553 = vector.broadcast %add3A_552 : i32 to vector<16xi32>
      %add3A_554 = arith.addi %add3A_553, %iota3A : vector<16xi32>
      %add3A_555 = arith.constant 96 : i32
      %add3A_556 = vector.broadcast %add3A_555 : i32 to vector<16xi32>
      %add3A_557 = arith.addi %add3A_556, %iota3A : vector<16xi32>
      %add3A_558 = arith.constant 112 : i32
      %add3A_559 = vector.broadcast %add3A_558 : i32 to vector<16xi32>
      %add3A_560 = arith.addi %add3A_559, %iota3A : vector<16xi32>
      %get3A_561 = arith.index_cast %add3A_511 : i32 to index
      %get3A_562 = arith.constant 0 : index
      %get3A_563 = tpu.vector_load %arg5[%get3A_561, %get3A_562] {strides = array<i32>} : memref<200x128xi32, #tpu.memory_space<vmem>>, vector<16xi32>,
      %eq3A_564 = arith.constant 0 : i32
      %eq3A_565 = vector.broadcast %eq3A_564 : i32 to vector<16xi32>
      %eq3A_566 = arith.cmpi eq, %get3A_563, %eq3A_565 : vector<16xi32>
      %get3A_567 = arith.index_cast %add3A_511 : i32 to index
      %get3A_568 = arith.constant 16 : index
      %get3A_569 = tpu.vector_load %arg5[%get3A_567, %get3A_568] {strides = array<i32>} : memref<200x128xi32, #tpu.memory_space<vmem>>, vector<16xi32>,
      %eq3A_570 = arith.constant 0 : i32
      %eq3A_571 = vector.broadcast %eq3A_570 : i32 to vector<16xi32>
      %eq3A_572 = arith.cmpi eq, %get3A_569, %eq3A_571 : vector<16xi32>
      %get3A_573 = arith.index_cast %add3A_511 : i32 to index
      %get3A_574 = arith.constant 32 : index
      %get3A_575 = tpu.vector_load %arg5[%get3A_573, %get3A_574] {strides = array<i32>} : memref<200x128xi32, #tpu.memory_space<vmem>>, vector<16xi32>,
      %eq3A_576 = arith.constant 0 : i32
      %eq3A_577 = vector.broadcast %eq3A_576 : i32 to vector<16xi32>
      %eq3A_578 = arith.cmpi eq, %get3A_575, %eq3A_577 : vector<16xi32>
      %get3A_579 = arith.index_cast %add3A_511 : i32 to index
      %get3A_580 = arith.constant 48 : index
      %get3A_581 = tpu.vector_load %arg5[%get3A_579, %get3A_580] {strides = array<i32>} : memref<200x128xi32, #tpu.memory_space<vmem>>, vector<16xi32>,
      %eq3A_582 = arith.constant 0 : i32
      %eq3A_583 = vector.broadcast %eq3A_582 : i32 to vector<16xi32>
      %eq3A_584 = arith.cmpi eq, %get3A_581, %eq3A_583 : vector<16xi32>
      %get3A_585 = arith.index_cast %add3A_511 : i32 to index
      %get3A_586 = arith.constant 64 : index
      %get3A_587 = tpu.vector_load %arg5[%get3A_585, %get3A_586] {strides = array<i32>} : memref<200x128xi32, #tpu.memory_space<vmem>>, vector<16xi32>,
      %eq3A_588 = arith.constant 0 : i32
      %eq3A_589 = vector.broadcast %eq3A_588 : i32 to vector<16xi32>
      %eq3A_590 = arith.cmpi eq, %get3A_587, %eq3A_589 : vector<16xi32>
      %get3A_591 = arith.index_cast %add3A_511 : i32 to index
      %get3A_592 = arith.constant 80 : index
      %get3A_593 = tpu.vector_load %arg5[%get3A_591, %get3A_592] {strides = array<i32>} : memref<200x128xi32, #tpu.memory_space<vmem>>, vector<16xi32>,
      %eq3A_594 = arith.constant 0 : i32
      %eq3A_595 = vector.broadcast %eq3A_594 : i32 to vector<16xi32>
      %eq3A_596 = arith.cmpi eq, %get3A_593, %eq3A_595 : vector<16xi32>
      %get3A_597 = arith.index_cast %add3A_511 : i32 to index
      %get3A_598 = arith.constant 96 : index
      %get3A_599 = tpu.vector_load %arg5[%get3A_597, %get3A_598] {strides = array<i32>} : memref<200x128xi32, #tpu.memory_space<vmem>>, vector<16xi32>,
      %eq3A_600 = arith.constant 0 : i32
      %eq3A_601 = vector.broadcast %eq3A_600 : i32 to vector<16xi32>
      %eq3A_602 = arith.cmpi eq, %get3A_599, %eq3A_601 : vector<16xi32>
      %get3A_603 = arith.index_cast %add3A_511 : i32 to index
      %get3A_604 = arith.constant 112 : index
      %get3A_605 = tpu.vector_load %arg5[%get3A_603, %get3A_604] {strides = array<i32>} : memref<200x128xi32, #tpu.memory_space<vmem>>, vector<16xi32>,
      %eq3A_606 = arith.constant 0 : i32
      %eq3A_607 = vector.broadcast %eq3A_606 : i32 to vector<16xi32>
      %eq3A_608 = arith.cmpi eq, %get3A_605, %eq3A_607 : vector<16xi32>
      %scan3A_609 = arith.constant 0 : i32
      %scan3A_610 = arith.constant 0 : i32
      %scan3A_611 = arith.constant 32 : i32
      %scan3A_612 = arith.addi %scan3A_610, %scan3A_611 : i32
      %scan3A_613 = arith.constant 1 : i32
      scf.for %scan3A_636 = %scan3A_610 to %scan3A_612 step %scan3A_613  : i32 {
        %mul3A_637 = arith.constant 2 : i32
        %mul3A_638 = arith.muli %mul3A_637, %scan3A_636 : i32
        %add3A_639 = arith.constant 0 : i32
        %add3A_640 = arith.addi %mul3A_638, %add3A_639 : i32
        %add3A_641 = vector.broadcast %add3A_640 : i32 to vector<16xi32>
        %add3A_642 = arith.addi %iota3A, %add3A_641 : vector<16xi32>
        %and3A = arith.constant 63 : i32
        %and3A_643 = vector.broadcast %and3A : i32 to vector<16xi32>
        %and3A_644 = arith.andi %add3A_642, %and3A_643 : vector<16xi32>
        %shift_right_arithmetic3A = arith.constant 3 : i32
        %shift_right_arithmetic3A_645 = vector.broadcast %shift_right_arithmetic3A : i32 to vector<16xi32>
        %shift_right_arithmetic3A_646 = arith.shrsi %and3A_644, %shift_right_arithmetic3A_645 : vector<16xi32>
        %and3A_647 = arith.constant 7 : i32
        %and3A_648 = vector.broadcast %and3A_647 : i32 to vector<16xi32>
        %and3A_649 = arith.andi %and3A_644, %and3A_648 : vector<16xi32>
        %gather3A = arith.constant 3 : i32
        %gather3A_650 = arith.constant 0 : i32
        %gather3A_651 = arith.constant 0 : i32
        %gather3A_652 = tpu.memref_slice %arg6[%gather3A, %gather3A_650, %gather3A_651] : memref<4x128x64xf32, #tpu.memory_space<vmem>> -> memref<1x128x64xf32, #tpu.memory_space<vmem>>
        %gather3A_653 = tpu.memref_squeeze %gather3A_652 : memref<1x128x64xf32, #tpu.memory_space<vmem>> -> memref<128x64xf32, #tpu.memory_space<vmem>>
        %gather3A_654 = tpu.vector_load_idx %gather3A_653[%add3A_539, %and3A_644] : memref<128x64xf32, #tpu.memory_space<vmem>>[vector<16xi32>, vector<16xi32>], vector<16xf32>,
        %gather3A_655 = arith.constant 3 : i32
        %gather3A_656 = arith.constant 0 : i32
        %gather3A_657 = arith.constant 0 : i32
        %gather3A_658 = tpu.memref_slice %arg6[%gather3A_655, %gather3A_656, %gather3A_657] : memref<4x128x64xf32, #tpu.memory_space<vmem>> -> memref<1x128x64xf32, #tpu.memory_space<vmem>>
        %gather3A_659 = tpu.memref_squeeze %gather3A_658 : memref<1x128x64xf32, #tpu.memory_space<vmem>> -> memref<128x64xf32, #tpu.memory_space<vmem>>
        %gather3A_660 = tpu.vector_load_idx %gather3A_659[%add3A_542, %and3A_644] : memref<128x64xf32, #tpu.memory_space<vmem>>[vector<16xi32>, vector<16xi32>], vector<16xf32>,
        %gather3A_661 = arith.constant 3 : i32
        %gather3A_662 = arith.constant 0 : i32
        %gather3A_663 = arith.constant 0 : i32
        %gather3A_664 = tpu.memref_slice %arg6[%gather3A_661, %gather3A_662, %gather3A_663] : memref<4x128x64xf32, #tpu.memory_space<vmem>> -> memref<1x128x64xf32, #tpu.memory_space<vmem>>
        %gather3A_665 = tpu.memref_squeeze %gather3A_664 : memref<1x128x64xf32, #tpu.memory_space<vmem>> -> memref<128x64xf32, #tpu.memory_space<vmem>>
        %gather3A_666 = tpu.vector_load_idx %gather3A_665[%add3A_545, %and3A_644] : memref<128x64xf32, #tpu.memory_space<vmem>>[vector<16xi32>, vector<16xi32>], vector<16xf32>,
        %gather3A_667 = arith.constant 3 : i32
        %gather3A_668 = arith.constant 0 : i32
        %gather3A_669 = arith.constant 0 : i32
        %gather3A_670 = tpu.memref_slice %arg6[%gather3A_667, %gather3A_668, %gather3A_669] : memref<4x128x64xf32, #tpu.memory_space<vmem>> -> memref<1x128x64xf32, #tpu.memory_space<vmem>>
        %gather3A_671 = tpu.memref_squeeze %gather3A_670 : memref<1x128x64xf32, #tpu.memory_space<vmem>> -> memref<128x64xf32, #tpu.memory_space<vmem>>
        %gather3A_672 = tpu.vector_load_idx %gather3A_671[%add3A_548, %and3A_644] : memref<128x64xf32, #tpu.memory_space<vmem>>[vector<16xi32>, vector<16xi32>], vector<16xf32>,
        %gather3A_673 = arith.constant 3 : i32
        %gather3A_674 = arith.constant 0 : i32
        %gather3A_675 = arith.constant 0 : i32
        %gather3A_676 = tpu.memref_slice %arg6[%gather3A_673, %gather3A_674, %gather3A_675] : memref<4x128x64xf32, #tpu.memory_space<vmem>> -> memref<1x128x64xf32, #tpu.memory_space<vmem>>
        %gather3A_677 = tpu.memref_squeeze %gather3A_676 : memref<1x128x64xf32, #tpu.memory_space<vmem>> -> memref<128x64xf32, #tpu.memory_space<vmem>>
        %gather3A_678 = tpu.vector_load_idx %gather3A_677[%add3A_551, %and3A_644] : memref<128x64xf32, #tpu.memory_space<vmem>>[vector<16xi32>, vector<16xi32>], vector<16xf32>,
        %gather3A_679 = arith.constant 3 : i32
        %gather3A_680 = arith.constant 0 : i32
        %gather3A_681 = arith.constant 0 : i32
        %gather3A_682 = tpu.memref_slice %arg6[%gather3A_679, %gather3A_680, %gather3A_681] : memref<4x128x64xf32, #tpu.memory_space<vmem>> -> memref<1x128x64xf32, #tpu.memory_space<vmem>>
        %gather3A_683 = tpu.memref_squeeze %gather3A_682 : memref<1x128x64xf32, #tpu.memory_space<vmem>> -> memref<128x64xf32, #tpu.memory_space<vmem>>
        %gather3A_684 = tpu.vector_load_idx %gather3A_683[%add3A_554, %and3A_644] : memref<128x64xf32, #tpu.memory_space<vmem>>[vector<16xi32>, vector<16xi32>], vector<16xf32>,
        %gather3A_685 = arith.constant 3 : i32
        %gather3A_686 = arith.constant 0 : i32
        %gather3A_687 = arith.constant 0 : i32
        %gather3A_688 = tpu.memref_slice %arg6[%gather3A_685, %gather3A_686, %gather3A_687] : memref<4x128x64xf32, #tpu.memory_space<vmem>> -> memref<1x128x64xf32, #tpu.memory_space<vmem>>
        %gather3A_689 = tpu.memref_squeeze %gather3A_688 : memref<1x128x64xf32, #tpu.memory_space<vmem>> -> memref<128x64xf32, #tpu.memory_space<vmem>>
        %gather3A_690 = tpu.vector_load_idx %gather3A_689[%add3A_557, %and3A_644] : memref<128x64xf32, #tpu.memory_space<vmem>>[vector<16xi32>, vector<16xi32>], vector<16xf32>,
        %gather3A_691 = arith.constant 3 : i32
        %gather3A_692 = arith.constant 0 : i32
        %gather3A_693 = arith.constant 0 : i32
        %gather3A_694 = tpu.memref_slice %arg6[%gather3A_691, %gather3A_692, %gather3A_693] : memref<4x128x64xf32, #tpu.memory_space<vmem>> -> memref<1x128x64xf32, #tpu.memory_space<vmem>>
        %gather3A_695 = tpu.memref_squeeze %gather3A_694 : memref<1x128x64xf32, #tpu.memory_space<vmem>> -> memref<128x64xf32, #tpu.memory_space<vmem>>
        %gather3A_696 = tpu.vector_load_idx %gather3A_695[%add3A_560, %and3A_644] : memref<128x64xf32, #tpu.memory_space<vmem>>[vector<16xi32>, vector<16xi32>], vector<16xf32>,
        %jit3A = arith.constant 0.000000e+00 : f32
        %broadcast_in_dim3A = vector.broadcast %jit3A : f32 to vector<16xf32>
        %select_n3A = arith.select %eq3A_566, %broadcast_in_dim3A, %gather3A_654 : vector<16xi1>, vector<16xf32>
        %scatter3A = arith.constant 3 : i32
        %scatter3A_697 = arith.constant 0 : i32
        %scatter3A_698 = arith.constant 0 : i32
        %scatter3A_699 = arith.constant 0 : i32
        %scatter3A_700 = tpu.memref_slice %arg7[%scatter3A, %scatter3A_697, %scatter3A_698, %scatter3A_699] : memref<4x8x8x128xf32, #tpu.memory_space<vmem>> -> memref<1x8x8x128xf32, #tpu.memory_space<vmem>>
        %scatter3A_701 = tpu.memref_squeeze %scatter3A_700 : memref<1x8x8x128xf32, #tpu.memory_space<vmem>> -> memref<8x8x128xf32, #tpu.memory_space<vmem>>
        tpu.vector_store_idx %scatter3A_701[%shift_right_arithmetic3A_646, %and3A_649, %add3A_539], %select_n3A : memref<8x8x128xf32, #tpu.memory_space<vmem>>[vector<16xi32>, vector<16xi32>, vector<16xi32>], vector<16xf32>,
        %jit3A_702 = arith.constant 0.000000e+00 : f32
        %broadcast_in_dim3A_703 = vector.broadcast %jit3A_702 : f32 to vector<16xf32>
        %select_n3A_704 = arith.select %eq3A_572, %broadcast_in_dim3A_703, %gather3A_660 : vector<16xi1>, vector<16xf32>
        %scatter3A_705 = arith.constant 3 : i32
        %scatter3A_706 = arith.constant 0 : i32
        %scatter3A_707 = arith.constant 0 : i32
        %scatter3A_708 = arith.constant 0 : i32
        %scatter3A_709 = tpu.memref_slice %arg7[%scatter3A_705, %scatter3A_706, %scatter3A_707, %scatter3A_708] : memref<4x8x8x128xf32, #tpu.memory_space<vmem>> -> memref<1x8x8x128xf32, #tpu.memory_space<vmem>>
        %scatter3A_710 = tpu.memref_squeeze %scatter3A_709 : memref<1x8x8x128xf32, #tpu.memory_space<vmem>> -> memref<8x8x128xf32, #tpu.memory_space<vmem>>
        tpu.vector_store_idx %scatter3A_710[%shift_right_arithmetic3A_646, %and3A_649, %add3A_542], %select_n3A_704 : memref<8x8x128xf32, #tpu.memory_space<vmem>>[vector<16xi32>, vector<16xi32>, vector<16xi32>], vector<16xf32>,
        %jit3A_711 = arith.constant 0.000000e+00 : f32
        %broadcast_in_dim3A_712 = vector.broadcast %jit3A_711 : f32 to vector<16xf32>
        %select_n3A_713 = arith.select %eq3A_578, %broadcast_in_dim3A_712, %gather3A_666 : vector<16xi1>, vector<16xf32>
        %scatter3A_714 = arith.constant 3 : i32
        %scatter3A_715 = arith.constant 0 : i32
        %scatter3A_716 = arith.constant 0 : i32
        %scatter3A_717 = arith.constant 0 : i32
        %scatter3A_718 = tpu.memref_slice %arg7[%scatter3A_714, %scatter3A_715, %scatter3A_716, %scatter3A_717] : memref<4x8x8x128xf32, #tpu.memory_space<vmem>> -> memref<1x8x8x128xf32, #tpu.memory_space<vmem>>
        %scatter3A_719 = tpu.memref_squeeze %scatter3A_718 : memref<1x8x8x128xf32, #tpu.memory_space<vmem>> -> memref<8x8x128xf32, #tpu.memory_space<vmem>>
        tpu.vector_store_idx %scatter3A_719[%shift_right_arithmetic3A_646, %and3A_649, %add3A_545], %select_n3A_713 : memref<8x8x128xf32, #tpu.memory_space<vmem>>[vector<16xi32>, vector<16xi32>, vector<16xi32>], vector<16xf32>,
        %jit3A_720 = arith.constant 0.000000e+00 : f32
        %broadcast_in_dim3A_721 = vector.broadcast %jit3A_720 : f32 to vector<16xf32>
        %select_n3A_722 = arith.select %eq3A_584, %broadcast_in_dim3A_721, %gather3A_672 : vector<16xi1>, vector<16xf32>
        %scatter3A_723 = arith.constant 3 : i32
        %scatter3A_724 = arith.constant 0 : i32
        %scatter3A_725 = arith.constant 0 : i32
        %scatter3A_726 = arith.constant 0 : i32
        %scatter3A_727 = tpu.memref_slice %arg7[%scatter3A_723, %scatter3A_724, %scatter3A_725, %scatter3A_726] : memref<4x8x8x128xf32, #tpu.memory_space<vmem>> -> memref<1x8x8x128xf32, #tpu.memory_space<vmem>>
        %scatter3A_728 = tpu.memref_squeeze %scatter3A_727 : memref<1x8x8x128xf32, #tpu.memory_space<vmem>> -> memref<8x8x128xf32, #tpu.memory_space<vmem>>
        tpu.vector_store_idx %scatter3A_728[%shift_right_arithmetic3A_646, %and3A_649, %add3A_548], %select_n3A_722 : memref<8x8x128xf32, #tpu.memory_space<vmem>>[vector<16xi32>, vector<16xi32>, vector<16xi32>], vector<16xf32>,
        %jit3A_729 = arith.constant 0.000000e+00 : f32
        %broadcast_in_dim3A_730 = vector.broadcast %jit3A_729 : f32 to vector<16xf32>
        %select_n3A_731 = arith.select %eq3A_590, %broadcast_in_dim3A_730, %gather3A_678 : vector<16xi1>, vector<16xf32>
        %scatter3A_732 = arith.constant 3 : i32
        %scatter3A_733 = arith.constant 0 : i32
        %scatter3A_734 = arith.constant 0 : i32
        %scatter3A_735 = arith.constant 0 : i32
        %scatter3A_736 = tpu.memref_slice %arg7[%scatter3A_732, %scatter3A_733, %scatter3A_734, %scatter3A_735] : memref<4x8x8x128xf32, #tpu.memory_space<vmem>> -> memref<1x8x8x128xf32, #tpu.memory_space<vmem>>
        %scatter3A_737 = tpu.memref_squeeze %scatter3A_736 : memref<1x8x8x128xf32, #tpu.memory_space<vmem>> -> memref<8x8x128xf32, #tpu.memory_space<vmem>>
        tpu.vector_store_idx %scatter3A_737[%shift_right_arithmetic3A_646, %and3A_649, %add3A_551], %select_n3A_731 : memref<8x8x128xf32, #tpu.memory_space<vmem>>[vector<16xi32>, vector<16xi32>, vector<16xi32>], vector<16xf32>,
        %jit3A_738 = arith.constant 0.000000e+00 : f32
        %broadcast_in_dim3A_739 = vector.broadcast %jit3A_738 : f32 to vector<16xf32>
        %select_n3A_740 = arith.select %eq3A_596, %broadcast_in_dim3A_739, %gather3A_684 : vector<16xi1>, vector<16xf32>
        %scatter3A_741 = arith.constant 3 : i32
        %scatter3A_742 = arith.constant 0 : i32
        %scatter3A_743 = arith.constant 0 : i32
        %scatter3A_744 = arith.constant 0 : i32
        %scatter3A_745 = tpu.memref_slice %arg7[%scatter3A_741, %scatter3A_742, %scatter3A_743, %scatter3A_744] : memref<4x8x8x128xf32, #tpu.memory_space<vmem>> -> memref<1x8x8x128xf32, #tpu.memory_space<vmem>>
        %scatter3A_746 = tpu.memref_squeeze %scatter3A_745 : memref<1x8x8x128xf32, #tpu.memory_space<vmem>> -> memref<8x8x128xf32, #tpu.memory_space<vmem>>
        tpu.vector_store_idx %scatter3A_746[%shift_right_arithmetic3A_646, %and3A_649, %add3A_554], %select_n3A_740 : memref<8x8x128xf32, #tpu.memory_space<vmem>>[vector<16xi32>, vector<16xi32>, vector<16xi32>], vector<16xf32>,
        %jit3A_747 = arith.constant 0.000000e+00 : f32
        %broadcast_in_dim3A_748 = vector.broadcast %jit3A_747 : f32 to vector<16xf32>
        %select_n3A_749 = arith.select %eq3A_602, %broadcast_in_dim3A_748, %gather3A_690 : vector<16xi1>, vector<16xf32>
        %scatter3A_750 = arith.constant 3 : i32
        %scatter3A_751 = arith.constant 0 : i32
        %scatter3A_752 = arith.constant 0 : i32
        %scatter3A_753 = arith.constant 0 : i32
        %scatter3A_754 = tpu.memref_slice %arg7[%scatter3A_750, %scatter3A_751, %scatter3A_752, %scatter3A_753] : memref<4x8x8x128xf32, #tpu.memory_space<vmem>> -> memref<1x8x8x128xf32, #tpu.memory_space<vmem>>
        %scatter3A_755 = tpu.memref_squeeze %scatter3A_754 : memref<1x8x8x128xf32, #tpu.memory_space<vmem>> -> memref<8x8x128xf32, #tpu.memory_space<vmem>>
        tpu.vector_store_idx %scatter3A_755[%shift_right_arithmetic3A_646, %and3A_649, %add3A_557], %select_n3A_749 : memref<8x8x128xf32, #tpu.memory_space<vmem>>[vector<16xi32>, vector<16xi32>, vector<16xi32>], vector<16xf32>,
        %jit3A_756 = arith.constant 0.000000e+00 : f32
        %broadcast_in_dim3A_757 = vector.broadcast %jit3A_756 : f32 to vector<16xf32>
        %select_n3A_758 = arith.select %eq3A_608, %broadcast_in_dim3A_757, %gather3A_696 : vector<16xi1>, vector<16xf32>
        %scatter3A_759 = arith.constant 3 : i32
        %scatter3A_760 = arith.constant 0 : i32
        %scatter3A_761 = arith.constant 0 : i32
        %scatter3A_762 = arith.constant 0 : i32
        %scatter3A_763 = tpu.memref_slice %arg7[%scatter3A_759, %scatter3A_760, %scatter3A_761, %scatter3A_762] : memref<4x8x8x128xf32, #tpu.memory_space<vmem>> -> memref<1x8x8x128xf32, #tpu.memory_space<vmem>>
        %scatter3A_764 = tpu.memref_squeeze %scatter3A_763 : memref<1x8x8x128xf32, #tpu.memory_space<vmem>> -> memref<8x8x128xf32, #tpu.memory_space<vmem>>
        tpu.vector_store_idx %scatter3A_764[%shift_right_arithmetic3A_646, %and3A_649, %add3A_560], %select_n3A_758 : memref<8x8x128xf32, #tpu.memory_space<vmem>>[vector<16xi32>, vector<16xi32>, vector<16xi32>], vector<16xf32>,
        %mul3A_765 = arith.constant 2 : i32
        %mul3A_766 = arith.muli %mul3A_765, %scan3A_636 : i32
        %add3A_767 = arith.constant 1 : i32
        %add3A_768 = arith.addi %mul3A_766, %add3A_767 : i32
        %add3A_769 = vector.broadcast %add3A_768 : i32 to vector<16xi32>
        %add3A_770 = arith.addi %iota3A, %add3A_769 : vector<16xi32>
        %and3A_771 = arith.constant 63 : i32
        %and3A_772 = vector.broadcast %and3A_771 : i32 to vector<16xi32>
        %and3A_773 = arith.andi %add3A_770, %and3A_772 : vector<16xi32>
        %shift_right_arithmetic3A_774 = arith.constant 3 : i32
        %shift_right_arithmetic3A_775 = vector.broadcast %shift_right_arithmetic3A_774 : i32 to vector<16xi32>
        %shift_right_arithmetic3A_776 = arith.shrsi %and3A_773, %shift_right_arithmetic3A_775 : vector<16xi32>
        %and3A_777 = arith.constant 7 : i32
        %and3A_778 = vector.broadcast %and3A_777 : i32 to vector<16xi32>
        %and3A_779 = arith.andi %and3A_773, %and3A_778 : vector<16xi32>
        %gather3A_780 = arith.constant 3 : i32
        %gather3A_781 = arith.constant 0 : i32
        %gather3A_782 = arith.constant 0 : i32
        %gather3A_783 = tpu.memref_slice %arg6[%gather3A_780, %gather3A_781, %gather3A_782] : memref<4x128x64xf32, #tpu.memory_space<vmem>> -> memref<1x128x64xf32, #tpu.memory_space<vmem>>
        %gather3A_784 = tpu.memref_squeeze %gather3A_783 : memref<1x128x64xf32, #tpu.memory_space<vmem>> -> memref<128x64xf32, #tpu.memory_space<vmem>>
        %gather3A_785 = tpu.vector_load_idx %gather3A_784[%add3A_539, %and3A_773] : memref<128x64xf32, #tpu.memory_space<vmem>>[vector<16xi32>, vector<16xi32>], vector<16xf32>,
        %gather3A_786 = arith.constant 3 : i32
        %gather3A_787 = arith.constant 0 : i32
        %gather3A_788 = arith.constant 0 : i32
        %gather3A_789 = tpu.memref_slice %arg6[%gather3A_786, %gather3A_787, %gather3A_788] : memref<4x128x64xf32, #tpu.memory_space<vmem>> -> memref<1x128x64xf32, #tpu.memory_space<vmem>>
        %gather3A_790 = tpu.memref_squeeze %gather3A_789 : memref<1x128x64xf32, #tpu.memory_space<vmem>> -> memref<128x64xf32, #tpu.memory_space<vmem>>
        %gather3A_791 = tpu.vector_load_idx %gather3A_790[%add3A_542, %and3A_773] : memref<128x64xf32, #tpu.memory_space<vmem>>[vector<16xi32>, vector<16xi32>], vector<16xf32>,
        %gather3A_792 = arith.constant 3 : i32
        %gather3A_793 = arith.constant 0 : i32
        %gather3A_794 = arith.constant 0 : i32
        %gather3A_795 = tpu.memref_slice %arg6[%gather3A_792, %gather3A_793, %gather3A_794] : memref<4x128x64xf32, #tpu.memory_space<vmem>> -> memref<1x128x64xf32, #tpu.memory_space<vmem>>
        %gather3A_796 = tpu.memref_squeeze %gather3A_795 : memref<1x128x64xf32, #tpu.memory_space<vmem>> -> memref<128x64xf32, #tpu.memory_space<vmem>>
        %gather3A_797 = tpu.vector_load_idx %gather3A_796[%add3A_545, %and3A_773] : memref<128x64xf32, #tpu.memory_space<vmem>>[vector<16xi32>, vector<16xi32>], vector<16xf32>,
        %gather3A_798 = arith.constant 3 : i32
        %gather3A_799 = arith.constant 0 : i32
        %gather3A_800 = arith.constant 0 : i32
        %gather3A_801 = tpu.memref_slice %arg6[%gather3A_798, %gather3A_799, %gather3A_800] : memref<4x128x64xf32, #tpu.memory_space<vmem>> -> memref<1x128x64xf32, #tpu.memory_space<vmem>>
        %gather3A_802 = tpu.memref_squeeze %gather3A_801 : memref<1x128x64xf32, #tpu.memory_space<vmem>> -> memref<128x64xf32, #tpu.memory_space<vmem>>
        %gather3A_803 = tpu.vector_load_idx %gather3A_802[%add3A_548, %and3A_773] : memref<128x64xf32, #tpu.memory_space<vmem>>[vector<16xi32>, vector<16xi32>], vector<16xf32>,
        %gather3A_804 = arith.constant 3 : i32
        %gather3A_805 = arith.constant 0 : i32
        %gather3A_806 = arith.constant 0 : i32
        %gather3A_807 = tpu.memref_slice %arg6[%gather3A_804, %gather3A_805, %gather3A_806] : memref<4x128x64xf32, #tpu.memory_space<vmem>> -> memref<1x128x64xf32, #tpu.memory_space<vmem>>
        %gather3A_808 = tpu.memref_squeeze %gather3A_807 : memref<1x128x64xf32, #tpu.memory_space<vmem>> -> memref<128x64xf32, #tpu.memory_space<vmem>>
        %gather3A_809 = tpu.vector_load_idx %gather3A_808[%add3A_551, %and3A_773] : memref<128x64xf32, #tpu.memory_space<vmem>>[vector<16xi32>, vector<16xi32>], vector<16xf32>,
        %gather3A_810 = arith.constant 3 : i32
        %gather3A_811 = arith.constant 0 : i32
        %gather3A_812 = arith.constant 0 : i32
        %gather3A_813 = tpu.memref_slice %arg6[%gather3A_810, %gather3A_811, %gather3A_812] : memref<4x128x64xf32, #tpu.memory_space<vmem>> -> memref<1x128x64xf32, #tpu.memory_space<vmem>>
        %gather3A_814 = tpu.memref_squeeze %gather3A_813 : memref<1x128x64xf32, #tpu.memory_space<vmem>> -> memref<128x64xf32, #tpu.memory_space<vmem>>
        %gather3A_815 = tpu.vector_load_idx %gather3A_814[%add3A_554, %and3A_773] : memref<128x64xf32, #tpu.memory_space<vmem>>[vector<16xi32>, vector<16xi32>], vector<16xf32>,
        %gather3A_816 = arith.constant 3 : i32
        %gather3A_817 = arith.constant 0 : i32
        %gather3A_818 = arith.constant 0 : i32
        %gather3A_819 = tpu.memref_slice %arg6[%gather3A_816, %gather3A_817, %gather3A_818] : memref<4x128x64xf32, #tpu.memory_space<vmem>> -> memref<1x128x64xf32, #tpu.memory_space<vmem>>
        %gather3A_820 = tpu.memref_squeeze %gather3A_819 : memref<1x128x64xf32, #tpu.memory_space<vmem>> -> memref<128x64xf32, #tpu.memory_space<vmem>>
        %gather3A_821 = tpu.vector_load_idx %gather3A_820[%add3A_557, %and3A_773] : memref<128x64xf32, #tpu.memory_space<vmem>>[vector<16xi32>, vector<16xi32>], vector<16xf32>,
        %gather3A_822 = arith.constant 3 : i32
        %gather3A_823 = arith.constant 0 : i32
        %gather3A_824 = arith.constant 0 : i32
        %gather3A_825 = tpu.memref_slice %arg6[%gather3A_822, %gather3A_823, %gather3A_824] : memref<4x128x64xf32, #tpu.memory_space<vmem>> -> memref<1x128x64xf32, #tpu.memory_space<vmem>>
        %gather3A_826 = tpu.memref_squeeze %gather3A_825 : memref<1x128x64xf32, #tpu.memory_space<vmem>> -> memref<128x64xf32, #tpu.memory_space<vmem>>
        %gather3A_827 = tpu.vector_load_idx %gather3A_826[%add3A_560, %and3A_773] : memref<128x64xf32, #tpu.memory_space<vmem>>[vector<16xi32>, vector<16xi32>], vector<16xf32>,
        %jit3A_828 = arith.constant 0.000000e+00 : f32
        %broadcast_in_dim3A_829 = vector.broadcast %jit3A_828 : f32 to vector<16xf32>
        %select_n3A_830 = arith.select %eq3A_566, %broadcast_in_dim3A_829, %gather3A_785 : vector<16xi1>, vector<16xf32>
        %scatter3A_831 = arith.constant 3 : i32
        %scatter3A_832 = arith.constant 0 : i32
        %scatter3A_833 = arith.constant 0 : i32
        %scatter3A_834 = arith.constant 0 : i32
        %scatter3A_835 = tpu.memref_slice %arg7[%scatter3A_831, %scatter3A_832, %scatter3A_833, %scatter3A_834] : memref<4x8x8x128xf32, #tpu.memory_space<vmem>> -> memref<1x8x8x128xf32, #tpu.memory_space<vmem>>
        %scatter3A_836 = tpu.memref_squeeze %scatter3A_835 : memref<1x8x8x128xf32, #tpu.memory_space<vmem>> -> memref<8x8x128xf32, #tpu.memory_space<vmem>>
        tpu.vector_store_idx %scatter3A_836[%shift_right_arithmetic3A_776, %and3A_779, %add3A_539], %select_n3A_830 : memref<8x8x128xf32, #tpu.memory_space<vmem>>[vector<16xi32>, vector<16xi32>, vector<16xi32>], vector<16xf32>,
        %jit3A_837 = arith.constant 0.000000e+00 : f32
        %broadcast_in_dim3A_838 = vector.broadcast %jit3A_837 : f32 to vector<16xf32>
        %select_n3A_839 = arith.select %eq3A_572, %broadcast_in_dim3A_838, %gather3A_791 : vector<16xi1>, vector<16xf32>
        %scatter3A_840 = arith.constant 3 : i32
        %scatter3A_841 = arith.constant 0 : i32
        %scatter3A_842 = arith.constant 0 : i32
        %scatter3A_843 = arith.constant 0 : i32
        %scatter3A_844 = tpu.memref_slice %arg7[%scatter3A_840, %scatter3A_841, %scatter3A_842, %scatter3A_843] : memref<4x8x8x128xf32, #tpu.memory_space<vmem>> -> memref<1x8x8x128xf32, #tpu.memory_space<vmem>>
        %scatter3A_845 = tpu.memref_squeeze %scatter3A_844 : memref<1x8x8x128xf32, #tpu.memory_space<vmem>> -> memref<8x8x128xf32, #tpu.memory_space<vmem>>
        tpu.vector_store_idx %scatter3A_845[%shift_right_arithmetic3A_776, %and3A_779, %add3A_542], %select_n3A_839 : memref<8x8x128xf32, #tpu.memory_space<vmem>>[vector<16xi32>, vector<16xi32>, vector<16xi32>], vector<16xf32>,
        %jit3A_846 = arith.constant 0.000000e+00 : f32
        %broadcast_in_dim3A_847 = vector.broadcast %jit3A_846 : f32 to vector<16xf32>
        %select_n3A_848 = arith.select %eq3A_578, %broadcast_in_dim3A_847, %gather3A_797 : vector<16xi1>, vector<16xf32>
        %scatter3A_849 = arith.constant 3 : i32
        %scatter3A_850 = arith.constant 0 : i32
        %scatter3A_851 = arith.constant 0 : i32
        %scatter3A_852 = arith.constant 0 : i32
        %scatter3A_853 = tpu.memref_slice %arg7[%scatter3A_849, %scatter3A_850, %scatter3A_851, %scatter3A_852] : memref<4x8x8x128xf32, #tpu.memory_space<vmem>> -> memref<1x8x8x128xf32, #tpu.memory_space<vmem>>
        %scatter3A_854 = tpu.memref_squeeze %scatter3A_853 : memref<1x8x8x128xf32, #tpu.memory_space<vmem>> -> memref<8x8x128xf32, #tpu.memory_space<vmem>>
        tpu.vector_store_idx %scatter3A_854[%shift_right_arithmetic3A_776, %and3A_779, %add3A_545], %select_n3A_848 : memref<8x8x128xf32, #tpu.memory_space<vmem>>[vector<16xi32>, vector<16xi32>, vector<16xi32>], vector<16xf32>,
        %jit3A_855 = arith.constant 0.000000e+00 : f32
        %broadcast_in_dim3A_856 = vector.broadcast %jit3A_855 : f32 to vector<16xf32>
        %select_n3A_857 = arith.select %eq3A_584, %broadcast_in_dim3A_856, %gather3A_803 : vector<16xi1>, vector<16xf32>
        %scatter3A_858 = arith.constant 3 : i32
        %scatter3A_859 = arith.constant 0 : i32
        %scatter3A_860 = arith.constant 0 : i32
        %scatter3A_861 = arith.constant 0 : i32
        %scatter3A_862 = tpu.memref_slice %arg7[%scatter3A_858, %scatter3A_859, %scatter3A_860, %scatter3A_861] : memref<4x8x8x128xf32, #tpu.memory_space<vmem>> -> memref<1x8x8x128xf32, #tpu.memory_space<vmem>>
        %scatter3A_863 = tpu.memref_squeeze %scatter3A_862 : memref<1x8x8x128xf32, #tpu.memory_space<vmem>> -> memref<8x8x128xf32, #tpu.memory_space<vmem>>
        tpu.vector_store_idx %scatter3A_863[%shift_right_arithmetic3A_776, %and3A_779, %add3A_548], %select_n3A_857 : memref<8x8x128xf32, #tpu.memory_space<vmem>>[vector<16xi32>, vector<16xi32>, vector<16xi32>], vector<16xf32>,
        %jit3A_864 = arith.constant 0.000000e+00 : f32
        %broadcast_in_dim3A_865 = vector.broadcast %jit3A_864 : f32 to vector<16xf32>
        %select_n3A_866 = arith.select %eq3A_590, %broadcast_in_dim3A_865, %gather3A_809 : vector<16xi1>, vector<16xf32>
        %scatter3A_867 = arith.constant 3 : i32
        %scatter3A_868 = arith.constant 0 : i32
        %scatter3A_869 = arith.constant 0 : i32
        %scatter3A_870 = arith.constant 0 : i32
        %scatter3A_871 = tpu.memref_slice %arg7[%scatter3A_867, %scatter3A_868, %scatter3A_869, %scatter3A_870] : memref<4x8x8x128xf32, #tpu.memory_space<vmem>> -> memref<1x8x8x128xf32, #tpu.memory_space<vmem>>
        %scatter3A_872 = tpu.memref_squeeze %scatter3A_871 : memref<1x8x8x128xf32, #tpu.memory_space<vmem>> -> memref<8x8x128xf32, #tpu.memory_space<vmem>>
        tpu.vector_store_idx %scatter3A_872[%shift_right_arithmetic3A_776, %and3A_779, %add3A_551], %select_n3A_866 : memref<8x8x128xf32, #tpu.memory_space<vmem>>[vector<16xi32>, vector<16xi32>, vector<16xi32>], vector<16xf32>,
        %jit3A_873 = arith.constant 0.000000e+00 : f32
        %broadcast_in_dim3A_874 = vector.broadcast %jit3A_873 : f32 to vector<16xf32>
        %select_n3A_875 = arith.select %eq3A_596, %broadcast_in_dim3A_874, %gather3A_815 : vector<16xi1>, vector<16xf32>
        %scatter3A_876 = arith.constant 3 : i32
        %scatter3A_877 = arith.constant 0 : i32
        %scatter3A_878 = arith.constant 0 : i32
        %scatter3A_879 = arith.constant 0 : i32
        %scatter3A_880 = tpu.memref_slice %arg7[%scatter3A_876, %scatter3A_877, %scatter3A_878, %scatter3A_879] : memref<4x8x8x128xf32, #tpu.memory_space<vmem>> -> memref<1x8x8x128xf32, #tpu.memory_space<vmem>>
        %scatter3A_881 = tpu.memref_squeeze %scatter3A_880 : memref<1x8x8x128xf32, #tpu.memory_space<vmem>> -> memref<8x8x128xf32, #tpu.memory_space<vmem>>
        tpu.vector_store_idx %scatter3A_881[%shift_right_arithmetic3A_776, %and3A_779, %add3A_554], %select_n3A_875 : memref<8x8x128xf32, #tpu.memory_space<vmem>>[vector<16xi32>, vector<16xi32>, vector<16xi32>], vector<16xf32>,
        %jit3A_882 = arith.constant 0.000000e+00 : f32
        %broadcast_in_dim3A_883 = vector.broadcast %jit3A_882 : f32 to vector<16xf32>
        %select_n3A_884 = arith.select %eq3A_602, %broadcast_in_dim3A_883, %gather3A_821 : vector<16xi1>, vector<16xf32>
        %scatter3A_885 = arith.constant 3 : i32
        %scatter3A_886 = arith.constant 0 : i32
        %scatter3A_887 = arith.constant 0 : i32
        %scatter3A_888 = arith.constant 0 : i32
        %scatter3A_889 = tpu.memref_slice %arg7[%scatter3A_885, %scatter3A_886, %scatter3A_887, %scatter3A_888] : memref<4x8x8x128xf32, #tpu.memory_space<vmem>> -> memref<1x8x8x128xf32, #tpu.memory_space<vmem>>
        %scatter3A_890 = tpu.memref_squeeze %scatter3A_889 : memref<1x8x8x128xf32, #tpu.memory_space<vmem>> -> memref<8x8x128xf32, #tpu.memory_space<vmem>>
        tpu.vector_store_idx %scatter3A_890[%shift_right_arithmetic3A_776, %and3A_779, %add3A_557], %select_n3A_884 : memref<8x8x128xf32, #tpu.memory_space<vmem>>[vector<16xi32>, vector<16xi32>, vector<16xi32>], vector<16xf32>,
        %jit3A_891 = arith.constant 0.000000e+00 : f32
        %broadcast_in_dim3A_892 = vector.broadcast %jit3A_891 : f32 to vector<16xf32>
        %select_n3A_893 = arith.select %eq3A_608, %broadcast_in_dim3A_892, %gather3A_827 : vector<16xi1>, vector<16xf32>
        %scatter3A_894 = arith.constant 3 : i32
        %scatter3A_895 = arith.constant 0 : i32
        %scatter3A_896 = arith.constant 0 : i32
        %scatter3A_897 = arith.constant 0 : i32
        %scatter3A_898 = tpu.memref_slice %arg7[%scatter3A_894, %scatter3A_895, %scatter3A_896, %scatter3A_897] : memref<4x8x8x128xf32, #tpu.memory_space<vmem>> -> memref<1x8x8x128xf32, #tpu.memory_space<vmem>>
        %scatter3A_899 = tpu.memref_squeeze %scatter3A_898 : memref<1x8x8x128xf32, #tpu.memory_space<vmem>> -> memref<8x8x128xf32, #tpu.memory_space<vmem>>
        tpu.vector_store_idx %scatter3A_899[%shift_right_arithmetic3A_776, %and3A_779, %add3A_560], %select_n3A_893 : memref<8x8x128xf32, #tpu.memory_space<vmem>>[vector<16xi32>, vector<16xi32>, vector<16xi32>], vector<16xf32>,
      }
      %scan3A_614 = arith.constant 32 : i32
      %dma_start3A_615 = arith.constant 3 : i32
      %dma_start3A_616 = arith.constant 0 : i32
      %dma_start3A_617 = arith.constant 0 : i32
      %dma_start3A_618 = arith.constant 0 : i32
      %dma_start3A_619 = tpu.memref_slice %arg7[%dma_start3A_615, %dma_start3A_616, %dma_start3A_617, %dma_start3A_618] : memref<4x8x8x128xf32, #tpu.memory_space<vmem>> -> memref<1x8x8x128xf32, #tpu.memory_space<vmem>>
      %dma_start3A_620 = tpu.memref_squeeze %dma_start3A_619 : memref<1x8x8x128xf32, #tpu.memory_space<vmem>> -> memref<8x8x128xf32, #tpu.memory_space<vmem>>
      %dma_start3A_621 = arith.constant 0 : i32
      %dma_start3A_622 = arith.constant 0 : i32
      %dma_start3A_623 = arith.constant 0 : i32
      %dma_start3A_624 = tpu.memref_slice %arg4[%add3A_511, %dma_start3A_621, %add3A, %dma_start3A_622, %dma_start3A_623] : memref<200x8x32x8x128xf32, #tpu.memory_space<hbm>> -> memref<1x8x1x8x128xf32, #tpu.memory_space<hbm>>
      %dma_start3A_625 = tpu.memref_squeeze %dma_start3A_624 : memref<1x8x1x8x128xf32, #tpu.memory_space<hbm>> -> memref<8x8x128xf32, #tpu.memory_space<hbm>>
      %dma_start3A_626 = arith.constant 0 : i32
      %dma_start3A_627 = arith.constant 0 : i32
      %dma_start3A_628 = arith.constant 0 : i32
      %dma_start3A_629 = tpu.memref_slice %arg4[%add3A_511, %dma_start3A_626, %add3A, %dma_start3A_627, %dma_start3A_628] : memref<200x8x32x8x128xf32, #tpu.memory_space<hbm>> -> memref<1x8x1x8x128xf32, #tpu.memory_space<hbm>>
      %dma_start3A_630 = tpu.memref_squeeze %dma_start3A_629 : memref<1x8x1x8x128xf32, #tpu.memory_space<hbm>> -> memref<8x8x128xf32, #tpu.memory_space<hbm>>
      %dma_start3A_631 = arith.constant 0 : i32
      %dma_start3A_632 = arith.constant 0 : i32
      %dma_start3A_633 = arith.constant 0 : i32
      %dma_start3A_634 = tpu.memref_slice %arg7[%dma_start3A_615, %dma_start3A_631, %dma_start3A_632, %dma_start3A_633] : memref<4x8x8x128xf32, #tpu.memory_space<vmem>> -> memref<1x8x8x128xf32, #tpu.memory_space<vmem>>
      %dma_start3A_635 = tpu.memref_squeeze %dma_start3A_634 : memref<1x8x8x128xf32, #tpu.memory_space<vmem>> -> memref<8x8x128xf32, #tpu.memory_space<vmem>>
      tpu.enqueue_dma source(%dma_start3A_635 : memref<8x8x128xf32, #tpu.memory_space<vmem>>) target(%dma_start3A_630 : memref<8x8x128xf32, #tpu.memory_space<hbm>>) target_semaphore(%arg15 : memref<!tpu.dma_semaphore, #tpu.memory_space<semaphore_mem>>)
    }
    %scan3A_42 = arith.constant 50 : i32
    %dma_wait3A = arith.constant 0 : i32
    %dma_wait3A_43 = arith.constant 196 : i32
    %dma_wait3A_44 = arith.constant 0 : i32
    %dma_wait3A_45 = arith.constant 0 : i32
    %dma_wait3A_46 = arith.constant 0 : i32
    %dma_wait3A_47 = tpu.memref_slice %arg7[%dma_wait3A, %dma_wait3A_44, %dma_wait3A_45, %dma_wait3A_46] : memref<4x8x8x128xf32, #tpu.memory_space<vmem>> -> memref<1x8x8x128xf32, #tpu.memory_space<vmem>>
    %dma_wait3A_48 = tpu.memref_squeeze %dma_wait3A_47 : memref<1x8x8x128xf32, #tpu.memory_space<vmem>> -> memref<8x8x128xf32, #tpu.memory_space<vmem>>
    %dma_wait3A_49 = arith.constant 0 : i32
    %dma_wait3A_50 = arith.constant 0 : i32
    %dma_wait3A_51 = arith.constant 0 : i32
    %dma_wait3A_52 = tpu.memref_slice %arg4[%dma_wait3A_43, %dma_wait3A_49, %add3A, %dma_wait3A_50, %dma_wait3A_51] : memref<200x8x32x8x128xf32, #tpu.memory_space<hbm>> -> memref<1x8x1x8x128xf32, #tpu.memory_space<hbm>>
    %dma_wait3A_53 = tpu.memref_squeeze %dma_wait3A_52 : memref<1x8x1x8x128xf32, #tpu.memory_space<hbm>> -> memref<8x8x128xf32, #tpu.memory_space<hbm>>
    %dma_wait3A_54 = arith.constant 0 : i32
    %dma_wait3A_55 = arith.constant 0 : i32
    %dma_wait3A_56 = arith.constant 0 : i32
    %dma_wait3A_57 = tpu.memref_slice %arg4[%dma_wait3A_43, %dma_wait3A_54, %add3A, %dma_wait3A_55, %dma_wait3A_56] : memref<200x8x32x8x128xf32, #tpu.memory_space<hbm>> -> memref<1x8x1x8x128xf32, #tpu.memory_space<hbm>>
    %dma_wait3A_58 = tpu.memref_squeeze %dma_wait3A_57 : memref<1x8x1x8x128xf32, #tpu.memory_space<hbm>> -> memref<8x8x128xf32, #tpu.memory_space<hbm>>
    %dma_wait3A_59 = arith.constant 0 : i32
    %dma_wait3A_60 = arith.constant 0 : i32
    %dma_wait3A_61 = arith.constant 0 : i32
    %dma_wait3A_62 = tpu.memref_slice %arg7[%dma_wait3A, %dma_wait3A_59, %dma_wait3A_60, %dma_wait3A_61] : memref<4x8x8x128xf32, #tpu.memory_space<vmem>> -> memref<1x8x8x128xf32, #tpu.memory_space<vmem>>
    %dma_wait3A_63 = tpu.memref_squeeze %dma_wait3A_62 : memref<1x8x8x128xf32, #tpu.memory_space<vmem>> -> memref<8x8x128xf32, #tpu.memory_space<vmem>>
    tpu.wait_dma2 semaphore(%arg12 : memref<!tpu.dma_semaphore, #tpu.memory_space<semaphore_mem>>) src(%dma_wait3A_63 : memref<8x8x128xf32, #tpu.memory_space<vmem>>) dst(%dma_wait3A_58 : memref<8x8x128xf32, #tpu.memory_space<hbm>>)
    %dma_wait3A_64 = arith.constant 1 : i32
    %dma_wait3A_65 = arith.constant 197 : i32
    %dma_wait3A_66 = arith.constant 0 : i32
    %dma_wait3A_67 = arith.constant 0 : i32
    %dma_wait3A_68 = arith.constant 0 : i32
    %dma_wait3A_69 = tpu.memref_slice %arg7[%dma_wait3A_64, %dma_wait3A_66, %dma_wait3A_67, %dma_wait3A_68] : memref<4x8x8x128xf32, #tpu.memory_space<vmem>> -> memref<1x8x8x128xf32, #tpu.memory_space<vmem>>
    %dma_wait3A_70 = tpu.memref_squeeze %dma_wait3A_69 : memref<1x8x8x128xf32, #tpu.memory_space<vmem>> -> memref<8x8x128xf32, #tpu.memory_space<vmem>>
    %dma_wait3A_71 = arith.constant 0 : i32
    %dma_wait3A_72 = arith.constant 0 : i32
    %dma_wait3A_73 = arith.constant 0 : i32
    %dma_wait3A_74 = tpu.memref_slice %arg4[%dma_wait3A_65, %dma_wait3A_71, %add3A, %dma_wait3A_72, %dma_wait3A_73] : memref<200x8x32x8x128xf32, #tpu.memory_space<hbm>> -> memref<1x8x1x8x128xf32, #tpu.memory_space<hbm>>
    %dma_wait3A_75 = tpu.memref_squeeze %dma_wait3A_74 : memref<1x8x1x8x128xf32, #tpu.memory_space<hbm>> -> memref<8x8x128xf32, #tpu.memory_space<hbm>>
    %dma_wait3A_76 = arith.constant 0 : i32
    %dma_wait3A_77 = arith.constant 0 : i32
    %dma_wait3A_78 = arith.constant 0 : i32
    %dma_wait3A_79 = tpu.memref_slice %arg4[%dma_wait3A_65, %dma_wait3A_76, %add3A, %dma_wait3A_77, %dma_wait3A_78] : memref<200x8x32x8x128xf32, #tpu.memory_space<hbm>> -> memref<1x8x1x8x128xf32, #tpu.memory_space<hbm>>
    %dma_wait3A_80 = tpu.memref_squeeze %dma_wait3A_79 : memref<1x8x1x8x128xf32, #tpu.memory_space<hbm>> -> memref<8x8x128xf32, #tpu.memory_space<hbm>>
    %dma_wait3A_81 = arith.constant 0 : i32
    %dma_wait3A_82 = arith.constant 0 : i32
    %dma_wait3A_83 = arith.constant 0 : i32
    %dma_wait3A_84 = tpu.memref_slice %arg7[%dma_wait3A_64, %dma_wait3A_81, %dma_wait3A_82, %dma_wait3A_83] : memref<4x8x8x128xf32, #tpu.memory_space<vmem>> -> memref<1x8x8x128xf32, #tpu.memory_space<vmem>>
    %dma_wait3A_85 = tpu.memref_squeeze %dma_wait3A_84 : memref<1x8x8x128xf32, #tpu.memory_space<vmem>> -> memref<8x8x128xf32, #tpu.memory_space<vmem>>
    tpu.wait_dma2 semaphore(%arg13 : memref<!tpu.dma_semaphore, #tpu.memory_space<semaphore_mem>>) src(%dma_wait3A_85 : memref<8x8x128xf32, #tpu.memory_space<vmem>>) dst(%dma_wait3A_80 : memref<8x8x128xf32, #tpu.memory_space<hbm>>)
    %dma_wait3A_86 = arith.constant 2 : i32
    %dma_wait3A_87 = arith.constant 198 : i32
    %dma_wait3A_88 = arith.constant 0 : i32
    %dma_wait3A_89 = arith.constant 0 : i32
    %dma_wait3A_90 = arith.constant 0 : i32
    %dma_wait3A_91 = tpu.memref_slice %arg7[%dma_wait3A_86, %dma_wait3A_88, %dma_wait3A_89, %dma_wait3A_90] : memref<4x8x8x128xf32, #tpu.memory_space<vmem>> -> memref<1x8x8x128xf32, #tpu.memory_space<vmem>>
    %dma_wait3A_92 = tpu.memref_squeeze %dma_wait3A_91 : memref<1x8x8x128xf32, #tpu.memory_space<vmem>> -> memref<8x8x128xf32, #tpu.memory_space<vmem>>
    %dma_wait3A_93 = arith.constant 0 : i32
    %dma_wait3A_94 = arith.constant 0 : i32
    %dma_wait3A_95 = arith.constant 0 : i32
    %dma_wait3A_96 = tpu.memref_slice %arg4[%dma_wait3A_87, %dma_wait3A_93, %add3A, %dma_wait3A_94, %dma_wait3A_95] : memref<200x8x32x8x128xf32, #tpu.memory_space<hbm>> -> memref<1x8x1x8x128xf32, #tpu.memory_space<hbm>>
    %dma_wait3A_97 = tpu.memref_squeeze %dma_wait3A_96 : memref<1x8x1x8x128xf32, #tpu.memory_space<hbm>> -> memref<8x8x128xf32, #tpu.memory_space<hbm>>
    %dma_wait3A_98 = arith.constant 0 : i32
    %dma_wait3A_99 = arith.constant 0 : i32
    %dma_wait3A_100 = arith.constant 0 : i32
    %dma_wait3A_101 = tpu.memref_slice %arg4[%dma_wait3A_87, %dma_wait3A_98, %add3A, %dma_wait3A_99, %dma_wait3A_100] : memref<200x8x32x8x128xf32, #tpu.memory_space<hbm>> -> memref<1x8x1x8x128xf32, #tpu.memory_space<hbm>>
    %dma_wait3A_102 = tpu.memref_squeeze %dma_wait3A_101 : memref<1x8x1x8x128xf32, #tpu.memory_space<hbm>> -> memref<8x8x128xf32, #tpu.memory_space<hbm>>
    %dma_wait3A_103 = arith.constant 0 : i32
    %dma_wait3A_104 = arith.constant 0 : i32
    %dma_wait3A_105 = arith.constant 0 : i32
    %dma_wait3A_106 = tpu.memref_slice %arg7[%dma_wait3A_86, %dma_wait3A_103, %dma_wait3A_104, %dma_wait3A_105] : memref<4x8x8x128xf32, #tpu.memory_space<vmem>> -> memref<1x8x8x128xf32, #tpu.memory_space<vmem>>
    %dma_wait3A_107 = tpu.memref_squeeze %dma_wait3A_106 : memref<1x8x8x128xf32, #tpu.memory_space<vmem>> -> memref<8x8x128xf32, #tpu.memory_space<vmem>>
    tpu.wait_dma2 semaphore(%arg14 : memref<!tpu.dma_semaphore, #tpu.memory_space<semaphore_mem>>) src(%dma_wait3A_107 : memref<8x8x128xf32, #tpu.memory_space<vmem>>) dst(%dma_wait3A_102 : memref<8x8x128xf32, #tpu.memory_space<hbm>>)
    %dma_wait3A_108 = arith.constant 3 : i32
    %dma_wait3A_109 = arith.constant 199 : i32
    %dma_wait3A_110 = arith.constant 0 : i32
    %dma_wait3A_111 = arith.constant 0 : i32
    %dma_wait3A_112 = arith.constant 0 : i32
    %dma_wait3A_113 = tpu.memref_slice %arg7[%dma_wait3A_108, %dma_wait3A_110, %dma_wait3A_111, %dma_wait3A_112] : memref<4x8x8x128xf32, #tpu.memory_space<vmem>> -> memref<1x8x8x128xf32, #tpu.memory_space<vmem>>
    %dma_wait3A_114 = tpu.memref_squeeze %dma_wait3A_113 : memref<1x8x8x128xf32, #tpu.memory_space<vmem>> -> memref<8x8x128xf32, #tpu.memory_space<vmem>>
    %dma_wait3A_115 = arith.constant 0 : i32
    %dma_wait3A_116 = arith.constant 0 : i32
    %dma_wait3A_117 = arith.constant 0 : i32
    %dma_wait3A_118 = tpu.memref_slice %arg4[%dma_wait3A_109, %dma_wait3A_115, %add3A, %dma_wait3A_116, %dma_wait3A_117] : memref<200x8x32x8x128xf32, #tpu.memory_space<hbm>> -> memref<1x8x1x8x128xf32, #tpu.memory_space<hbm>>
    %dma_wait3A_119 = tpu.memref_squeeze %dma_wait3A_118 : memref<1x8x1x8x128xf32, #tpu.memory_space<hbm>> -> memref<8x8x128xf32, #tpu.memory_space<hbm>>
    %dma_wait3A_120 = arith.constant 0 : i32
    %dma_wait3A_121 = arith.constant 0 : i32
    %dma_wait3A_122 = arith.constant 0 : i32
    %dma_wait3A_123 = tpu.memref_slice %arg4[%dma_wait3A_109, %dma_wait3A_120, %add3A, %dma_wait3A_121, %dma_wait3A_122] : memref<200x8x32x8x128xf32, #tpu.memory_space<hbm>> -> memref<1x8x1x8x128xf32, #tpu.memory_space<hbm>>
    %dma_wait3A_124 = tpu.memref_squeeze %dma_wait3A_123 : memref<1x8x1x8x128xf32, #tpu.memory_space<hbm>> -> memref<8x8x128xf32, #tpu.memory_space<hbm>>
    %dma_wait3A_125 = arith.constant 0 : i32
    %dma_wait3A_126 = arith.constant 0 : i32
    %dma_wait3A_127 = arith.constant 0 : i32
    %dma_wait3A_128 = tpu.memref_slice %arg7[%dma_wait3A_108, %dma_wait3A_125, %dma_wait3A_126, %dma_wait3A_127] : memref<4x8x8x128xf32, #tpu.memory_space<vmem>> -> memref<1x8x8x128xf32, #tpu.memory_space<vmem>>
    %dma_wait3A_129 = tpu.memref_squeeze %dma_wait3A_128 : memref<1x8x8x128xf32, #tpu.memory_space<vmem>> -> memref<8x8x128xf32, #tpu.memory_space<vmem>>
    tpu.wait_dma2 semaphore(%arg15 : memref<!tpu.dma_semaphore, #tpu.memory_space<semaphore_mem>>) src(%dma_wait3A_129 : memref<8x8x128xf32, #tpu.memory_space<vmem>>) dst(%dma_wait3A_124 : memref<8x8x128xf32, #tpu.memory_space<hbm>>)
    return
  }
}

</mosaic_0001>

<sc_bundles>
// kernel: _sc_embedding_lookup.3.cloned.1.call-start
scs
__scs_entry_jumppad:
0x0: {  	(pc) =	sbr.rel $0x88, $3  }
0x1: {  	(tag) =	ssettag $0x0;
	lr =	simm.s32 $0x1  }
0x2: {  	[smem:$0x3F9F] =	sst lr;
	_ =	strace $0xD0000000  }
0x3: {  	_ = 	snop  }
0x4: {  	_ = 	snop  }
0x5: {  	_ = 	snop  }
0x6: {  	_ = 	snop  }
0x7: {  	_ = 	snop  }
__scs_overlays_trampoline_lowered:
0x8: {  	[smem:$0x3FAE] =	sst s0  }
0x9: {  	[smem:$0x3FAF] =	sst s1  }
0xa: {  	[smem:$0x3FB0] =	sst s2  }
0xb: {  	[smem:$0x3FB1] =	sst s3  }
0xc: {  	[smem:$0x3FB2] =	sst s4  }
0xd: {  	[smem:$0x3FB3] =	sst s5  }
0xe: {  	[smem:$0x3FB4] =	sst s6  }
0xf: {  	[smem:$0x3FB5] =	sst s7  }
0x10: {  	[smem:$0x3FB6] =	sst s8  }
0x11: {  	[smem:$0x3FB7] =	sst s9;
	s0 =	simm.s32 @!p0 $0x0  }
0x12: {  	s1 =	sld [smem:$0x3F9D];
	s0 =	simm.s32 @p0 $0x1  }
0x13: {  	[smem:$0x3FB8] =	sst s0;
	s0 =	simm.s32 @!p1 $0x0  }
0x14: {  	s2 =	sld [smem:$0x3F9C];
	s0 =	simm.s32 @p1 $0x1  }
0x15: {  	[smem:$0x3FB9] =	sst s0;
	s0 =	simm.s32 @!p2 $0x0  }
0x16: {  	s3 =	sld [smem:$0x3FDB];
	s0 =	simm.s32 @p2 $0x1  }
0x17: {  	s4 =	simm.s32 $0x1BF5;
	[smem:$0x3FBB] =	sst s0  }
0x18: {  	s0 =	sld [smem:$0x3F9E];
	_ =	swait.ge [sflag:s4], $0x0  }
0x19: {  	s7 =	sld [smem:$0x3F9F]  }
0x1a: {  	s8 =	sadd.s32 $0xFFFFE003, lr  }
0x1b: {  	s9 =	sadd.s32 $0xFFFFFEF7, lr;
	s5 =	simm.s32 $0xFFFFFFFF;
	p2 =	slt.u32 s8, $0xFFFFF086  }
0x1c: {  	p1 =	slt.u32 s9, $0xF7A;
	s5 =	simm.s32 @!p2 $0x0  }
0x1d: {  	s5 =	simm.s32 @p1 $0x1;
	p0 =	seq.s32 s7, s2  }
0x1e: {  	s7 =	smul.u32 @!p0 $0xF7A, s2;
	p2 =	seq.s32 @!p0 s5, $0x0  }
0x1f: {  	s9 =	smul.u32 $0xF7A, s1;
	s8 =	simm.s32 @!p0 $0x1BF5;
	p2 =	por !p2, p0  }
0x20: {  	[sflag:s8] =	ssyncset.s32 @!p0 $0xFFFFF086;
	s6 =	sadd.s32 @!p0 s3, s7;
	s7 =	simm.s32 @!p0 $0x108  }
0x21: {  	s3 =	sadd.s32 s3, s9;
	s6 =	sadd.s32 @!p0 $0x88, s6;
	s7 =	simm.s32 @p2 $0x1082  }
0x22: {  	[simem:s7], [sflag:s8] =	dma.local @!p0 [hbm:s6], $0xF7A  }
0x23: {  	s9 =	sor.u32 $0xD0000000, s2;
	s6 =	simm.s32 $0x108;
	_ =	swait.ge @!p0 [sflag:s8], $0x0  }
0x24: {  	s3 =	sadd.s32 $0x88, s3;
	s6 =	simm.s32 @!p1 $0x1082;
	[sflag:s4] =	ssyncset.s32 $0xFFFFF086  }
0x25: {  	[simem:s6], [sflag:s4] =	dma.local [hbm:s3], $0xF7A  }
0x26: {  	[smem:$0x3F9F] =	sst s1;
	(tag) =	ssettag s2;
	_ =	strace s9  }
0x27: {  	s1 =	sld [smem:$0x3FAF]  }
0x28: {  	s2 =	sld [smem:$0x3FB0]  }
0x29: {  	s4 =	sld [smem:$0x3FB2]  }
0x2a: {  	p0 =	seq.s32 s5, $0x0;
	s5 =	sld [smem:$0x3FB3]  }
0x2b: {  	s6 =	sld [smem:$0x3FB4]  }
0x2c: {  	s7 =	sld [smem:$0x3FB5]  }
0x2d: {  	s3 =	simm.s32 $0x108;
	s8 =	sld [smem:$0x3FB6]  }
0x2e: {  	s3 =	simm.s32 @!p0 $0x1082;
	s9 =	sld [smem:$0x3FB7]  }
0x2f: {  	lr =	sadd.s32 s0, s3;
	s0 =	sld [smem:$0x3FAE]  }
0x30: {  	s3 =	sld [smem:$0x3FB1]  }
0x31: {  	[smem:$0x3FBA] =	sst s10  }
0x32: {  	s10 =	sld [smem:$0x3FB8];
	_ =	sdelay $0x3  }
0x33: {  	p0 =	seq.s32 s10, $0x1;
	s10 =	sld [smem:$0x3FBA];
	_ =	sdelay $0x3  }
0x34: {  	[smem:$0x3FBA] =	sst s10  }
0x35: {  	s10 =	sld [smem:$0x3FB9];
	_ =	sdelay $0x3  }
0x36: {  	p1 =	seq.s32 s10, $0x1;
	s10 =	sld [smem:$0x3FBA];
	_ =	sdelay $0x3  }
0x37: {  	[smem:$0x3FBA] =	sst s10  }
0x38: {  	s10 =	sld [smem:$0x3FBB]  }
0x39: {  	_ = 	snop;
	(pc) =	sbr.ind lr, $3  }
0x3a: {  	_ = 	snop  }
0x3b: {  	_ = 	snop  }
0x3c: {  	p2 =	seq.s32 s10, $0x1;
	s10 =	sld [smem:$0x3FBA]  }
0x3d: {  	_ =	shalt  }
0x3e: {  	_ =	shalt  }
0x3f: {  	_ =	shalt  }
0x40: {  	_ =	shalt  }
0x41: {  	_ =	shalt  }
0x42: {  	_ =	shalt  }
0x43: {  	_ =	shalt  }
0x44: {  	_ =	shalt  }
0x45: {  	_ =	shalt  }
0x46: {  	_ =	shalt  }
0x47: {  	_ =	shalt  }
0x48: {  	_ =	shalt  }
0x49: {  	_ =	shalt  }
0x4a: {  	_ =	shalt  }
0x4b: {  	_ =	shalt  }
0x4c: {  	_ =	shalt  }
0x4d: {  	_ =	shalt  }
0x4e: {  	_ =	shalt  }
0x4f: {  	_ =	shalt  }
0x50: {  	_ =	shalt  }
0x51: {  	_ =	shalt  }
0x52: {  	_ =	shalt  }
0x53: {  	_ =	shalt  }
0x54: {  	_ =	shalt  }
0x55: {  	_ =	shalt  }
0x56: {  	_ =	shalt  }
0x57: {  	_ =	shalt  }
0x58: {  	_ =	shalt  }
0x59: {  	_ =	shalt  }
0x5a: {  	_ =	shalt  }
0x5b: {  	_ =	shalt  }
0x5c: {  	_ =	shalt  }
0x5d: {  	_ =	shalt  }
0x5e: {  	_ =	shalt  }
0x5f: {  	_ =	shalt  }
0x60: {  	_ =	shalt  }
0x61: {  	_ =	shalt  }
0x62: {  	_ =	shalt  }
0x63: {  	_ =	shalt  }
0x64: {  	_ =	shalt  }
0x65: {  	_ =	shalt  }
0x66: {  	_ =	shalt  }
0x67: {  	_ =	shalt  }
0x68: {  	_ =	shalt  }
0x69: {  	_ =	shalt  }
0x6a: {  	_ =	shalt  }
0x6b: {  	_ =	shalt  }
0x6c: {  	_ =	shalt  }
0x6d: {  	_ =	shalt  }
0x6e: {  	_ =	shalt  }
0x6f: {  	_ =	shalt  }
0x70: {  	_ =	shalt  }
0x71: {  	_ =	shalt  }
0x72: {  	_ =	shalt  }
0x73: {  	_ =	shalt  }
0x74: {  	_ =	shalt  }
0x75: {  	_ =	shalt  }
0x76: {  	_ =	shalt  }
0x77: {  	_ =	shalt  }
0x78: {  	_ =	shalt  }
0x79: {  	_ =	shalt  }
0x7a: {  	_ =	shalt  }
0x7b: {  	_ =	shalt  }
0x7c: {  	_ =	shalt  }
0x7d: {  	_ =	shalt  }
0x7e: {  	_ =	shalt  }
0x7f: {  	_ =	shalt  }
0x80: {  	_ =	shalt  }
0x81: {  	_ =	shalt  }
0x82: {  	_ =	shalt  }
0x83: {  	_ =	shalt  }
0x84: {  	_ =	shalt  }
0x85: {  	_ =	shalt  }
0x86: {  	_ =	shalt  }
0x87: {  	_ =	shalt  }
.Lfunc_end0:
.L_simem_size_0:
called_computation_lowered:
.L_overlay_start_0:
0x88: {  	s2 =	sld [smem:$0x3FD9]  }
0x89: {  	s3 =	sld [smem:$0x3FFE];
	_ =	sdelay $0x1  }
0x8a: {  	s1 =	srdreg.scid  }
0x8b: {  	s0 =	sand.u32 $0x1, s1  }
0x8c: {  	s17 =	sshll.u32 s0, $0xA;
	s2 =	sadd.s32 s3, s2  }
0x8d: {  	s2 =	sadd.s32 s2, s17  }
0x8e: {  	[smem:$0x3FC6] =	sst s2  }
0x8f: {  	_ = 	snop  }
0x90: {  	s2 =	sld [smem:$0x3FD0];
	(tm) =	ssettm $0x1  }
0x91: {  	s18 =	sld [smem:$0x3FFB];
	_ =	sdelay $0x3  }
0x92: {  	_ =	strace s18  }
0x93: {  	s3 =	sld [smem:$0x3FFC];
	_ =	sdelay $0x3  }
0x94: {  	_ =	strace s3  }
0x95: {  	s3 =	sld [smem:$0x3FFD];
	_ =	sdelay $0x3  }
0x96: {  	_ =	strace s3  }
0x97: {  	_ =	strace $0x8FFFFFFF  }
0x98: {  	s19 =	sld [smem:$0x3FDB];
	_ =	sdelay $0x1  }
0x99: {  	s4 =	simm.s32 $_scs_section_size  }
0x9a: {  	s5 =	simm.s32 $_size__tile_overlayer_lowered;
	s6 =	simm.s32 $_tile_overlayer_lowered  }
0x9b: {  	s22 =	simm.s32 $0x1BFF;
	s21 =	sshll.u32 s6, $0x1;
	s3 =	sadd.s32 s4, s19  }
0x9c: {  	s7 =	simm.s32 $0x0;
	s20 =	sshll.u32 s5, $0x1;
	s5 =	sadd.s32 s21, s3  }
0x9d: {  	[timem:s7], [sflag:s22] =	dma.local [hbm:s5], s20  }
0x9e: {  	_ =	swait.ge [sflag:s22], s20  }
0x9f: {  	s4 =	ssub.s32 $0x0, s20;
	[sflag:s22] =	ssyncset.done $0x0  }
0xa0: {  	[sflag:s22] =	ssyncadd.s32 s4;
	_ =	sdelay $0x1  }
0xa1: {  	s23 =	simm.s32 $0x1B8B  }
0xa2: {  	_ =	swait.ge [sflag:s23], $0x1  }
0xa3: {  	[sflag:s23] =	ssyncset.done $0x0  }
0xa4: {  	s25 =	simm.s32 $0x1B8E;
	s24 =	sld [smem:$0x3FFE];
	[sflag:s23] =	ssyncadd.s32 $0xFFFFFFFF  }
0xa5: {  	s26 =	simm.s32 $execute0_lowered;
	[smem:$0x3FD2] =	sst s25  }
0xa6: {  	s5 =	sshll.u32 s26, $0x1;
	_ =	strace $0x80000046;
	[dreg:$0x1] =	wrdreg $0xFFFFFFFF  }
0xa7: {  	s28 =	simm.s32 $_size_execute0_lowered;
	s3 =	sadd.s32 s3, s5;
	[dreg:$0x0] =	wrdreg $0x0  }
0xa8: {  	s5 =	sshll.u32 s28, $0x1;
	[dreg:$0x2] =	wrdreg s3  }
0xa9: {  	[dreg:$0x3] =	wrdreg s5  }
0xaa: {  	[dreg:$0x4] =	wrdreg $0xC0  }
0xab: {  	_ =	task [dreg:s7], $0x5FFFF  }
0xac: {  	[dreg:$0x1] =	wrdreg $0xFFFFFFFF  }
0xad: {  	[dreg:$0x0] =	wrdreg $0x60  }
0xae: {  	[dreg:$0x2] =	wrdreg s24  }
0xaf: {  	[dreg:$0x3] =	wrdreg s2  }
0xb0: {  	[dreg:$0x4] =	wrdreg $0x9  }
0xb1: {  	_ =	task.clear_ibuf [dreg:s7], $0x5FFFF;
	_ =	strace $0x90000046  }
0xb2: {  	s29 =	simm.s32 $0x9;
	_ =	strace $0x80000048  }
0xb3: {  	_ =	swait.ge [sflag:s29], $0x1  }
0xb4: {  	[sflag:s29] =	ssyncadd.s32 $0xFFFFFFFF  }
0xb5: {  	_ =	strace $0x90000048  }
0xb6: {  	_ =	sfence  }
0xb7: {  	s30 =	sld [smem:$0x0];
	_ =	sdelay $0x2  }
0xb8: {  	s31 =	sshll.u32 s1, $0xD;
	s1 =	sshrl.u32 s1, $0x2  }
0xb9: {  	s3 =	sand.u32 $0x4000, s31;
	s1 =	sadd.s32 s1, s30  }
0xba: {  	s0 =	sor.u32 s3, s0;
	s1 =	sshll.u32 s1, $0x11  }
0xbb: {  	s0 =	sor.u32 s1, s0  }
0xbc: {  	s0 =	sadd.s32 $0x8F2B, s0  }
0xbd: {  	[sflag:s0] =	ssyncadd.remote.s32 $0x1  }
0xbe: {  	_ =	sfence.sel $0xFFFF  }
0xbf: {  	[dreg:$0x0] =	wrdreg $0xFFFFFFFF;
	(pc) =	sbr.abs _section_cstart, $3  }
0xc0: {  	[dreg:$0x1] =	wrdreg $0xFFFFFFFF  }
0xc1: {  	_ =	task.clear_ibuf [dreg:s7], $0x2FFFF;
	_ =	strace $0x9FFFFFFF  }
0xc2: {  	(tm) =	ssettm $0x7FFFFFFF  }
0xc3: {  	_ =	shalt  }
tec
execute0_lowered:
.L_overlay_start_1:
0x0: {  	(tag) =	ssettag $0x1  }
0x1: {  	s0 =	rddreg [dreg:$0x0]  }
0x2: {  	s2 =	rddreg [dreg:$0x1]  }
0x3: {  	s1 =	srdreg.scid;
	s3 =	stileid.u32  }
0x4: {  	s4 =	simm.s32 $0x0;
	s8 =	simm.s32 $0x80;
	s11 =	simm.s32 $0x6400  }
0x5: {  	s12 =	simm.s32 $0x8400;
	s14 =	simm.s32 $0xA400;
	s15 =	simm.s32 $0x1  }
0x6: {  	s16 =	simm.s32 $0xC400;
	s17 =	simm.s32 $0xE400;
	s18 =	simm.s32 $0x400  }
0x7: {  	s19 =	simm.s32 $0x8000;
	s20 =	simm.s32 $0x2;
	s21 =	simm.s32 $0x10400  }
0x8: {  	s22 =	simm.s32 $0x3;
	s23 =	simm.s32 $0x12400;
	s24 =	simm.s32 $0x4  }
0x9: {  	s28 =	simm.s32 $0x6;
	s1 =	sand.u32 $0x1, s1;
	s3 =	sshll.u32 s3, $0x1  }
0xa: {  	v0 =	vlaneseq.u32;
	s29 =	simm.s32 $0x7;
	s30 =	simm.s32 $0x8;
	s3 =	sor.u32 s1, s3  }
0xb: {  	[smem:$0x7FF] =	sst s4;
	v1 =	vmul.u32 $0x40, v0;
	v9 =	vor.u32 $0x10, v0;
	v10 =	vor.u32 $0x20, v0;
	s1 =	ssub.s32 $0x2, s1;
	s25 =	sshll.u32 s3, $0x4  }
0xc: {  	s4 =	sadd.s32 $0xF42A00, s0;
	v11 =	vor.u32 $0x30, v0;
	v12 =	vor.u32 $0x40, v0;
	v13 =	vor.u32 $0x50, v0;
	s26 =	sshrl.u32 s1, $0x1;
	s5 =	sadd.s32 s25, s0  }
0xd: {  	v14 =	vor.u32 $0x60, v0;
	v15 =	vor.u32 $0x70, v0;
	_ =	strace $0x80000047;
	v2 =	vor.u32 $0x400, v1;
	s0 =	ssub.s32 s1, s26;
	s31 =	sadd.s32 $0x600, s5  }
0xe: {  	s6 =	sshll.u32 s3, $0xA;
	v3 =	vor.u32 $0x800, v1;
	v4 =	vor.u32 $0xC00, v1;
	v5 =	vor.u32 $0x1000, v1;
	s0 =	smax.u32 s0, $0x1;
	[dreg:$0x3] =	wrdreg s31  }
0xf: {  	v6 =	vor.u32 $0x1400, v1;
	v7 =	vor.u32 $0x1800, v1;
	v8 =	vor.u32 $0x1C00, v1;
	s25 =	simm.s32 $0x14400;
	s1 =	simm.s32 $0x0;
	[dreg:$0x4] =	wrdreg s0  }
.LBB2_1:
0x10: {  	[dreg:$0x5] =	wrdreg s1;
	s0 =	simm.s32 $0x0  }
0x11: {  	s13 =	rddreg [dreg:$0x3];
	s3 =	simm.s32 $0x1000;
	s26 =	simm.s32 $0x9  }
0x12: {  	[tilespmem:s0], [sflag:$0x9] =	stream.strided.gather [hbm4b:s13+s8], $0x6400, s3, s8, $0x38;
	[tilespmem:$0x16400] =	vst v63  }
0x13: {  	_ =	swait.ge [sflag:s26], $0x6400  }
0x14: {  	[sflag:s26] =	ssyncset.done $0x0  }
0x15: {  	[sflag:s26] =	ssyncadd.s32 $0xFFFF9C00  }
0x16: {  	[tilespmem:s11], [sflag:$0x1] =	stream.indirect.gather [hbm4b:s4+s8], $0x40, s0, s8, $0xb8;
	[tilespmem:$0x16400] =	vst v63  }
0x17: {  	_ = 	snop  }
0x18: {  	[tilespmem:s12], [sflag:$0x2] =	stream.indirect.gather [hbm4b:s4+s8], $0x40, s8, s8, $0xb8;
	[tilespmem:$0x16400] =	vst v63  }
0x19: {  	s31 =	simm.s32 $0x100;
	s0 =	simm.s32 $0x0  }
0x1a: {  	[tilespmem:s14], [sflag:$0x3] =	stream.indirect.gather [hbm4b:s4+s8], $0x40, s31, s8, $0xb8;
	[tilespmem:$0x16400] =	vst v63  }
.LBB2_2:
0x1b: {  	_ =	swait.ge [sflag:s15], $0x2000;
	s1 =	sshllo.u32 s0, $0x2  }
0x1c: {  	p0 =	seq.s32 s0, $0x0;
	[sflag:s15] =	ssyncset.done $0x0;
	s3 =	sshll.u32 s1, $0x7  }
0x1d: {  	[sflag:s15] =	ssyncadd.s32 $0xFFFFE000;
	s9 =	sand.u32 $0x3FFFFF80, s3;
	s3 =	simm.s32 @!p0 $0x5  }
0x1e: {  	[tilespmem:s16], [sflag:$0x4] =	stream.indirect.gather [hbm4b:s4+s8], $0x40, s9, s8, $0xb8;
	[tilespmem:$0x16400] =	vst v63  }
0x1f: {  	_ =	swait.ge @!p0 [sflag:s3], $0x2000  }
0x20: {  	s5 =	sshll.u32 s0, $0x9;
	[sflag:s3] =	ssyncset.done @!p0 $0x0  }
0x21: {  	s13 =	sand.u32 $0x3FFFFE00, s5;
	[sflag:s3] =	ssyncadd.s32 @!p0 $0xFFFFE000  }
0x22: {  	s26 =	simm.s32 $0x0;
	v16 =	vld [tilespmem:s13+$0x0]  }
0x23: {  	v18 =	vadd.s32 s26, v0;
	v17 =	vld [tilespmem:s13+$0x10]  }
0x24: {  	v20 =	vand.u32 $0x3F, v18;
	v19 =	vld [tilespmem:s13+$0x20]  }
0x25: {  	v22 =	vor.u32 v1, v20;
	v21 =	vld [tilespmem:s13+$0x30]  }
0x26: {  	v24 =	vor.u32 v3, v20;
	v23 =	vld [tilespmem:s13+$0x40]  }
0x27: {  	v26 =	vor.u32 v2, v20;
	v25 =	vld [tilespmem:s13+$0x50]  }
0x28: {  	v28 =	vor.u32 v4, v20;
	v27 =	vld [tilespmem:s13+$0x60]  }
0x29: {  	v31 =	vor.u32 v5, v20;
	v29 =	vld [tilespmem:s13+$0x70]  }
0x2a: {  	v18 =	vshll.u32 v18, $0x7;
	v32 =	vor.u32 v6, v20;
	v22 =	vld.idx.msk [tilespmem:v22+s11+$0x0], $0xffff  }
0x2b: {  	v30 =	vor.u32 v7, v20;
	v20 =	vor.u32 v8, v20;
	v18 =	vand.u32 $0x1F80, v18;
	v24 =	vld.idx.msk [tilespmem:v24+s11+$0x0], $0xffff  }
0x2c: {  	v33 =	vor.u32 v0, v18;
	v26 =	vld.idx.msk [tilespmem:v26+s11+$0x0], $0xffff  }
0x2d: {  	v34 =	vor.u32 v9, v18;
	v28 =	vld.idx.msk [tilespmem:v28+s11+$0x0], $0xffff  }
0x2e: {  	v31 =	vld.idx.msk [tilespmem:v31+s11+$0x0], $0xffff;
	vm0 =	veq.s32 v23, $0x0;
	v23 =	vor.u32 v10, v18  }
0x2f: {  	vm1 =	veq.s32 v21, $0x0;
	vm3 =	veq.s32 v16, $0x0;
	v16 =	vor.u32 v11, v18;
	v21 =	vld.idx.msk [tilespmem:v32+s11+$0x0], $0xffff  }
0x30: {  	vm2 =	veq.s32 v17, $0x0;
	v17 =	vld.idx.msk [tilespmem:v20+s11+$0x0], $0xffff;
	v20 =	vsel vm3, $0x0, v22;
	v22 =	vor.u32 v12, v18  }
0x31: {  	s31 =	simm.s32 $0x1;
	v30 =	vld.idx.msk [tilespmem:v30+s11+$0x0], $0xffff;
	vm4 =	veq.s32 v19, $0x0;
	v19 =	vsel vm2, $0x0, v26;
	[tilespmem:v33+s17+$0x0] =	vst.idx.msk $0xffff, v20;
	v20 =	vor.u32 v13, v18  }
0x32: {  	v26 =	vadd.s32 s31, v0;
	[tilespmem:v34+s17+$0x0] =	vst.idx.msk $0xffff, v19;
	v19 =	vsel vm4, $0x0, v24;
	v24 =	vor.u32 v14, v18  }
0x33: {  	v18 =	vor.u32 v15, v18;
	[tilespmem:v23+s17+$0x0] =	vst.idx.msk $0xffff, v19;
	v19 =	vsel vm1, $0x0, v28;
	v23 =	vand.u32 $0x3F, v26  }
0x34: {  	vm5 =	veq.s32 v25, $0x0;
	[tilespmem:v16+s17+$0x0] =	vst.idx.msk $0xffff, v19;
	v16 =	vsel vm0, $0x0, v31;
	v19 =	vor.u32 v3, v23  }
0x35: {  	vm6 =	veq.s32 v27, $0x0;
	v25 =	vor.u32 v1, v23;
	[tilespmem:v22+s17+$0x0] =	vst.idx.msk $0xffff, v16;
	v16 =	vsel vm5, $0x0, v21  }
0x36: {  	vm7 =	veq.s32 v29, $0x0;
	[tilespmem:v20+s17+$0x0] =	vst.idx.msk $0xffff, v16;
	v16 =	vsel vm6, $0x0, v30;
	v20 =	vor.u32 v2, v23  }
0x37: {  	v30 =	vor.u32 v8, v23;
	[tilespmem:v24+s17+$0x0] =	vst.idx.msk $0xffff, v16;
	v16 =	vsel vm7, $0x0, v17  }
0x38: {  	v17 =	vor.u32 v4, v23;
	[tilespmem:v18+s17+$0x0] =	vst.idx.msk $0xffff, v16  }
0x39: {  	v18 =	vor.u32 v5, v23;
	v22 =	vld.idx.msk [tilespmem:v19+s11+$0x0], $0xffff  }
0x3a: {  	v24 =	vor.u32 v6, v23;
	v16 =	vshll.u32 v26, $0x7;
	v27 =	vld.idx.msk [tilespmem:v25+s11+$0x0], $0xffff  }
0x3b: {  	v25 =	vor.u32 v7, v23;
	v28 =	vand.u32 $0x1F80, v16;
	v35 =	vld.idx.msk [tilespmem:v20+s11+$0x0], $0xffff  }
0x3c: {  	v16 =	vor.u32 v14, v28;
	v36 =	vor.u32 v0, v28;
	v31 =	vor.u32 v9, v28;
	v30 =	vld.idx.msk [tilespmem:v30+s11+$0x0], $0xffff  }
0x3d: {  	s5 =	simm.s32 $0x2;
	v23 =	vor.u32 v12, v28;
	v33 =	vor.u32 v10, v28;
	v32 =	vor.u32 v11, v28;
	v19 =	vld.idx.msk [tilespmem:v17+s11+$0x0], $0xffff  }
0x3e: {  	v20 =	vor.u32 v13, v28;
	v17 =	vor.u32 v15, v28;
	v21 =	vld.idx.msk [tilespmem:v18+s11+$0x0], $0xffff;
	v18 =	vadd.s32 s5, v0  }
0x3f: {  	v26 =	vld.idx.msk [tilespmem:v24+s11+$0x0], $0xffff;
	v28 =	vand.u32 $0x3F, v18;
	v24 =	vshll.u32 v18, $0x7;
	v34 =	vsel vm4, $0x0, v22  }
0x40: {  	v29 =	vld.idx.msk [tilespmem:v25+s11+$0x0], $0xffff;
	v37 =	vsel vm3, $0x0, v27;
	v25 =	vor.u32 v1, v28;
	v18 =	vor.u32 v2, v28  }
0x41: {  	s7 =	simm.s32 $0x4;
	s3 =	sshll.u32 s0, $0x2;
	v27 =	vor.u32 v3, v28;
	v22 =	vor.u32 v4, v28;
	[tilespmem:v36+s17+$0x0] =	vst.idx.msk $0xffff, v37;
	v35 =	vsel vm2, $0x0, v35  }
.LBB2_3:
0x42: {  	p0 =	sne.s32 s7, $0x3E;
	v36 =	vor.u32 v5, v28;
	v37 =	vor.u32 v6, v28;
	[tilespmem:v31+s17+$0x0] =	vst.idx.msk $0xffff, v35;
	s10 =	smov.u32 s7;
	s7 =	sadd.s32 $0x2, s7  }
0x43: {  	v31 =	vor.u32 v7, v28;
	v28 =	vor.u32 v8, v28;
	v19 =	vsel vm1, $0x0, v19;
	[tilespmem:v33+s17+$0x0] =	vst.idx.msk $0xffff, v34  }
0x44: {  	[tilespmem:v32+s17+$0x0] =	vst.idx.msk $0xffff, v19;
	v19 =	vsel vm0, $0x0, v21  }
0x45: {  	[tilespmem:v23+s17+$0x0] =	vst.idx.msk $0xffff, v19;
	v19 =	vsel vm5, $0x0, v26  }
0x46: {  	v21 =	vand.u32 $0x1F80, v24;
	[tilespmem:v20+s17+$0x0] =	vst.idx.msk $0xffff, v19;
	v19 =	vsel vm6, $0x0, v29  }
0x47: {  	v20 =	vor.u32 v0, v21;
	[tilespmem:v16+s17+$0x0] =	vst.idx.msk $0xffff, v19;
	v16 =	vsel vm7, $0x0, v30  }
0x48: {  	[tilespmem:v17+s17+$0x0] =	vst.idx.msk $0xffff, v16  }
0x49: {  	v16 =	vld.idx.msk [tilespmem:v25+s11+$0x0], $0xffff  }
0x4a: {  	v19 =	vor.u32 v9, v21;
	v17 =	vld.idx.msk [tilespmem:v27+s11+$0x0], $0xffff  }
0x4b: {  	v23 =	vor.u32 v10, v21;
	v18 =	vld.idx.msk [tilespmem:v18+s11+$0x0], $0xffff  }
0x4c: {  	v24 =	vor.u32 v11, v21;
	v22 =	vld.idx.msk [tilespmem:v22+s11+$0x0], $0xffff  }
0x4d: {  	v25 =	vld.idx.msk [tilespmem:v31+s11+$0x0], $0xffff  }
0x4e: {  	v26 =	vld.idx.msk [tilespmem:v36+s11+$0x0], $0xffff  }
0x4f: {  	v27 =	vld.idx.msk [tilespmem:v37+s11+$0x0], $0xffff  }
0x50: {  	v29 =	vor.u32 v12, v21;
	v16 =	vsel vm3, $0x0, v16;
	v28 =	vld.idx.msk [tilespmem:v28+s11+$0x0], $0xffff  }
0x51: {  	s26 =	sadd.s32 $0x1, s5;
	s5 =	smov.u32 s10;
	[tilespmem:v20+s17+$0x0] =	vst.idx.msk $0xffff, v16;
	v16 =	vsel vm2, $0x0, v18;
	v18 =	vor.u32 v13, v21  }
0x52: {  	[tilespmem:v19+s17+$0x0] =	vst.idx.msk $0xffff, v16;
	v16 =	vsel vm4, $0x0, v17;
	v17 =	vor.u32 v14, v21;
	v19 =	vadd.s32 s26, v0  }
0x53: {  	v20 =	vor.u32 v15, v21;
	[tilespmem:v23+s17+$0x0] =	vst.idx.msk $0xffff, v16;
	v16 =	vsel vm1, $0x0, v22;
	v21 =	vand.u32 $0x3F, v19  }
0x54: {  	[tilespmem:v24+s17+$0x0] =	vst.idx.msk $0xffff, v16;
	v16 =	vsel vm0, $0x0, v26;
	v22 =	vor.u32 v1, v21;
	v23 =	vor.u32 v3, v21  }
0x55: {  	v19 =	vshll.u32 v19, $0x7;
	[tilespmem:v29+s17+$0x0] =	vst.idx.msk $0xffff, v16;
	v16 =	vsel vm5, $0x0, v27  }
0x56: {  	v24 =	vand.u32 $0x1F80, v19;
	[tilespmem:v18+s17+$0x0] =	vst.idx.msk $0xffff, v16;
	v16 =	vsel vm6, $0x0, v25;
	v18 =	vor.u32 v2, v21  }
0x57: {  	v19 =	vor.u32 v4, v21;
	[tilespmem:v17+s17+$0x0] =	vst.idx.msk $0xffff, v16;
	v17 =	vsel vm7, $0x0, v28;
	v16 =	vor.u32 v14, v24  }
0x58: {  	[tilespmem:v20+s17+$0x0] =	vst.idx.msk $0xffff, v17;
	v20 =	vor.u32 v5, v21  }
0x59: {  	v26 =	vor.u32 v6, v21;
	v25 =	vld.idx.msk [tilespmem:v23+s11+$0x0], $0xffff  }
0x5a: {  	v27 =	vor.u32 v7, v21;
	v22 =	vld.idx.msk [tilespmem:v22+s11+$0x0], $0xffff  }
0x5b: {  	v30 =	vor.u32 v8, v21;
	v35 =	vld.idx.msk [tilespmem:v18+s11+$0x0], $0xffff  }
0x5c: {  	v36 =	vor.u32 v0, v24;
	v17 =	vor.u32 v15, v24;
	v19 =	vld.idx.msk [tilespmem:v19+s11+$0x0], $0xffff  }
.Ltmp0:
0x5d: {  	v31 =	vor.u32 v9, v24;
	v23 =	vor.u32 v12, v24;
	v21 =	vld.idx.msk [tilespmem:v20+s11+$0x0], $0xffff;
	v20 =	vor.u32 v13, v24;
	(pc) =	sbr.rel @p0 .LBB2_3-.Ltmp0, $4  }
0x5e: {  	v33 =	vor.u32 v10, v24;
	v32 =	vor.u32 v11, v24;
	v18 =	vadd.s32 s5, v0;
	v26 =	vld.idx.msk [tilespmem:v26+s11+$0x0], $0xffff  }
0x5f: {  	v28 =	vand.u32 $0x3F, v18;
	v24 =	vshll.u32 v18, $0x7;
	v34 =	vsel vm4, $0x0, v25;
	v29 =	vld.idx.msk [tilespmem:v27+s11+$0x0], $0xffff  }
0x60: {  	v18 =	vor.u32 v2, v28;
	v25 =	vor.u32 v1, v28;
	v37 =	vsel vm3, $0x0, v22;
	v30 =	vld.idx.msk [tilespmem:v30+s11+$0x0], $0xffff  }
0x61: {  	v27 =	vor.u32 v3, v28;
	v22 =	vor.u32 v4, v28;
	v35 =	vsel vm2, $0x0, v35;
	[tilespmem:v36+s17+$0x0] =	vst.idx.msk $0xffff, v37  }
0x62: {  	_ =	sdelay $0x3  }
0x63: {  	[tilespmem:v31+s17+$0x0] =	vst.idx.msk $0xffff, v35  }
0x64: {  	v19 =	vsel vm1, $0x0, v19;
	[tilespmem:v33+s17+$0x0] =	vst.idx.msk $0xffff, v34  }
0x65: {  	[tilespmem:v32+s17+$0x0] =	vst.idx.msk $0xffff, v19;
	v19 =	vsel vm0, $0x0, v21  }
0x66: {  	[tilespmem:v23+s17+$0x0] =	vst.idx.msk $0xffff, v19;
	v19 =	vsel vm5, $0x0, v26  }
0x67: {  	[tilespmem:v20+s17+$0x0] =	vst.idx.msk $0xffff, v19;
	v19 =	vsel vm6, $0x0, v29  }
0x68: {  	[tilespmem:v16+s17+$0x0] =	vst.idx.msk $0xffff, v19;
	v16 =	vsel vm7, $0x0, v30  }
0x69: {  	v23 =	vor.u32 v8, v28;
	[tilespmem:v17+s17+$0x0] =	vst.idx.msk $0xffff, v16  }
0x6a: {  	v16 =	vor.u32 v5, v28;
	v17 =	vld.idx.msk [tilespmem:v25+s11+$0x0], $0xffff  }
0x6b: {  	v24 =	vand.u32 $0x1F80, v24;
	v20 =	vor.u32 v6, v28;
	v21 =	vld.idx.msk [tilespmem:v27+s11+$0x0], $0xffff  }
0x6c: {  	v19 =	vor.u32 v7, v28;
	v18 =	vld.idx.msk [tilespmem:v18+s11+$0x0], $0xffff;
	v25 =	vor.u32 v0, v24  }
0x6d: {  	v26 =	vor.u32 v9, v24;
	v22 =	vld.idx.msk [tilespmem:v22+s11+$0x0], $0xffff  }
0x6e: {  	v27 =	vor.u32 v10, v24;
	v23 =	vld.idx.msk [tilespmem:v23+s11+$0x0], $0xffff  }
0x6f: {  	v28 =	vor.u32 v11, v24;
	v16 =	vld.idx.msk [tilespmem:v16+s11+$0x0], $0xffff  }
0x70: {  	v29 =	vor.u32 v12, v24;
	v20 =	vld.idx.msk [tilespmem:v20+s11+$0x0], $0xffff;
	v17 =	vsel vm3, $0x0, v17  }
0x71: {  	s5 =	sadd.s32 $0x1, s5;
	v19 =	vld.idx.msk [tilespmem:v19+s11+$0x0], $0xffff;
	[tilespmem:v25+s17+$0x0] =	vst.idx.msk $0xffff, v17;
	v17 =	vsel vm2, $0x0, v18;
	v18 =	vor.u32 v13, v24  }
0x72: {  	v25 =	vadd.s32 s5, v0;
	[tilespmem:v26+s17+$0x0] =	vst.idx.msk $0xffff, v17;
	v17 =	vsel vm4, $0x0, v21;
	v21 =	vor.u32 v14, v24  }
0x73: {  	[tilespmem:v27+s17+$0x0] =	vst.idx.msk $0xffff, v17;
	v17 =	vsel vm1, $0x0, v22;
	v22 =	vor.u32 v15, v24;
	v24 =	vand.u32 $0x3F, v25  }
0x74: {  	[tilespmem:v28+s17+$0x0] =	vst.idx.msk $0xffff, v17;
	v16 =	vsel vm0, $0x0, v16;
	v17 =	vor.u32 v3, v24  }
0x75: {  	v26 =	vor.u32 v1, v24;
	[tilespmem:v29+s17+$0x0] =	vst.idx.msk $0xffff, v16;
	v16 =	vsel vm5, $0x0, v20  }
0x76: {  	[tilespmem:v18+s17+$0x0] =	vst.idx.msk $0xffff, v16;
	v16 =	vsel vm6, $0x0, v19;
	v18 =	vor.u32 v2, v24  }
0x77: {  	v20 =	vor.u32 v6, v24;
	[tilespmem:v21+s17+$0x0] =	vst.idx.msk $0xffff, v16;
	v16 =	vsel vm7, $0x0, v23  }
0x78: {  	v19 =	vor.u32 v4, v24;
	[tilespmem:v22+s17+$0x0] =	vst.idx.msk $0xffff, v16  }
0x79: {  	v21 =	vshll.u32 v25, $0x7;
	v16 =	vor.u32 v5, v24;
	v17 =	vld.idx.msk [tilespmem:v17+s11+$0x0], $0xffff  }
0x7a: {  	v23 =	vor.u32 v7, v24;
	v21 =	vand.u32 $0x1F80, v21;
	v22 =	vld.idx.msk [tilespmem:v26+s11+$0x0], $0xffff  }
0x7b: {  	v24 =	vor.u32 v8, v24;
	v25 =	vor.u32 v0, v21;
	v18 =	vld.idx.msk [tilespmem:v18+s11+$0x0], $0xffff  }
0x7c: {  	v26 =	vor.u32 v9, v21;
	v20 =	vld.idx.msk [tilespmem:v20+s11+$0x0], $0xffff  }
0x7d: {  	v27 =	vor.u32 v10, v21;
	v19 =	vld.idx.msk [tilespmem:v19+s11+$0x0], $0xffff  }
0x7e: {  	v28 =	vor.u32 v11, v21;
	v16 =	vld.idx.msk [tilespmem:v16+s11+$0x0], $0xffff  }
0x7f: {  	v29 =	vor.u32 v12, v21;
	v23 =	vld.idx.msk [tilespmem:v23+s11+$0x0], $0xffff;
	v22 =	vsel vm3, $0x0, v22  }
0x80: {  	v30 =	vor.u32 v13, v21;
	v24 =	vld.idx.msk [tilespmem:v24+s11+$0x0], $0xffff;
	[tilespmem:v25+s17+$0x0] =	vst.idx.msk $0xffff, v22;
	v18 =	vsel vm2, $0x0, v18  }
0x81: {  	v17 =	vsel vm4, $0x0, v17;
	v22 =	vor.u32 v14, v21;
	[tilespmem:v26+s17+$0x0] =	vst.idx.msk $0xffff, v18  }
0x82: {  	v18 =	vor.u32 v15, v21;
	[tilespmem:v27+s17+$0x0] =	vst.idx.msk $0xffff, v17;
	v17 =	vsel vm1, $0x0, v19  }
0x83: {  	v16 =	vsel vm0, $0x0, v16;
	[tilespmem:v28+s17+$0x0] =	vst.idx.msk $0xffff, v17  }
0x84: {  	s7 =	sshll.u32 s0, $0x14;
	[tilespmem:v29+s17+$0x0] =	vst.idx.msk $0xffff, v16;
	v16 =	vsel vm5, $0x0, v20  }
0x85: {  	s5 =	sor.u32 s6, s7;
	[tilespmem:v30+s17+$0x0] =	vst.idx.msk $0xffff, v16;
	v16 =	vsel vm6, $0x0, v23  }
0x86: {  	s5 =	sshrl.u32 s5, $0x3;
	[tilespmem:v22+s17+$0x0] =	vst.idx.msk $0xffff, v16;
	v16 =	vsel vm7, $0x0, v24  }
0x87: {  	p0 =	seq.s32 s0, $0x31;
	s5 =	sadd.s32 s2, s5;
	[tilespmem:v18+s17+$0x0] =	vst.idx.msk $0xffff, v16  }
0x88: {  	[hbm4b:s5+s18] =	stream.strided.scatter [tilespmem:s17], [sflag:$0x5], $0x2000, s19, s18, $0x38;
	[tilespmem:$0x16400] =	vst v63  }
0x89: {  	p1 =	seq.s32 @!p0 s0, $0x0;
	_ =	swait.ge [sflag:s20], $0x2000  }
0x8a: {  	s10 =	simm.s32 @!p0 $0x6400;
	p1 =	por p0, !p1;
	[sflag:s20] =	ssyncset.done $0x0  }
0x8b: {  	s7 =	simm.s32 @!p0 $0x80;
	s5 =	sadd.s32 @!p0 $0x200, s13;
	[sflag:s20] =	ssyncadd.s32 $0xFFFFE000  }
0x8c: {  	[tilespmem:s10], [sflag:$0x1] =	stream.indirect.gather @!p0 [hbm4b:s4+s7], $0x40, s5, s7, $0xb8;
	[tilespmem:$0x16400] =	vst v63  }
0x8d: {  	s5 =	sor.u32 $0x1, s3;
	_ =	swait.ge @p1 [sflag:s28], $0x2000  }
0x8e: {  	s10 =	sshll.u32 s5, $0x7;
	[sflag:s28] =	ssyncset.done @p1 $0x0  }
0x8f: {  	s7 =	sand.u32 $0x3FFFFF80, s10;
	[sflag:s28] =	ssyncadd.s32 @p1 $0xFFFFE000  }
0x90: {  	s26 =	simm.s32 $0x0;
	v16 =	vld [tilespmem:s7+$0x0]  }
0x91: {  	v18 =	vadd.s32 s26, v0;
	v17 =	vld [tilespmem:s7+$0x10]  }
0x92: {  	v20 =	vand.u32 $0x3F, v18;
	v19 =	vld [tilespmem:s7+$0x20]  }
0x93: {  	v22 =	vor.u32 v1, v20;
	v21 =	vld [tilespmem:s7+$0x30]  }
0x94: {  	v24 =	vor.u32 v3, v20;
	v23 =	vld [tilespmem:s7+$0x40]  }
0x95: {  	v26 =	vor.u32 v2, v20;
	v25 =	vld [tilespmem:s7+$0x50]  }
0x96: {  	v28 =	vor.u32 v4, v20;
	v27 =	vld [tilespmem:s7+$0x60]  }
0x97: {  	v31 =	vor.u32 v5, v20;
	v29 =	vld [tilespmem:s7+$0x70]  }
0x98: {  	v18 =	vshll.u32 v18, $0x7;
	v60 =	vor.u32 v6, v20;
	v22 =	vld.idx.msk [tilespmem:v22+s12+$0x0], $0xffff  }
0x99: {  	v30 =	vor.u32 v7, v20;
	v20 =	vor.u32 v8, v20;
	v18 =	vand.u32 $0x1F80, v18;
	v24 =	vld.idx.msk [tilespmem:v24+s12+$0x0], $0xffff  }
0x9a: {  	v61 =	vor.u32 v0, v18;
	v26 =	vld.idx.msk [tilespmem:v26+s12+$0x0], $0xffff  }
0x9b: {  	v62 =	vor.u32 v9, v18;
	v28 =	vld.idx.msk [tilespmem:v28+s12+$0x0], $0xffff  }
0x9c: {  	v31 =	vld.idx.msk [tilespmem:v31+s12+$0x0], $0xffff;
	vm0 =	veq.s32 v23, $0x0;
	v23 =	vor.u32 v10, v18  }
0x9d: {  	vm1 =	veq.s32 v21, $0x0;
	vm3 =	veq.s32 v16, $0x0;
	v16 =	vor.u32 v11, v18;
	v21 =	vld.idx.msk [tilespmem:v60+s12+$0x0], $0xffff  }
0x9e: {  	vm2 =	veq.s32 v17, $0x0;
	v17 =	vld.idx.msk [tilespmem:v20+s12+$0x0], $0xffff;
	v20 =	vsel vm3, $0x0, v22;
	v22 =	vor.u32 v12, v18  }
0x9f: {  	s31 =	simm.s32 $0x1;
	v30 =	vld.idx.msk [tilespmem:v30+s12+$0x0], $0xffff;
	vm4 =	veq.s32 v19, $0x0;
	v19 =	vsel vm2, $0x0, v26;
	[tilespmem:v61+s21+$0x0] =	vst.idx.msk $0xffff, v20;
	v20 =	vor.u32 v13, v18  }
0xa0: {  	v26 =	vadd.s32 s31, v0;
	[tilespmem:v62+s21+$0x0] =	vst.idx.msk $0xffff, v19;
	v19 =	vsel vm4, $0x0, v24;
	v24 =	vor.u32 v14, v18  }
0xa1: {  	v18 =	vor.u32 v15, v18;
	[tilespmem:v23+s21+$0x0] =	vst.idx.msk $0xffff, v19;
	v19 =	vsel vm1, $0x0, v28;
	v23 =	vand.u32 $0x3F, v26  }
0xa2: {  	vm5 =	veq.s32 v25, $0x0;
	[tilespmem:v16+s21+$0x0] =	vst.idx.msk $0xffff, v19;
	v16 =	vsel vm0, $0x0, v31;
	v19 =	vor.u32 v3, v23  }
0xa3: {  	vm6 =	veq.s32 v27, $0x0;
	v25 =	vor.u32 v1, v23;
	[tilespmem:v22+s21+$0x0] =	vst.idx.msk $0xffff, v16;
	v16 =	vsel vm5, $0x0, v21  }
0xa4: {  	vm7 =	veq.s32 v29, $0x0;
	[tilespmem:v20+s21+$0x0] =	vst.idx.msk $0xffff, v16;
	v16 =	vsel vm6, $0x0, v30;
	v20 =	vor.u32 v2, v23  }
0xa5: {  	v30 =	vor.u32 v8, v23;
	[tilespmem:v24+s21+$0x0] =	vst.idx.msk $0xffff, v16;
	v16 =	vsel vm7, $0x0, v17  }
0xa6: {  	v17 =	vor.u32 v4, v23;
	[tilespmem:v18+s21+$0x0] =	vst.idx.msk $0xffff, v16  }
0xa7: {  	v18 =	vor.u32 v5, v23;
	v21 =	vld.idx.msk [tilespmem:v19+s12+$0x0], $0xffff  }
0xa8: {  	v24 =	vor.u32 v6, v23;
	v16 =	vshll.u32 v26, $0x7;
	v27 =	vld.idx.msk [tilespmem:v25+s12+$0x0], $0xffff  }
0xa9: {  	v25 =	vor.u32 v7, v23;
	v28 =	vand.u32 $0x1F80, v16;
	v63 =	vld.idx.msk [tilespmem:v20+s12+$0x0], $0xffff  }
0xaa: {  	v16 =	vor.u32 v14, v28;
	v36 =	vor.u32 v0, v28;
	v31 =	vor.u32 v9, v28;
	v30 =	vld.idx.msk [tilespmem:v30+s12+$0x0], $0xffff  }
0xab: {  	s7 =	simm.s32 $0x2;
	v23 =	vor.u32 v12, v28;
	v33 =	vor.u32 v10, v28;
	v32 =	vor.u32 v11, v28;
	v19 =	vld.idx.msk [tilespmem:v17+s12+$0x0], $0xffff  }
0xac: {  	v20 =	vor.u32 v13, v28;
	v17 =	vor.u32 v15, v28;
	v22 =	vld.idx.msk [tilespmem:v18+s12+$0x0], $0xffff;
	v18 =	vadd.s32 s7, v0  }
0xad: {  	v26 =	vld.idx.msk [tilespmem:v24+s12+$0x0], $0xffff;
	v28 =	vand.u32 $0x3F, v18;
	v24 =	vshll.u32 v18, $0x7;
	v34 =	vsel vm4, $0x0, v21  }
0xae: {  	v29 =	vld.idx.msk [tilespmem:v25+s12+$0x0], $0xffff;
	v37 =	vsel vm3, $0x0, v27;
	v25 =	vor.u32 v1, v28;
	v18 =	vor.u32 v2, v28  }
0xaf: {  	s10 =	simm.s32 $0x4;
	v27 =	vor.u32 v3, v28;
	v21 =	vor.u32 v4, v28;
	[tilespmem:v36+s21+$0x0] =	vst.idx.msk $0xffff, v37;
	v35 =	vsel vm2, $0x0, v63  }
.LBB2_5:
0xb0: {  	p2 =	sne.s32 s10, $0x3E;
	v36 =	vor.u32 v5, v28;
	v37 =	vor.u32 v6, v28;
	[tilespmem:v31+s21+$0x0] =	vst.idx.msk $0xffff, v35;
	s26 =	smov.u32 s10;
	s10 =	sadd.s32 $0x2, s10  }
0xb1: {  	v31 =	vor.u32 v7, v28;
	v28 =	vor.u32 v8, v28;
	v19 =	vsel vm1, $0x0, v19;
	[tilespmem:v33+s21+$0x0] =	vst.idx.msk $0xffff, v34  }
0xb2: {  	[tilespmem:v32+s21+$0x0] =	vst.idx.msk $0xffff, v19;
	v19 =	vsel vm0, $0x0, v22  }
0xb3: {  	[tilespmem:v23+s21+$0x0] =	vst.idx.msk $0xffff, v19;
	v19 =	vsel vm5, $0x0, v26  }
0xb4: {  	v22 =	vand.u32 $0x1F80, v24;
	[tilespmem:v20+s21+$0x0] =	vst.idx.msk $0xffff, v19;
	v19 =	vsel vm6, $0x0, v29  }
0xb5: {  	v20 =	vor.u32 v0, v22;
	[tilespmem:v16+s21+$0x0] =	vst.idx.msk $0xffff, v19;
	v16 =	vsel vm7, $0x0, v30  }
0xb6: {  	[tilespmem:v17+s21+$0x0] =	vst.idx.msk $0xffff, v16  }
0xb7: {  	v16 =	vld.idx.msk [tilespmem:v25+s12+$0x0], $0xffff  }
0xb8: {  	v19 =	vor.u32 v9, v22;
	v17 =	vld.idx.msk [tilespmem:v27+s12+$0x0], $0xffff  }
0xb9: {  	v23 =	vor.u32 v10, v22;
	v18 =	vld.idx.msk [tilespmem:v18+s12+$0x0], $0xffff  }
0xba: {  	v24 =	vor.u32 v11, v22;
	v21 =	vld.idx.msk [tilespmem:v21+s12+$0x0], $0xffff  }
0xbb: {  	v25 =	vld.idx.msk [tilespmem:v31+s12+$0x0], $0xffff  }
0xbc: {  	v26 =	vld.idx.msk [tilespmem:v36+s12+$0x0], $0xffff  }
0xbd: {  	v27 =	vld.idx.msk [tilespmem:v37+s12+$0x0], $0xffff  }
0xbe: {  	v29 =	vor.u32 v12, v22;
	v16 =	vsel vm3, $0x0, v16;
	v28 =	vld.idx.msk [tilespmem:v28+s12+$0x0], $0xffff  }
0xbf: {  	s31 =	sadd.s32 $0x1, s7;
	s7 =	smov.u32 s26;
	[tilespmem:v20+s21+$0x0] =	vst.idx.msk $0xffff, v16;
	v16 =	vsel vm2, $0x0, v18;
	v18 =	vor.u32 v13, v22  }
0xc0: {  	[tilespmem:v19+s21+$0x0] =	vst.idx.msk $0xffff, v16;
	v16 =	vsel vm4, $0x0, v17;
	v17 =	vor.u32 v14, v22;
	v19 =	vadd.s32 s31, v0  }
0xc1: {  	v20 =	vor.u32 v15, v22;
	[tilespmem:v23+s21+$0x0] =	vst.idx.msk $0xffff, v16;
	v16 =	vsel vm1, $0x0, v21;
	v21 =	vand.u32 $0x3F, v19  }
0xc2: {  	[tilespmem:v24+s21+$0x0] =	vst.idx.msk $0xffff, v16;
	v16 =	vsel vm0, $0x0, v26;
	v22 =	vor.u32 v1, v21;
	v23 =	vor.u32 v3, v21  }
0xc3: {  	v19 =	vshll.u32 v19, $0x7;
	[tilespmem:v29+s21+$0x0] =	vst.idx.msk $0xffff, v16;
	v16 =	vsel vm5, $0x0, v27  }
0xc4: {  	v24 =	vand.u32 $0x1F80, v19;
	[tilespmem:v18+s21+$0x0] =	vst.idx.msk $0xffff, v16;
	v16 =	vsel vm6, $0x0, v25;
	v18 =	vor.u32 v2, v21  }
0xc5: {  	v19 =	vor.u32 v4, v21;
	[tilespmem:v17+s21+$0x0] =	vst.idx.msk $0xffff, v16;
	v17 =	vsel vm7, $0x0, v28;
	v16 =	vor.u32 v14, v24  }
0xc6: {  	[tilespmem:v20+s21+$0x0] =	vst.idx.msk $0xffff, v17;
	v20 =	vor.u32 v5, v21  }
0xc7: {  	v26 =	vor.u32 v6, v21;
	v25 =	vld.idx.msk [tilespmem:v23+s12+$0x0], $0xffff  }
0xc8: {  	v29 =	vor.u32 v7, v21;
	v27 =	vld.idx.msk [tilespmem:v22+s12+$0x0], $0xffff  }
0xc9: {  	v21 =	vor.u32 v8, v21;
	v35 =	vld.idx.msk [tilespmem:v18+s12+$0x0], $0xffff  }
0xca: {  	v36 =	vor.u32 v0, v24;
	v17 =	vor.u32 v15, v24;
	v19 =	vld.idx.msk [tilespmem:v19+s12+$0x0], $0xffff  }
.Ltmp1:
0xcb: {  	v31 =	vor.u32 v9, v24;
	v23 =	vor.u32 v12, v24;
	v22 =	vld.idx.msk [tilespmem:v20+s12+$0x0], $0xffff;
	v20 =	vor.u32 v13, v24;
	(pc) =	sbr.rel @p2 .LBB2_5-.Ltmp1, $4  }
0xcc: {  	v33 =	vor.u32 v10, v24;
	v32 =	vor.u32 v11, v24;
	v18 =	vadd.s32 s7, v0;
	v26 =	vld.idx.msk [tilespmem:v26+s12+$0x0], $0xffff  }
0xcd: {  	v28 =	vand.u32 $0x3F, v18;
	v24 =	vshll.u32 v18, $0x7;
	v34 =	vsel vm4, $0x0, v25;
	v29 =	vld.idx.msk [tilespmem:v29+s12+$0x0], $0xffff  }
0xce: {  	v18 =	vor.u32 v2, v28;
	v25 =	vor.u32 v1, v28;
	v37 =	vsel vm3, $0x0, v27;
	v30 =	vld.idx.msk [tilespmem:v21+s12+$0x0], $0xffff  }
0xcf: {  	v27 =	vor.u32 v3, v28;
	v21 =	vor.u32 v4, v28;
	v35 =	vsel vm2, $0x0, v35;
	[tilespmem:v36+s21+$0x0] =	vst.idx.msk $0xffff, v37  }
0xd0: {  	_ =	sdelay $0x3  }
0xd1: {  	[tilespmem:v31+s21+$0x0] =	vst.idx.msk $0xffff, v35  }
0xd2: {  	v19 =	vsel vm1, $0x0, v19;
	[tilespmem:v33+s21+$0x0] =	vst.idx.msk $0xffff, v34  }
0xd3: {  	[tilespmem:v32+s21+$0x0] =	vst.idx.msk $0xffff, v19;
	v19 =	vsel vm0, $0x0, v22  }
0xd4: {  	[tilespmem:v23+s21+$0x0] =	vst.idx.msk $0xffff, v19;
	v19 =	vsel vm5, $0x0, v26  }
0xd5: {  	[tilespmem:v20+s21+$0x0] =	vst.idx.msk $0xffff, v19;
	v19 =	vsel vm6, $0x0, v29  }
0xd6: {  	[tilespmem:v16+s21+$0x0] =	vst.idx.msk $0xffff, v19;
	v16 =	vsel vm7, $0x0, v30  }
0xd7: {  	v23 =	vor.u32 v8, v28;
	[tilespmem:v17+s21+$0x0] =	vst.idx.msk $0xffff, v16  }
0xd8: {  	v16 =	vor.u32 v5, v28;
	v17 =	vld.idx.msk [tilespmem:v25+s12+$0x0], $0xffff  }
0xd9: {  	v24 =	vand.u32 $0x1F80, v24;
	v20 =	vor.u32 v6, v28;
	v22 =	vld.idx.msk [tilespmem:v27+s12+$0x0], $0xffff  }
0xda: {  	v19 =	vor.u32 v7, v28;
	v18 =	vld.idx.msk [tilespmem:v18+s12+$0x0], $0xffff;
	v25 =	vor.u32 v0, v24  }
0xdb: {  	v26 =	vor.u32 v9, v24;
	v21 =	vld.idx.msk [tilespmem:v21+s12+$0x0], $0xffff  }
0xdc: {  	v27 =	vor.u32 v10, v24;
	v23 =	vld.idx.msk [tilespmem:v23+s12+$0x0], $0xffff  }
0xdd: {  	v28 =	vor.u32 v11, v24;
	v16 =	vld.idx.msk [tilespmem:v16+s12+$0x0], $0xffff  }
0xde: {  	v29 =	vor.u32 v12, v24;
	v20 =	vld.idx.msk [tilespmem:v20+s12+$0x0], $0xffff;
	v17 =	vsel vm3, $0x0, v17  }
0xdf: {  	s7 =	sadd.s32 $0x1, s7;
	v19 =	vld.idx.msk [tilespmem:v19+s12+$0x0], $0xffff;
	[tilespmem:v25+s21+$0x0] =	vst.idx.msk $0xffff, v17;
	v17 =	vsel vm2, $0x0, v18;
	v18 =	vor.u32 v13, v24  }
0xe0: {  	v25 =	vadd.s32 s7, v0;
	[tilespmem:v26+s21+$0x0] =	vst.idx.msk $0xffff, v17;
	v17 =	vsel vm4, $0x0, v22;
	v22 =	vor.u32 v14, v24  }
0xe1: {  	[tilespmem:v27+s21+$0x0] =	vst.idx.msk $0xffff, v17;
	v17 =	vsel vm1, $0x0, v21;
	v21 =	vor.u32 v15, v24;
	v24 =	vand.u32 $0x3F, v25  }
0xe2: {  	[tilespmem:v28+s21+$0x0] =	vst.idx.msk $0xffff, v17;
	v16 =	vsel vm0, $0x0, v16;
	v17 =	vor.u32 v3, v24  }
0xe3: {  	v26 =	vor.u32 v1, v24;
	[tilespmem:v29+s21+$0x0] =	vst.idx.msk $0xffff, v16;
	v16 =	vsel vm5, $0x0, v20  }
0xe4: {  	[tilespmem:v18+s21+$0x0] =	vst.idx.msk $0xffff, v16;
	v16 =	vsel vm6, $0x0, v19;
	v18 =	vor.u32 v2, v24  }
0xe5: {  	v20 =	vor.u32 v6, v24;
	[tilespmem:v22+s21+$0x0] =	vst.idx.msk $0xffff, v16;
	v16 =	vsel vm7, $0x0, v23  }
0xe6: {  	v19 =	vor.u32 v4, v24;
	[tilespmem:v21+s21+$0x0] =	vst.idx.msk $0xffff, v16  }
0xe7: {  	v16 =	vor.u32 v5, v24;
	v21 =	vshll.u32 v25, $0x7;
	v17 =	vld.idx.msk [tilespmem:v17+s12+$0x0], $0xffff  }
0xe8: {  	v23 =	vor.u32 v7, v24;
	v22 =	vld.idx.msk [tilespmem:v26+s12+$0x0], $0xffff;
	v21 =	vand.u32 $0x1F80, v21  }
0xe9: {  	v24 =	vor.u32 v8, v24;
	v25 =	vor.u32 v0, v21;
	v18 =	vld.idx.msk [tilespmem:v18+s12+$0x0], $0xffff  }
0xea: {  	v26 =	vor.u32 v9, v21;
	v20 =	vld.idx.msk [tilespmem:v20+s12+$0x0], $0xffff  }
0xeb: {  	v27 =	vor.u32 v10, v21;
	v19 =	vld.idx.msk [tilespmem:v19+s12+$0x0], $0xffff  }
0xec: {  	v28 =	vor.u32 v11, v21;
	v16 =	vld.idx.msk [tilespmem:v16+s12+$0x0], $0xffff  }
0xed: {  	v29 =	vor.u32 v12, v21;
	v23 =	vld.idx.msk [tilespmem:v23+s12+$0x0], $0xffff;
	v22 =	vsel vm3, $0x0, v22  }
0xee: {  	v30 =	vor.u32 v13, v21;
	v24 =	vld.idx.msk [tilespmem:v24+s12+$0x0], $0xffff;
	[tilespmem:v25+s21+$0x0] =	vst.idx.msk $0xffff, v22;
	v18 =	vsel vm2, $0x0, v18  }
0xef: {  	v17 =	vsel vm4, $0x0, v17;
	v22 =	vor.u32 v14, v21;
	[tilespmem:v26+s21+$0x0] =	vst.idx.msk $0xffff, v18  }
0xf0: {  	v18 =	vor.u32 v15, v21;
	[tilespmem:v27+s21+$0x0] =	vst.idx.msk $0xffff, v17;
	v17 =	vsel vm1, $0x0, v19  }
0xf1: {  	v16 =	vsel vm0, $0x0, v16;
	[tilespmem:v28+s21+$0x0] =	vst.idx.msk $0xffff, v17  }
0xf2: {  	s5 =	sshll.u32 s5, $0x12;
	[tilespmem:v29+s21+$0x0] =	vst.idx.msk $0xffff, v16;
	v16 =	vsel vm5, $0x0, v20  }
0xf3: {  	s5 =	sor.u32 s6, s5;
	[tilespmem:v30+s21+$0x0] =	vst.idx.msk $0xffff, v16;
	v16 =	vsel vm6, $0x0, v23  }
0xf4: {  	s5 =	sshrl.u32 s5, $0x3;
	[tilespmem:v22+s21+$0x0] =	vst.idx.msk $0xffff, v16;
	v16 =	vsel vm7, $0x0, v24  }
0xf5: {  	s5 =	sadd.s32 s2, s5;
	[tilespmem:v18+s21+$0x0] =	vst.idx.msk $0xffff, v16  }
0xf6: {  	[hbm4b:s5+s18] =	stream.strided.scatter [tilespmem:s21], [sflag:$0x6], $0x2000, s19, s18, $0x38;
	[tilespmem:$0x16400] =	vst v63  }
0xf7: {  	_ =	swait.ge [sflag:s22], $0x2000  }
0xf8: {  	s10 =	simm.s32 @!p0 $0x8400;
	[sflag:s22] =	ssyncset.done $0x0  }
0xf9: {  	s7 =	simm.s32 @!p0 $0x80;
	s5 =	sadd.s32 @!p0 $0x280, s13;
	[sflag:s22] =	ssyncadd.s32 $0xFFFFE000  }
0xfa: {  	[tilespmem:s10], [sflag:$0x2] =	stream.indirect.gather @!p0 [hbm4b:s4+s7], $0x40, s5, s7, $0xb8;
	[tilespmem:$0x16400] =	vst v63  }
0xfb: {  	s3 =	sor.u32 $0x2, s3;
	_ =	swait.ge @p1 [sflag:s29], $0x2000  }
0xfc: {  	s10 =	sshll.u32 s3, $0x7;
	[sflag:s29] =	ssyncset.done @p1 $0x0  }
0xfd: {  	s5 =	sand.u32 $0x3FFFFF80, s10;
	[sflag:s29] =	ssyncadd.s32 @p1 $0xFFFFE000  }
0xfe: {  	s26 =	simm.s32 $0x0;
	v16 =	vld [tilespmem:s5+$0x0]  }
0xff: {  	v18 =	vadd.s32 s26, v0;
	v17 =	vld [tilespmem:s5+$0x10]  }
0x100: {  	v20 =	vand.u32 $0x3F, v18;
	v19 =	vld [tilespmem:s5+$0x20]  }
0x101: {  	v22 =	vor.u32 v1, v20;
	v21 =	vld [tilespmem:s5+$0x30]  }
0x102: {  	v24 =	vor.u32 v3, v20;
	v23 =	vld [tilespmem:s5+$0x40]  }
0x103: {  	v26 =	vor.u32 v2, v20;
	v25 =	vld [tilespmem:s5+$0x50]  }
0x104: {  	v28 =	vor.u32 v4, v20;
	v27 =	vld [tilespmem:s5+$0x60]  }
0x105: {  	v31 =	vor.u32 v5, v20;
	v29 =	vld [tilespmem:s5+$0x70]  }
0x106: {  	v18 =	vshll.u32 v18, $0x7;
	v60 =	vor.u32 v6, v20;
	v22 =	vld.idx.msk [tilespmem:v22+s14+$0x0], $0xffff  }
0x107: {  	v30 =	vor.u32 v7, v20;
	v20 =	vor.u32 v8, v20;
	v18 =	vand.u32 $0x1F80, v18;
	v24 =	vld.idx.msk [tilespmem:v24+s14+$0x0], $0xffff  }
0x108: {  	v61 =	vor.u32 v0, v18;
	v26 =	vld.idx.msk [tilespmem:v26+s14+$0x0], $0xffff  }
0x109: {  	v62 =	vor.u32 v9, v18;
	v28 =	vld.idx.msk [tilespmem:v28+s14+$0x0], $0xffff  }
0x10a: {  	v31 =	vld.idx.msk [tilespmem:v31+s14+$0x0], $0xffff;
	vm0 =	veq.s32 v23, $0x0;
	v23 =	vor.u32 v10, v18  }
0x10b: {  	vm1 =	veq.s32 v21, $0x0;
	vm3 =	veq.s32 v16, $0x0;
	v16 =	vor.u32 v11, v18;
	v21 =	vld.idx.msk [tilespmem:v60+s14+$0x0], $0xffff  }
0x10c: {  	vm2 =	veq.s32 v17, $0x0;
	v17 =	vld.idx.msk [tilespmem:v20+s14+$0x0], $0xffff;
	v20 =	vsel vm3, $0x0, v22;
	v22 =	vor.u32 v12, v18  }
0x10d: {  	s31 =	simm.s32 $0x1;
	v30 =	vld.idx.msk [tilespmem:v30+s14+$0x0], $0xffff;
	vm4 =	veq.s32 v19, $0x0;
	v19 =	vsel vm2, $0x0, v26;
	[tilespmem:v61+s23+$0x0] =	vst.idx.msk $0xffff, v20;
	v20 =	vor.u32 v13, v18  }
0x10e: {  	v26 =	vadd.s32 s31, v0;
	[tilespmem:v62+s23+$0x0] =	vst.idx.msk $0xffff, v19;
	v19 =	vsel vm4, $0x0, v24;
	v24 =	vor.u32 v14, v18  }
0x10f: {  	v18 =	vor.u32 v15, v18;
	[tilespmem:v23+s23+$0x0] =	vst.idx.msk $0xffff, v19;
	v19 =	vsel vm1, $0x0, v28;
	v23 =	vand.u32 $0x3F, v26  }
0x110: {  	vm5 =	veq.s32 v25, $0x0;
	[tilespmem:v16+s23+$0x0] =	vst.idx.msk $0xffff, v19;
	v16 =	vsel vm0, $0x0, v31;
	v19 =	vor.u32 v3, v23  }
0x111: {  	vm6 =	veq.s32 v27, $0x0;
	v25 =	vor.u32 v1, v23;
	[tilespmem:v22+s23+$0x0] =	vst.idx.msk $0xffff, v16;
	v16 =	vsel vm5, $0x0, v21  }
0x112: {  	vm7 =	veq.s32 v29, $0x0;
	[tilespmem:v20+s23+$0x0] =	vst.idx.msk $0xffff, v16;
	v16 =	vsel vm6, $0x0, v30;
	v20 =	vor.u32 v2, v23  }
0x113: {  	v30 =	vor.u32 v8, v23;
	[tilespmem:v24+s23+$0x0] =	vst.idx.msk $0xffff, v16;
	v16 =	vsel vm7, $0x0, v17  }
0x114: {  	v17 =	vor.u32 v4, v23;
	[tilespmem:v18+s23+$0x0] =	vst.idx.msk $0xffff, v16  }
0x115: {  	v18 =	vor.u32 v5, v23;
	v21 =	vld.idx.msk [tilespmem:v19+s14+$0x0], $0xffff  }
0x116: {  	v24 =	vor.u32 v6, v23;
	v16 =	vshll.u32 v26, $0x7;
	v27 =	vld.idx.msk [tilespmem:v25+s14+$0x0], $0xffff  }
0x117: {  	v25 =	vor.u32 v7, v23;
	v28 =	vand.u32 $0x1F80, v16;
	v63 =	vld.idx.msk [tilespmem:v20+s14+$0x0], $0xffff  }
0x118: {  	v16 =	vor.u32 v14, v28;
	v36 =	vor.u32 v0, v28;
	v31 =	vor.u32 v9, v28;
	v30 =	vld.idx.msk [tilespmem:v30+s14+$0x0], $0xffff  }
0x119: {  	s5 =	simm.s32 $0x2;
	v23 =	vor.u32 v12, v28;
	v33 =	vor.u32 v10, v28;
	v32 =	vor.u32 v11, v28;
	v19 =	vld.idx.msk [tilespmem:v17+s14+$0x0], $0xffff  }
0x11a: {  	v20 =	vor.u32 v13, v28;
	v17 =	vor.u32 v15, v28;
	v22 =	vld.idx.msk [tilespmem:v18+s14+$0x0], $0xffff;
	v18 =	vadd.s32 s5, v0  }
0x11b: {  	v26 =	vld.idx.msk [tilespmem:v24+s14+$0x0], $0xffff;
	v28 =	vand.u32 $0x3F, v18;
	v24 =	vshll.u32 v18, $0x7;
	v34 =	vsel vm4, $0x0, v21  }
0x11c: {  	v29 =	vld.idx.msk [tilespmem:v25+s14+$0x0], $0xffff;
	v37 =	vsel vm3, $0x0, v27;
	v25 =	vor.u32 v1, v28;
	v18 =	vor.u32 v2, v28  }
0x11d: {  	s7 =	simm.s32 $0x4;
	v27 =	vor.u32 v3, v28;
	v21 =	vor.u32 v4, v28;
	[tilespmem:v36+s23+$0x0] =	vst.idx.msk $0xffff, v37;
	v35 =	vsel vm2, $0x0, v63  }
.LBB2_7:
0x11e: {  	p2 =	sne.s32 s7, $0x3E;
	v36 =	vor.u32 v5, v28;
	v37 =	vor.u32 v6, v28;
	[tilespmem:v31+s23+$0x0] =	vst.idx.msk $0xffff, v35;
	s10 =	smov.u32 s7;
	s7 =	sadd.s32 $0x2, s7  }
0x11f: {  	v31 =	vor.u32 v7, v28;
	v28 =	vor.u32 v8, v28;
	v19 =	vsel vm1, $0x0, v19;
	[tilespmem:v33+s23+$0x0] =	vst.idx.msk $0xffff, v34  }
0x120: {  	[tilespmem:v32+s23+$0x0] =	vst.idx.msk $0xffff, v19;
	v19 =	vsel vm0, $0x0, v22  }
0x121: {  	[tilespmem:v23+s23+$0x0] =	vst.idx.msk $0xffff, v19;
	v19 =	vsel vm5, $0x0, v26  }
0x122: {  	v22 =	vand.u32 $0x1F80, v24;
	[tilespmem:v20+s23+$0x0] =	vst.idx.msk $0xffff, v19;
	v19 =	vsel vm6, $0x0, v29  }
0x123: {  	v20 =	vor.u32 v0, v22;
	[tilespmem:v16+s23+$0x0] =	vst.idx.msk $0xffff, v19;
	v16 =	vsel vm7, $0x0, v30  }
0x124: {  	[tilespmem:v17+s23+$0x0] =	vst.idx.msk $0xffff, v16  }
0x125: {  	v16 =	vld.idx.msk [tilespmem:v25+s14+$0x0], $0xffff  }
0x126: {  	v19 =	vor.u32 v9, v22;
	v17 =	vld.idx.msk [tilespmem:v27+s14+$0x0], $0xffff  }
0x127: {  	v23 =	vor.u32 v10, v22;
	v18 =	vld.idx.msk [tilespmem:v18+s14+$0x0], $0xffff  }
0x128: {  	v24 =	vor.u32 v11, v22;
	v21 =	vld.idx.msk [tilespmem:v21+s14+$0x0], $0xffff  }
0x129: {  	v25 =	vld.idx.msk [tilespmem:v31+s14+$0x0], $0xffff  }
0x12a: {  	v26 =	vld.idx.msk [tilespmem:v36+s14+$0x0], $0xffff  }
0x12b: {  	v27 =	vld.idx.msk [tilespmem:v37+s14+$0x0], $0xffff  }
0x12c: {  	v29 =	vor.u32 v12, v22;
	v16 =	vsel vm3, $0x0, v16;
	v28 =	vld.idx.msk [tilespmem:v28+s14+$0x0], $0xffff  }
0x12d: {  	s26 =	sadd.s32 $0x1, s5;
	s5 =	smov.u32 s10;
	[tilespmem:v20+s23+$0x0] =	vst.idx.msk $0xffff, v16;
	v16 =	vsel vm2, $0x0, v18;
	v18 =	vor.u32 v13, v22  }
0x12e: {  	[tilespmem:v19+s23+$0x0] =	vst.idx.msk $0xffff, v16;
	v16 =	vsel vm4, $0x0, v17;
	v17 =	vor.u32 v14, v22;
	v19 =	vadd.s32 s26, v0  }
0x12f: {  	v20 =	vor.u32 v15, v22;
	[tilespmem:v23+s23+$0x0] =	vst.idx.msk $0xffff, v16;
	v16 =	vsel vm1, $0x0, v21;
	v21 =	vand.u32 $0x3F, v19  }
0x130: {  	[tilespmem:v24+s23+$0x0] =	vst.idx.msk $0xffff, v16;
	v16 =	vsel vm0, $0x0, v26;
	v22 =	vor.u32 v1, v21;
	v23 =	vor.u32 v3, v21  }
0x131: {  	v19 =	vshll.u32 v19, $0x7;
	[tilespmem:v29+s23+$0x0] =	vst.idx.msk $0xffff, v16;
	v16 =	vsel vm5, $0x0, v27  }
0x132: {  	v24 =	vand.u32 $0x1F80, v19;
	[tilespmem:v18+s23+$0x0] =	vst.idx.msk $0xffff, v16;
	v16 =	vsel vm6, $0x0, v25;
	v18 =	vor.u32 v2, v21  }
0x133: {  	v19 =	vor.u32 v4, v21;
	[tilespmem:v17+s23+$0x0] =	vst.idx.msk $0xffff, v16;
	v17 =	vsel vm7, $0x0, v28;
	v16 =	vor.u32 v14, v24  }
0x134: {  	[tilespmem:v20+s23+$0x0] =	vst.idx.msk $0xffff, v17;
	v20 =	vor.u32 v5, v21  }
0x135: {  	v26 =	vor.u32 v6, v21;
	v25 =	vld.idx.msk [tilespmem:v23+s14+$0x0], $0xffff  }
0x136: {  	v29 =	vor.u32 v7, v21;
	v27 =	vld.idx.msk [tilespmem:v22+s14+$0x0], $0xffff  }
0x137: {  	v21 =	vor.u32 v8, v21;
	v35 =	vld.idx.msk [tilespmem:v18+s14+$0x0], $0xffff  }
0x138: {  	v36 =	vor.u32 v0, v24;
	v17 =	vor.u32 v15, v24;
	v19 =	vld.idx.msk [tilespmem:v19+s14+$0x0], $0xffff  }
.Ltmp2:
0x139: {  	v31 =	vor.u32 v9, v24;
	v23 =	vor.u32 v12, v24;
	v22 =	vld.idx.msk [tilespmem:v20+s14+$0x0], $0xffff;
	v20 =	vor.u32 v13, v24;
	(pc) =	sbr.rel @p2 .LBB2_7-.Ltmp2, $4  }
0x13a: {  	v33 =	vor.u32 v10, v24;
	v32 =	vor.u32 v11, v24;
	v18 =	vadd.s32 s5, v0;
	v26 =	vld.idx.msk [tilespmem:v26+s14+$0x0], $0xffff  }
0x13b: {  	v28 =	vand.u32 $0x3F, v18;
	v24 =	vshll.u32 v18, $0x7;
	v34 =	vsel vm4, $0x0, v25;
	v29 =	vld.idx.msk [tilespmem:v29+s14+$0x0], $0xffff  }
0x13c: {  	v18 =	vor.u32 v2, v28;
	v25 =	vor.u32 v1, v28;
	v37 =	vsel vm3, $0x0, v27;
	v30 =	vld.idx.msk [tilespmem:v21+s14+$0x0], $0xffff  }
0x13d: {  	v27 =	vor.u32 v3, v28;
	v21 =	vor.u32 v4, v28;
	v35 =	vsel vm2, $0x0, v35;
	[tilespmem:v36+s23+$0x0] =	vst.idx.msk $0xffff, v37  }
0x13e: {  	_ =	sdelay $0x3  }
0x13f: {  	[tilespmem:v31+s23+$0x0] =	vst.idx.msk $0xffff, v35  }
0x140: {  	v19 =	vsel vm1, $0x0, v19;
	[tilespmem:v33+s23+$0x0] =	vst.idx.msk $0xffff, v34  }
0x141: {  	[tilespmem:v32+s23+$0x0] =	vst.idx.msk $0xffff, v19;
	v19 =	vsel vm0, $0x0, v22  }
0x142: {  	[tilespmem:v23+s23+$0x0] =	vst.idx.msk $0xffff, v19;
	v19 =	vsel vm5, $0x0, v26  }
0x143: {  	[tilespmem:v20+s23+$0x0] =	vst.idx.msk $0xffff, v19;
	v19 =	vsel vm6, $0x0, v29  }
0x144: {  	[tilespmem:v16+s23+$0x0] =	vst.idx.msk $0xffff, v19;
	v16 =	vsel vm7, $0x0, v30  }
0x145: {  	v23 =	vor.u32 v8, v28;
	[tilespmem:v17+s23+$0x0] =	vst.idx.msk $0xffff, v16  }
0x146: {  	v16 =	vor.u32 v5, v28;
	v17 =	vld.idx.msk [tilespmem:v25+s14+$0x0], $0xffff  }
0x147: {  	v24 =	vand.u32 $0x1F80, v24;
	v20 =	vor.u32 v6, v28;
	v22 =	vld.idx.msk [tilespmem:v27+s14+$0x0], $0xffff  }
0x148: {  	v19 =	vor.u32 v7, v28;
	v18 =	vld.idx.msk [tilespmem:v18+s14+$0x0], $0xffff;
	v25 =	vor.u32 v0, v24  }
0x149: {  	v26 =	vor.u32 v9, v24;
	v21 =	vld.idx.msk [tilespmem:v21+s14+$0x0], $0xffff  }
0x14a: {  	v27 =	vor.u32 v10, v24;
	v23 =	vld.idx.msk [tilespmem:v23+s14+$0x0], $0xffff  }
0x14b: {  	v28 =	vor.u32 v11, v24;
	v16 =	vld.idx.msk [tilespmem:v16+s14+$0x0], $0xffff  }
0x14c: {  	v29 =	vor.u32 v12, v24;
	v20 =	vld.idx.msk [tilespmem:v20+s14+$0x0], $0xffff;
	v17 =	vsel vm3, $0x0, v17  }
0x14d: {  	s5 =	sadd.s32 $0x1, s5;
	v19 =	vld.idx.msk [tilespmem:v19+s14+$0x0], $0xffff;
	[tilespmem:v25+s23+$0x0] =	vst.idx.msk $0xffff, v17;
	v17 =	vsel vm2, $0x0, v18;
	v18 =	vor.u32 v13, v24  }
0x14e: {  	v25 =	vadd.s32 s5, v0;
	[tilespmem:v26+s23+$0x0] =	vst.idx.msk $0xffff, v17;
	v17 =	vsel vm4, $0x0, v22;
	v22 =	vor.u32 v14, v24  }
0x14f: {  	[tilespmem:v27+s23+$0x0] =	vst.idx.msk $0xffff, v17;
	v17 =	vsel vm1, $0x0, v21;
	v21 =	vor.u32 v15, v24;
	v24 =	vand.u32 $0x3F, v25  }
0x150: {  	[tilespmem:v28+s23+$0x0] =	vst.idx.msk $0xffff, v17;
	v16 =	vsel vm0, $0x0, v16;
	v17 =	vor.u32 v3, v24  }
0x151: {  	v26 =	vor.u32 v1, v24;
	[tilespmem:v29+s23+$0x0] =	vst.idx.msk $0xffff, v16;
	v16 =	vsel vm5, $0x0, v20  }
0x152: {  	[tilespmem:v18+s23+$0x0] =	vst.idx.msk $0xffff, v16;
	v16 =	vsel vm6, $0x0, v19;
	v18 =	vor.u32 v2, v24  }
0x153: {  	v20 =	vor.u32 v6, v24;
	[tilespmem:v22+s23+$0x0] =	vst.idx.msk $0xffff, v16;
	v16 =	vsel vm7, $0x0, v23  }
0x154: {  	v19 =	vor.u32 v4, v24;
	[tilespmem:v21+s23+$0x0] =	vst.idx.msk $0xffff, v16  }
0x155: {  	v16 =	vor.u32 v5, v24;
	v21 =	vshll.u32 v25, $0x7;
	v17 =	vld.idx.msk [tilespmem:v17+s14+$0x0], $0xffff  }
0x156: {  	v23 =	vor.u32 v7, v24;
	v22 =	vld.idx.msk [tilespmem:v26+s14+$0x0], $0xffff;
	v21 =	vand.u32 $0x1F80, v21  }
0x157: {  	v24 =	vor.u32 v8, v24;
	v25 =	vor.u32 v0, v21;
	v18 =	vld.idx.msk [tilespmem:v18+s14+$0x0], $0xffff  }
0x158: {  	v26 =	vor.u32 v9, v21;
	v20 =	vld.idx.msk [tilespmem:v20+s14+$0x0], $0xffff  }
0x159: {  	v27 =	vor.u32 v10, v21;
	v19 =	vld.idx.msk [tilespmem:v19+s14+$0x0], $0xffff  }
0x15a: {  	v28 =	vor.u32 v11, v21;
	v16 =	vld.idx.msk [tilespmem:v16+s14+$0x0], $0xffff  }
0x15b: {  	v29 =	vor.u32 v12, v21;
	v23 =	vld.idx.msk [tilespmem:v23+s14+$0x0], $0xffff;
	v22 =	vsel vm3, $0x0, v22  }
0x15c: {  	v30 =	vor.u32 v13, v21;
	v24 =	vld.idx.msk [tilespmem:v24+s14+$0x0], $0xffff;
	[tilespmem:v25+s23+$0x0] =	vst.idx.msk $0xffff, v22;
	v18 =	vsel vm2, $0x0, v18  }
0x15d: {  	v17 =	vsel vm4, $0x0, v17;
	v22 =	vor.u32 v14, v21;
	[tilespmem:v26+s23+$0x0] =	vst.idx.msk $0xffff, v18  }
0x15e: {  	v18 =	vor.u32 v15, v21;
	[tilespmem:v27+s23+$0x0] =	vst.idx.msk $0xffff, v17;
	v17 =	vsel vm1, $0x0, v19  }
0x15f: {  	v16 =	vsel vm0, $0x0, v16;
	[tilespmem:v28+s23+$0x0] =	vst.idx.msk $0xffff, v17  }
0x160: {  	s3 =	sshll.u32 s3, $0x12;
	[tilespmem:v29+s23+$0x0] =	vst.idx.msk $0xffff, v16;
	v16 =	vsel vm5, $0x0, v20  }
0x161: {  	s3 =	sor.u32 s6, s3;
	[tilespmem:v30+s23+$0x0] =	vst.idx.msk $0xffff, v16;
	v16 =	vsel vm6, $0x0, v23  }
0x162: {  	s3 =	sshrl.u32 s3, $0x3;
	[tilespmem:v22+s23+$0x0] =	vst.idx.msk $0xffff, v16;
	v16 =	vsel vm7, $0x0, v24  }
0x163: {  	s3 =	sadd.s32 s2, s3;
	[tilespmem:v18+s23+$0x0] =	vst.idx.msk $0xffff, v16  }
0x164: {  	[hbm4b:s3+s18] =	stream.strided.scatter [tilespmem:s23], [sflag:$0x7], $0x2000, s19, s18, $0x38;
	[tilespmem:$0x16400] =	vst v63  }
0x165: {  	_ =	swait.ge [sflag:s24], $0x2000  }
0x166: {  	s7 =	simm.s32 @!p0 $0xA400;
	[sflag:s24] =	ssyncset.done $0x0  }
0x167: {  	s5 =	simm.s32 @!p0 $0x80;
	s3 =	sadd.s32 @!p0 $0x300, s13;
	[sflag:s24] =	ssyncadd.s32 $0xFFFFE000  }
0x168: {  	[tilespmem:s7], [sflag:$0x3] =	stream.indirect.gather @!p0 [hbm4b:s4+s5], $0x40, s3, s5, $0xb8;
	[tilespmem:$0x16400] =	vst v63  }
0x169: {  	_ =	swait.ge @p1 [sflag:s30], $0x2000  }
0x16a: {  	[sflag:s30] =	ssyncset.done @p1 $0x0  }
0x16b: {  	[sflag:s30] =	ssyncadd.s32 @p1 $0xFFFFE000  }
0x16c: {  	s26 =	simm.s32 $0x0;
	v16 =	vld [tilespmem:s9+$0x0]  }
0x16d: {  	v18 =	vadd.s32 s26, v0;
	v17 =	vld [tilespmem:s9+$0x10]  }
0x16e: {  	v20 =	vand.u32 $0x3F, v18;
	v19 =	vld [tilespmem:s9+$0x20]  }
0x16f: {  	v22 =	vor.u32 v1, v20;
	v21 =	vld [tilespmem:s9+$0x30]  }
0x170: {  	v24 =	vor.u32 v3, v20;
	v23 =	vld [tilespmem:s9+$0x40]  }
0x171: {  	v26 =	vor.u32 v2, v20;
	v25 =	vld [tilespmem:s9+$0x50]  }
0x172: {  	v28 =	vor.u32 v4, v20;
	v27 =	vld [tilespmem:s9+$0x60]  }
0x173: {  	v31 =	vor.u32 v5, v20;
	v29 =	vld [tilespmem:s9+$0x70]  }
0x174: {  	v18 =	vshll.u32 v18, $0x7;
	v60 =	vor.u32 v6, v20;
	v22 =	vld.idx.msk [tilespmem:v22+s16+$0x0], $0xffff  }
0x175: {  	v30 =	vor.u32 v7, v20;
	v20 =	vor.u32 v8, v20;
	v18 =	vand.u32 $0x1F80, v18;
	v24 =	vld.idx.msk [tilespmem:v24+s16+$0x0], $0xffff  }
0x176: {  	v61 =	vor.u32 v0, v18;
	v26 =	vld.idx.msk [tilespmem:v26+s16+$0x0], $0xffff  }
0x177: {  	v62 =	vor.u32 v9, v18;
	v28 =	vld.idx.msk [tilespmem:v28+s16+$0x0], $0xffff  }
0x178: {  	v31 =	vld.idx.msk [tilespmem:v31+s16+$0x0], $0xffff;
	vm0 =	veq.s32 v23, $0x0;
	v23 =	vor.u32 v10, v18  }
0x179: {  	vm1 =	veq.s32 v21, $0x0;
	vm3 =	veq.s32 v16, $0x0;
	v16 =	vor.u32 v11, v18;
	v21 =	vld.idx.msk [tilespmem:v60+s16+$0x0], $0xffff  }
0x17a: {  	vm2 =	veq.s32 v17, $0x0;
	v17 =	vld.idx.msk [tilespmem:v20+s16+$0x0], $0xffff;
	v20 =	vsel vm3, $0x0, v22;
	v22 =	vor.u32 v12, v18  }
0x17b: {  	s31 =	simm.s32 $0x1;
	v30 =	vld.idx.msk [tilespmem:v30+s16+$0x0], $0xffff;
	vm4 =	veq.s32 v19, $0x0;
	v19 =	vsel vm2, $0x0, v26;
	[tilespmem:v61+s25+$0x0] =	vst.idx.msk $0xffff, v20;
	v20 =	vor.u32 v13, v18  }
0x17c: {  	v26 =	vadd.s32 s31, v0;
	[tilespmem:v62+s25+$0x0] =	vst.idx.msk $0xffff, v19;
	v19 =	vsel vm4, $0x0, v24;
	v24 =	vor.u32 v14, v18  }
0x17d: {  	v18 =	vor.u32 v15, v18;
	[tilespmem:v23+s25+$0x0] =	vst.idx.msk $0xffff, v19;
	v19 =	vsel vm1, $0x0, v28;
	v23 =	vand.u32 $0x3F, v26  }
0x17e: {  	vm5 =	veq.s32 v25, $0x0;
	[tilespmem:v16+s25+$0x0] =	vst.idx.msk $0xffff, v19;
	v16 =	vsel vm0, $0x0, v31;
	v19 =	vor.u32 v3, v23  }
0x17f: {  	vm6 =	veq.s32 v27, $0x0;
	v25 =	vor.u32 v1, v23;
	[tilespmem:v22+s25+$0x0] =	vst.idx.msk $0xffff, v16;
	v16 =	vsel vm5, $0x0, v21  }
0x180: {  	vm7 =	veq.s32 v29, $0x0;
	[tilespmem:v20+s25+$0x0] =	vst.idx.msk $0xffff, v16;
	v16 =	vsel vm6, $0x0, v30;
	v20 =	vor.u32 v2, v23  }
0x181: {  	v30 =	vor.u32 v8, v23;
	[tilespmem:v24+s25+$0x0] =	vst.idx.msk $0xffff, v16;
	v16 =	vsel vm7, $0x0, v17  }
0x182: {  	v17 =	vor.u32 v4, v23;
	[tilespmem:v18+s25+$0x0] =	vst.idx.msk $0xffff, v16  }
0x183: {  	v18 =	vor.u32 v5, v23;
	v21 =	vld.idx.msk [tilespmem:v19+s16+$0x0], $0xffff  }
0x184: {  	v24 =	vor.u32 v6, v23;
	v16 =	vshll.u32 v26, $0x7;
	v27 =	vld.idx.msk [tilespmem:v25+s16+$0x0], $0xffff  }
0x185: {  	v25 =	vor.u32 v7, v23;
	v28 =	vand.u32 $0x1F80, v16;
	v63 =	vld.idx.msk [tilespmem:v20+s16+$0x0], $0xffff  }
0x186: {  	v16 =	vor.u32 v14, v28;
	v36 =	vor.u32 v0, v28;
	v31 =	vor.u32 v9, v28;
	v30 =	vld.idx.msk [tilespmem:v30+s16+$0x0], $0xffff  }
0x187: {  	s3 =	simm.s32 $0x2;
	v23 =	vor.u32 v12, v28;
	v33 =	vor.u32 v10, v28;
	v32 =	vor.u32 v11, v28;
	v19 =	vld.idx.msk [tilespmem:v17+s16+$0x0], $0xffff  }
0x188: {  	v20 =	vor.u32 v13, v28;
	v17 =	vor.u32 v15, v28;
	v22 =	vld.idx.msk [tilespmem:v18+s16+$0x0], $0xffff;
	v18 =	vadd.s32 s3, v0  }
0x189: {  	v26 =	vld.idx.msk [tilespmem:v24+s16+$0x0], $0xffff;
	v28 =	vand.u32 $0x3F, v18;
	v24 =	vshll.u32 v18, $0x7;
	v34 =	vsel vm4, $0x0, v21  }
0x18a: {  	v29 =	vld.idx.msk [tilespmem:v25+s16+$0x0], $0xffff;
	v37 =	vsel vm3, $0x0, v27;
	v25 =	vor.u32 v1, v28;
	v18 =	vor.u32 v2, v28  }
0x18b: {  	s5 =	simm.s32 $0x4;
	v27 =	vor.u32 v3, v28;
	v21 =	vor.u32 v4, v28;
	[tilespmem:v36+s25+$0x0] =	vst.idx.msk $0xffff, v37;
	v35 =	vsel vm2, $0x0, v63  }
.LBB2_9:
0x18c: {  	p0 =	sne.s32 s5, $0x3E;
	v36 =	vor.u32 v5, v28;
	v37 =	vor.u32 v6, v28;
	[tilespmem:v31+s25+$0x0] =	vst.idx.msk $0xffff, v35;
	s7 =	smov.u32 s5;
	s5 =	sadd.s32 $0x2, s5  }
0x18d: {  	v31 =	vor.u32 v7, v28;
	v28 =	vor.u32 v8, v28;
	v19 =	vsel vm1, $0x0, v19;
	[tilespmem:v33+s25+$0x0] =	vst.idx.msk $0xffff, v34  }
0x18e: {  	[tilespmem:v32+s25+$0x0] =	vst.idx.msk $0xffff, v19;
	v19 =	vsel vm0, $0x0, v22  }
0x18f: {  	[tilespmem:v23+s25+$0x0] =	vst.idx.msk $0xffff, v19;
	v19 =	vsel vm5, $0x0, v26  }
0x190: {  	v22 =	vand.u32 $0x1F80, v24;
	[tilespmem:v20+s25+$0x0] =	vst.idx.msk $0xffff, v19;
	v19 =	vsel vm6, $0x0, v29  }
0x191: {  	v20 =	vor.u32 v0, v22;
	[tilespmem:v16+s25+$0x0] =	vst.idx.msk $0xffff, v19;
	v16 =	vsel vm7, $0x0, v30  }
0x192: {  	[tilespmem:v17+s25+$0x0] =	vst.idx.msk $0xffff, v16  }
0x193: {  	v16 =	vld.idx.msk [tilespmem:v25+s16+$0x0], $0xffff  }
0x194: {  	v19 =	vor.u32 v9, v22;
	v17 =	vld.idx.msk [tilespmem:v27+s16+$0x0], $0xffff  }
0x195: {  	v23 =	vor.u32 v10, v22;
	v18 =	vld.idx.msk [tilespmem:v18+s16+$0x0], $0xffff  }
0x196: {  	v24 =	vor.u32 v11, v22;
	v21 =	vld.idx.msk [tilespmem:v21+s16+$0x0], $0xffff  }
0x197: {  	v25 =	vld.idx.msk [tilespmem:v31+s16+$0x0], $0xffff  }
0x198: {  	v26 =	vld.idx.msk [tilespmem:v36+s16+$0x0], $0xffff  }
0x199: {  	v27 =	vld.idx.msk [tilespmem:v37+s16+$0x0], $0xffff  }
0x19a: {  	v29 =	vor.u32 v12, v22;
	v16 =	vsel vm3, $0x0, v16;
	v28 =	vld.idx.msk [tilespmem:v28+s16+$0x0], $0xffff  }
0x19b: {  	s9 =	sadd.s32 $0x1, s3;
	s3 =	smov.u32 s7;
	[tilespmem:v20+s25+$0x0] =	vst.idx.msk $0xffff, v16;
	v16 =	vsel vm2, $0x0, v18;
	v18 =	vor.u32 v13, v22  }
0x19c: {  	[tilespmem:v19+s25+$0x0] =	vst.idx.msk $0xffff, v16;
	v16 =	vsel vm4, $0x0, v17;
	v17 =	vor.u32 v14, v22;
	v19 =	vadd.s32 s9, v0  }
0x19d: {  	v20 =	vor.u32 v15, v22;
	[tilespmem:v23+s25+$0x0] =	vst.idx.msk $0xffff, v16;
	v16 =	vsel vm1, $0x0, v21;
	v21 =	vand.u32 $0x3F, v19  }
0x19e: {  	[tilespmem:v24+s25+$0x0] =	vst.idx.msk $0xffff, v16;
	v16 =	vsel vm0, $0x0, v26;
	v22 =	vor.u32 v1, v21;
	v23 =	vor.u32 v3, v21  }
0x19f: {  	v19 =	vshll.u32 v19, $0x7;
	[tilespmem:v29+s25+$0x0] =	vst.idx.msk $0xffff, v16;
	v16 =	vsel vm5, $0x0, v27  }
0x1a0: {  	v24 =	vand.u32 $0x1F80, v19;
	[tilespmem:v18+s25+$0x0] =	vst.idx.msk $0xffff, v16;
	v16 =	vsel vm6, $0x0, v25;
	v18 =	vor.u32 v2, v21  }
0x1a1: {  	v19 =	vor.u32 v4, v21;
	[tilespmem:v17+s25+$0x0] =	vst.idx.msk $0xffff, v16;
	v17 =	vsel vm7, $0x0, v28;
	v16 =	vor.u32 v14, v24  }
0x1a2: {  	[tilespmem:v20+s25+$0x0] =	vst.idx.msk $0xffff, v17;
	v20 =	vor.u32 v5, v21  }
0x1a3: {  	v26 =	vor.u32 v6, v21;
	v25 =	vld.idx.msk [tilespmem:v23+s16+$0x0], $0xffff  }
0x1a4: {  	v29 =	vor.u32 v7, v21;
	v27 =	vld.idx.msk [tilespmem:v22+s16+$0x0], $0xffff  }
0x1a5: {  	v21 =	vor.u32 v8, v21;
	v35 =	vld.idx.msk [tilespmem:v18+s16+$0x0], $0xffff  }
0x1a6: {  	v36 =	vor.u32 v0, v24;
	v17 =	vor.u32 v15, v24;
	v19 =	vld.idx.msk [tilespmem:v19+s16+$0x0], $0xffff  }
.Ltmp3:
0x1a7: {  	v31 =	vor.u32 v9, v24;
	v23 =	vor.u32 v12, v24;
	v22 =	vld.idx.msk [tilespmem:v20+s16+$0x0], $0xffff;
	v20 =	vor.u32 v13, v24;
	(pc) =	sbr.rel @p0 .LBB2_9-.Ltmp3, $4  }
0x1a8: {  	v33 =	vor.u32 v10, v24;
	v32 =	vor.u32 v11, v24;
	v18 =	vadd.s32 s3, v0;
	v26 =	vld.idx.msk [tilespmem:v26+s16+$0x0], $0xffff  }
0x1a9: {  	v28 =	vand.u32 $0x3F, v18;
	v24 =	vshll.u32 v18, $0x7;
	v34 =	vsel vm4, $0x0, v25;
	v29 =	vld.idx.msk [tilespmem:v29+s16+$0x0], $0xffff  }
0x1aa: {  	v18 =	vor.u32 v2, v28;
	v25 =	vor.u32 v1, v28;
	v37 =	vsel vm3, $0x0, v27;
	v30 =	vld.idx.msk [tilespmem:v21+s16+$0x0], $0xffff  }
0x1ab: {  	v27 =	vor.u32 v3, v28;
	v21 =	vor.u32 v4, v28;
	v35 =	vsel vm2, $0x0, v35;
	[tilespmem:v36+s25+$0x0] =	vst.idx.msk $0xffff, v37  }
0x1ac: {  	_ =	sdelay $0x3  }
0x1ad: {  	[tilespmem:v31+s25+$0x0] =	vst.idx.msk $0xffff, v35  }
0x1ae: {  	v19 =	vsel vm1, $0x0, v19;
	[tilespmem:v33+s25+$0x0] =	vst.idx.msk $0xffff, v34  }
0x1af: {  	v33 =	vsel vm0, $0x0, v22;
	[tilespmem:v32+s25+$0x0] =	vst.idx.msk $0xffff, v19  }
0x1b0: {  	v34 =	vsel vm5, $0x0, v26;
	[tilespmem:v23+s25+$0x0] =	vst.idx.msk $0xffff, v33  }
0x1b1: {  	v35 =	vsel vm6, $0x0, v29;
	[tilespmem:v20+s25+$0x0] =	vst.idx.msk $0xffff, v34  }
0x1b2: {  	[tilespmem:v16+s25+$0x0] =	vst.idx.msk $0xffff, v35;
	v16 =	vsel vm7, $0x0, v30  }
0x1b3: {  	v36 =	vor.u32 v7, v28;
	[tilespmem:v17+s25+$0x0] =	vst.idx.msk $0xffff, v16  }
0x1b4: {  	v16 =	vor.u32 v5, v28;
	v17 =	vld.idx.msk [tilespmem:v25+s16+$0x0], $0xffff  }
0x1b5: {  	v37 =	vor.u32 v6, v28;
	v24 =	vand.u32 $0x1F80, v24;
	v38 =	vld.idx.msk [tilespmem:v27+s16+$0x0], $0xffff  }
0x1b6: {  	v39 =	vor.u32 v8, v28;
	v40 =	vor.u32 v0, v24;
	v18 =	vld.idx.msk [tilespmem:v18+s16+$0x0], $0xffff  }
0x1b7: {  	v41 =	vor.u32 v9, v24;
	v21 =	vld.idx.msk [tilespmem:v21+s16+$0x0], $0xffff  }
0x1b8: {  	v42 =	vor.u32 v10, v24;
	v19 =	vld.idx.msk [tilespmem:v36+s16+$0x0], $0xffff  }
0x1b9: {  	v43 =	vor.u32 v11, v24;
	v16 =	vld.idx.msk [tilespmem:v16+s16+$0x0], $0xffff  }
0x1ba: {  	v44 =	vor.u32 v12, v24;
	v20 =	vld.idx.msk [tilespmem:v37+s16+$0x0], $0xffff;
	v17 =	vsel vm3, $0x0, v17  }
0x1bb: {  	s3 =	sadd.s32 $0x1, s3;
	v45 =	vor.u32 v13, v24;
	v23 =	vld.idx.msk [tilespmem:v39+s16+$0x0], $0xffff;
	[tilespmem:v40+s25+$0x0] =	vst.idx.msk $0xffff, v17;
	v17 =	vsel vm2, $0x0, v18  }
0x1bc: {  	v46 =	vor.u32 v14, v24;
	v47 =	vadd.s32 s3, v0;
	[tilespmem:v41+s25+$0x0] =	vst.idx.msk $0xffff, v17;
	v17 =	vsel vm4, $0x0, v38  }
0x1bd: {  	v48 =	vor.u32 v15, v24;
	v49 =	vand.u32 $0x3F, v47;
	[tilespmem:v42+s25+$0x0] =	vst.idx.msk $0xffff, v17;
	v17 =	vsel vm1, $0x0, v21  }
0x1be: {  	[tilespmem:v43+s25+$0x0] =	vst.idx.msk $0xffff, v17;
	v16 =	vsel vm0, $0x0, v16;
	v17 =	vor.u32 v3, v49  }
0x1bf: {  	v50 =	vor.u32 v1, v49;
	[tilespmem:v44+s25+$0x0] =	vst.idx.msk $0xffff, v16;
	v16 =	vsel vm5, $0x0, v20  }
0x1c0: {  	v51 =	vor.u32 v2, v49;
	[tilespmem:v45+s25+$0x0] =	vst.idx.msk $0xffff, v16;
	v16 =	vsel vm6, $0x0, v19  }
0x1c1: {  	v52 =	vor.u32 v4, v49;
	[tilespmem:v46+s25+$0x0] =	vst.idx.msk $0xffff, v16;
	v16 =	vsel vm7, $0x0, v23  }
0x1c2: {  	v53 =	vor.u32 v6, v49;
	[tilespmem:v48+s25+$0x0] =	vst.idx.msk $0xffff, v16  }
0x1c3: {  	v54 =	vshll.u32 v47, $0x7;
	v16 =	vor.u32 v5, v49;
	v17 =	vld.idx.msk [tilespmem:v17+s16+$0x0], $0xffff  }
0x1c4: {  	v55 =	vor.u32 v7, v49;
	v21 =	vand.u32 $0x1F80, v54;
	v22 =	vld.idx.msk [tilespmem:v50+s16+$0x0], $0xffff  }
0x1c5: {  	v24 =	vor.u32 v8, v49;
	v56 =	vor.u32 v0, v21;
	v18 =	vld.idx.msk [tilespmem:v51+s16+$0x0], $0xffff  }
0x1c6: {  	v57 =	vor.u32 v9, v21;
	v19 =	vld.idx.msk [tilespmem:v52+s16+$0x0], $0xffff  }
0x1c7: {  	v58 =	vor.u32 v10, v21;
	v20 =	vld.idx.msk [tilespmem:v53+s16+$0x0], $0xffff  }
0x1c8: {  	v59 =	vor.u32 v11, v21;
	v16 =	vld.idx.msk [tilespmem:v16+s16+$0x0], $0xffff  }
0x1c9: {  	v60 =	vor.u32 v12, v21;
	v23 =	vld.idx.msk [tilespmem:v55+s16+$0x0], $0xffff;
	v22 =	vsel vm3, $0x0, v22  }
0x1ca: {  	v61 =	vor.u32 v13, v21;
	v24 =	vld.idx.msk [tilespmem:v24+s16+$0x0], $0xffff;
	v18 =	vsel vm2, $0x0, v18;
	[tilespmem:v56+s25+$0x0] =	vst.idx.msk $0xffff, v22  }
0x1cb: {  	v62 =	vor.u32 v14, v21;
	v17 =	vsel vm4, $0x0, v17;
	[tilespmem:v57+s25+$0x0] =	vst.idx.msk $0xffff, v18  }
0x1cc: {  	s0 =	sadd.s32 $0x1, s0;
	v63 =	vor.u32 v15, v21;
	[tilespmem:v58+s25+$0x0] =	vst.idx.msk $0xffff, v17;
	v17 =	vsel vm1, $0x0, v19  }
0x1cd: {  	p0 =	sne.s32 s0, $0x32;
	[tilespmem:v59+s25+$0x0] =	vst.idx.msk $0xffff, v17;
	v16 =	vsel vm0, $0x0, v16  }
.Ltmp4:
0x1ce: {  	s1 =	sshll.u32 s1, $0x12;
	[tilespmem:v60+s25+$0x0] =	vst.idx.msk $0xffff, v16;
	v16 =	vsel vm5, $0x0, v20;
	(pc) =	sbr.rel @p0 .LBB2_2-.Ltmp4, $4  }
0x1cf: {  	s1 =	sor.u32 s6, s1;
	[tilespmem:v61+s25+$0x0] =	vst.idx.msk $0xffff, v16;
	v16 =	vsel vm6, $0x0, v23  }
0x1d0: {  	s1 =	sshrl.u32 s1, $0x3;
	[tilespmem:v62+s25+$0x0] =	vst.idx.msk $0xffff, v16;
	v16 =	vsel vm7, $0x0, v24  }
0x1d1: {  	s1 =	sadd.s32 s2, s1;
	[tilespmem:v63+s25+$0x0] =	vst.idx.msk $0xffff, v16  }
0x1d2: {  	[hbm4b:s1+s18] =	stream.strided.scatter [tilespmem:s25], [sflag:$0x8], $0x2000, s19, s18, $0x38;
	[tilespmem:$0x16400] =	vst v63  }
0x1d3: {  	s0 =	simm.s32 $0x5  }
0x1d4: {  	_ =	swait.ge [sflag:s0], $0x2000  }
0x1d5: {  	[sflag:s0] =	ssyncset.done $0x0  }
0x1d6: {  	[sflag:s0] =	ssyncadd.s32 $0xFFFFE000  }
0x1d7: {  	_ =	swait.ge [sflag:s28], $0x2000  }
0x1d8: {  	[sflag:s28] =	ssyncset.done $0x0  }
0x1d9: {  	[sflag:s28] =	ssyncadd.s32 $0xFFFFE000  }
0x1da: {  	_ =	swait.ge [sflag:s29], $0x2000  }
0x1db: {  	[sflag:s29] =	ssyncset.done $0x0  }
0x1dc: {  	[sflag:s29] =	ssyncadd.s32 $0xFFFFE000  }
0x1dd: {  	_ =	swait.ge [sflag:s30], $0x2000  }
0x1de: {  	s1 =	rddreg [dreg:$0x5]  }
0x1df: {  	s31 =	rddreg [dreg:$0x4];
	s1 =	sadd.s32 $0x1, s1  }
0x1e0: {  	p0 =	sne.s32 s1, s31  }
.Ltmp5:
0x1e1: {  	_ = 	snop;
	(pc) =	sbr.rel @p0 .LBB2_1-.Ltmp5, $3  }
0x1e2: {  	_ =	sdelay $0x1  }
0x1e3: {  	[sflag:s30] =	ssyncset.done $0x0  }
0x1e4: {  	[sflag:s30] =	ssyncadd.s32 $0xFFFFE000  }
0x1e5: {  	_ =	sfence.sel $0x180000  }
0x1e6: {  	[bflag:$0x0] =	sbarrier.arrive $0xFFFF  }
0x1e7: {  	_ =	strace $0x90000047  }
0x1e8: {  	s0 =	stileid.u32;
	[bflag:$0x2] =	sbarrier.arrive $0xFFFF  }
0x1e9: {  	p0 =	sne.s32 s0, $0x0;
	s0 =	rddreg [dreg:$0x2]  }
0x1ea: {  	s0 =	sadd.s32 @!p0 $0x100000, s0  }
0x1eb: {  	[sflag:s0] =	ssyncadd.tile.s32 @!p0 $0x1;
	_ =	shalt  }
.Lfunc_end2:
_tile_overlayer_lowered:
.L_overlay_start_2:
0x1ec: {  	(tag) =	ssettag $0x2  }
0x1ed: {  	s0 =	rddreg [dreg:$0x0];
	s2 =	stileid.u32  }
0x1ee: {  	s1 =	rddreg [dreg:$0x1];
	p0 =	sne.s32 s2, $0x0  }
0x1ef: {  	s3 =	rddreg [dreg:$0x2];
	[bflag:$0x3] =	sbarrier.arrive $0xFFFF;
	s2 =	simm.s32 @!p0 $0x1C09  }
0x1f0: {  	[timem:s3], [sflag:s2] =	dma.local @!p0 [hbm:s0], s1  }
0x1f1: {  	s0 =	simm.s32 @!p0 $0x9  }
0x1f2: {  	_ =	swait.ge @!p0 [sflag:s0], s1  }
0x1f3: {  	s1 =	ssub.s32 @!p0 $0x0, s1;
	[sflag:s0] =	ssyncset.done @!p0 $0x0  }
0x1f4: {  	[sflag:s0] =	ssyncadd.s32 @!p0 s1  }
0x1f5: {  	[bflag:$0x3] =	sbarrier.arrive $0xFFFF  }
0x1f6: {  	_ =	shalt  }

</sc_bundles>
